<compile_context>
chip_gen: v7x
topology: tpu7x:2x2x1
jax: 0.10.2.dev20260603
libtpu: 0.0.44.dev20260713+nightly
codegen_flags: <defaults>
</compile_context>

<pallas_src>
import functools

import jax
import jax.numpy as jnp
from jax import lax
from jax.experimental import pallas as pl
from jax.experimental.pallas import tpu as pltpu
from jax.experimental.pallas import tpu_sc as plsc

N = 10000
E = 320000
D = 128
DH = D // 2

NC = 2
NS = 16
NW = NC * NS
PER_W = E // NW
CH = 125
NCHUNK = PER_W // CH
PER_S = E // NS
NCHUNK2 = PER_S // CH
NP8 = 10240
RPT = NP8 // NS
ZR = 128
HL = 16

_mesh = plsc.VectorSubcoreMesh(core_axis_name="c", subcore_axis_name="s")


@functools.partial(
    pl.kernel,
    out_type=jax.ShapeDtypeStruct((NC, NP8, HL), jnp.float32),
    mesh=_mesh,
    scratch_types=[
        pltpu.VMEM((NCHUNK, CH), jnp.int32),
        pltpu.VMEM((CH, HL), jnp.float32),
        pltpu.VMEM((RPT, HL), jnp.float32),
        pltpu.VMEM_SHARED((NP8, HL), jnp.float32),
        pltpu.SemaphoreType.DMA,
    ],
    compiler_params=pltpu.CompilerParams(use_tc_tiling_on_sc=False),
)
def _deg_sc(row_hbm, hist_hbm, idx_v, ones_v, zbuf, hist_sh, sem):
    c = lax.axis_index("c")
    s = lax.axis_index("s")
    w = c * NS + s

    one16 = jnp.full((HL,), 1.0, jnp.float32)
    zero16 = jnp.zeros((HL,), jnp.float32)

    @pl.loop(0, CH)
    def _(i):
        ones_v[i] = one16

    @pl.loop(0, RPT)
    def _(i):
        zbuf[i] = zero16

    pltpu.sync_copy(zbuf, hist_sh.at[pl.ds(s * RPT, RPT)])
    plsc.subcore_barrier()

    pltpu.sync_copy(row_hbm.at[w], idx_v)

    @pl.loop(0, NCHUNK)
    def _(ci):
        pltpu.async_copy(ones_v, hist_sh.at[idx_v.at[ci]], sem, add=True)

    @pl.loop(0, NCHUNK)
    def _(ci):
        pltpu.make_async_copy(ones_v, hist_sh.at[idx_v.at[0]], sem).wait()

    plsc.subcore_barrier()
    pltpu.sync_copy(hist_sh.at[pl.ds(s * RPT, RPT)],
                    hist_hbm.at[c].at[pl.ds(s * RPT, RPT)])



@functools.partial(
    pl.kernel,
    out_type=jax.ShapeDtypeStruct((NC, NP8, DH), jnp.float32),
    mesh=_mesh,
    scratch_types=[
        pltpu.VMEM((NCHUNK2, CH), jnp.int32),
        pltpu.VMEM((NCHUNK2, CH), jnp.int32),
        pltpu.VMEM((CH, DH), jnp.float32),
        pltpu.VMEM((CH, DH), jnp.float32),
        pltpu.VMEM((CH, DH), jnp.float32),
        pltpu.VMEM((CH, DH), jnp.float32),
        pltpu.VMEM((ZR, DH), jnp.float32),
        pltpu.VMEM_SHARED((NP8, DH), jnp.float32),
        pltpu.SemaphoreType.DMA,
        pltpu.SemaphoreType.DMA,
        pltpu.SemaphoreType.DMA,
        pltpu.SemaphoreType.DMA,
        pltpu.SemaphoreType.DMA,
        pltpu.SemaphoreType.DMA,
        pltpu.SemaphoreType.DMA,
        pltpu.SemaphoreType.DMA,
    ],
    compiler_params=pltpu.CompilerParams(use_tc_tiling_on_sc=False),
)
def _spmm_sc(yl_hbm, yr_hbm, col_hbm, row_hbm, out_hbm, colv, rowv,
             b0, b1, b2, b3, zbuf, accum, g0, g1, g2, g3, s0, s1, s2, s3):
    bufs = (b0, b1, b2, b3)
    gsems = (g0, g1, g2, g3)
    ssems = (s0, s1, s2, s3)
    c = lax.axis_index("c")
    s = lax.axis_index("s")

    zero16 = jnp.zeros((16,), jnp.float32)

    @pl.loop(0, ZR)
    def _(i):
        @pl.loop(0, DH // 16)
        def _(j):
            zbuf[i, pl.ds(j * 16, 16)] = zero16

    @pl.loop(0, RPT // ZR)
    def _(k):
        pltpu.async_copy(zbuf, accum.at[pl.ds(s * RPT + k * ZR, ZR)], g0)

    @pl.loop(0, RPT // ZR)
    def _(k):
        pltpu.make_async_copy(zbuf, accum.at[pl.ds(0, ZR)], g0).wait()

    plsc.subcore_barrier()

    pltpu.sync_copy(col_hbm.at[s], colv)
    pltpu.sync_copy(row_hbm.at[s], rowv)

    def run(y_hbm):
        for b in range(4):
            pltpu.async_copy(y_hbm.at[colv.at[b]], bufs[b], gsems[b])

        @pl.loop(0, NCHUNK2 // 4)
        def _(k):
            c_base = 4 * k
            for b in range(4):
                @pl.when(c_base + b < NCHUNK2)
                def _(b=b):
                    ci = c_base + b
                    pltpu.make_async_copy(y_hbm.at[colv.at[ci]], bufs[b],
                                          gsems[b]).wait()
                    pltpu.async_copy(bufs[b], accum.at[rowv.at[ci]], ssems[b],
                                     add=True)
            for b in range(4):
                @pl.when(c_base + b + 4 < NCHUNK2)
                def _(b=b):
                    ci = c_base + b + 4
                    pltpu.make_async_copy(bufs[b], accum.at[rowv.at[0]],
                                          ssems[b]).wait()
                    pltpu.async_copy(y_hbm.at[colv.at[ci]], bufs[b], gsems[b])

        for b in range(4):
            pltpu.make_async_copy(bufs[b], accum.at[rowv.at[0]], ssems[b]).wait()

    @pl.when(c == 0)
    def _():
        run(yl_hbm)

    @pl.when(c == 1)
    def _():
        run(yr_hbm)

    plsc.subcore_barrier()

    @pl.loop(0, RPT // ZR)
    def _(k):
        pltpu.async_copy(accum.at[pl.ds(s * RPT + k * ZR, ZR)],
                         out_hbm.at[c].at[pl.ds(s * RPT + k * ZR, ZR)], g0)

    @pl.loop(0, RPT // ZR)
    def _(k):
        pltpu.make_async_copy(accum.at[pl.ds(0, ZR)],
                              out_hbm.at[c].at[pl.ds(0, ZR)], g0).wait()


BLK = 2000


def _stage_a_body(hist_ref, x_ref, yl_ref, yr_ref, dinv_ref):
    deg = 1.0 + hist_ref[0, :, 0:1] + hist_ref[1, :, 0:1]
    dinv = lax.rsqrt(deg)
    y = x_ref[...] * dinv
    yl_ref[...] = y[:, :DH]
    yr_ref[...] = y[:, DH:]
    dinv_ref[...] = dinv


_stage_a = pl.pallas_call(
    _stage_a_body,
    grid=(N // BLK,),
    in_specs=[
        pl.BlockSpec((NC, BLK, HL), lambda i: (0, i, 0)),
        pl.BlockSpec((BLK, D), lambda i: (i, 0)),
    ],
    out_specs=[
        pl.BlockSpec((BLK, DH), lambda i: (i, 0)),
        pl.BlockSpec((BLK, DH), lambda i: (i, 0)),
        pl.BlockSpec((BLK, 1), lambda i: (i, 0)),
    ],
    out_shape=[
        jax.ShapeDtypeStruct((N, DH), jnp.float32),
        jax.ShapeDtypeStruct((N, DH), jnp.float32),
        jax.ShapeDtypeStruct((N, 1), jnp.float32),
    ],
)


def _stage_b_body(yl_ref, yr_ref, p_ref, dinv_ref, w1_ref, b1_ref,
                  y2l_ref, y2r_ref):
    zl = yl_ref[...] + p_ref[0]
    zr = yr_ref[...] + p_ref[1]
    u = jnp.concatenate([zl, zr], axis=1) * dinv_ref[...]
    h = lax.dot_general(u, w1_ref[...], (((1,), (1,)), ((), ())),
                        preferred_element_type=jnp.float32)
    h = jax.nn.gelu(h + b1_ref[...]) * dinv_ref[...]
    y2l_ref[...] = h[:, :DH]
    y2r_ref[...] = h[:, DH:]


_stage_b = pl.pallas_call(
    _stage_b_body,
    grid=(N // BLK,),
    in_specs=[
        pl.BlockSpec((BLK, DH), lambda i: (i, 0)),
        pl.BlockSpec((BLK, DH), lambda i: (i, 0)),
        pl.BlockSpec((NC, BLK, DH), lambda i: (0, i, 0)),
        pl.BlockSpec((BLK, 1), lambda i: (i, 0)),
        pl.BlockSpec((D, D), lambda i: (0, 0)),
        pl.BlockSpec((1, D), lambda i: (0, 0)),
    ],
    out_specs=[
        pl.BlockSpec((BLK, DH), lambda i: (i, 0)),
        pl.BlockSpec((BLK, DH), lambda i: (i, 0)),
    ],
    out_shape=[
        jax.ShapeDtypeStruct((N, DH), jnp.float32),
        jax.ShapeDtypeStruct((N, DH), jnp.float32),
    ],
)


def _stage_c_body(yl_ref, yr_ref, q_ref, dinv_ref, w2_ref, b2_ref,
                  out_ref):
    zl = yl_ref[...] + q_ref[0]
    zr = yr_ref[...] + q_ref[1]
    u = jnp.concatenate([zl, zr], axis=1) * dinv_ref[...]
    o = lax.dot_general(u, w2_ref[...], (((1,), (1,)), ((), ())),
                        preferred_element_type=jnp.float32)
    out_ref[...] = o + b2_ref[...]


_stage_c = pl.pallas_call(
    _stage_c_body,
    grid=(N // BLK,),
    in_specs=[
        pl.BlockSpec((BLK, DH), lambda i: (i, 0)),
        pl.BlockSpec((BLK, DH), lambda i: (i, 0)),
        pl.BlockSpec((NC, BLK, DH), lambda i: (0, i, 0)),
        pl.BlockSpec((BLK, 1), lambda i: (i, 0)),
        pl.BlockSpec((D, D), lambda i: (0, 0)),
        pl.BlockSpec((1, D), lambda i: (0, 0)),
    ],
    out_specs=pl.BlockSpec((BLK, D), lambda i: (i, 0)),
    out_shape=jax.ShapeDtypeStruct((N, D), jnp.float32),
)


def kernel(X, edge_index, W1, b1, W2, b2):
    row3 = edge_index[0].reshape(NW, NCHUNK, CH)
    row3s = edge_index[0].reshape(NS, NCHUNK2, CH)
    col3s = edge_index[1].reshape(NS, NCHUNK2, CH)
    b1r = b1.reshape(1, D)
    b2r = b2.reshape(1, D)

    hist = _deg_sc(row3)
    y1l, y1r, dinv = _stage_a(hist, X)
    p = _spmm_sc(y1l, y1r, col3s, row3s)
    y2l, y2r = _stage_b(y1l, y1r, p, dinv, W1, b1r)
    q = _spmm_sc(y2l, y2r, col3s, row3s)
    out = _stage_c(y2l, y2r, q, dinv, W2, b2r)
    return out

# --- scband reference (transcript-rebuilt; emitter-appended) ---
"""Pipeline reference for scband-gcn-25847113187633 (READ-ONLY COPY).

The authoritative reference and input builder live on the scoring server;
editing this copy changes nothing except your own understanding.
"""

import jax, jax.numpy as jnp
import numpy as np

N = 10000
E = 320000
D = 128


def setup_inputs(seed: int = 0) -> dict:
    key = jax.random.key(seed)
    k1, k2, k3, k4 = jax.random.split(key, 4)
    X = jax.random.normal(k1, (N, D), dtype=jnp.float32)
    edge_index = jax.random.randint(k2, (2, E), 0, N, dtype=jnp.int32)
    W1 = jax.random.normal(k3, (D, D), dtype=jnp.float32) / jnp.sqrt(D)
    b1 = jnp.zeros((D,), dtype=jnp.float32)
    W2 = jax.random.normal(k4, (D, D), dtype=jnp.float32) / jnp.sqrt(D)
    b2 = jnp.zeros((D,), dtype=jnp.float32)
    return {"X": X, "edge_index": edge_index, "W1": W1, "b1": b1, "W2": W2, "b2": b2}


def _normalized_adj(edge_index):
    # A' = D^{-1/2} (I + A) D^{-1/2}, COO representation with self-loops prepended
    loop = jnp.arange(N, dtype=edge_index.dtype)
    row = jnp.concatenate([loop, edge_index[0]])
    col = jnp.concatenate([loop, edge_index[1]])
    vals = jnp.ones((N + E,), dtype=jnp.float32)
    deg = jax.ops.segment_sum(vals, row, num_segments=N)
    norm_vals = vals * (1.0 / jnp.sqrt(deg[row])) * (1.0 / jnp.sqrt(deg[col]))
    return row, col, norm_vals


def _spmm(row, col, vals, X):
    # (S @ X): gather rows of X by col, scale by edge values, scatter-add into row
    msgs = vals[:, None] * jnp.take(X, col, axis=0)
    return jax.ops.segment_sum(msgs, row, num_segments=N)


def reference(X, edge_index, W1, b1, W2, b2):
    row, col, nv = _normalized_adj(edge_index)
    H = _spmm(row, col, nv, X)
    H = H @ W1.T + b1
    H = jax.nn.gelu(H)
    H = _spmm(row, col, nv, H)
    H = H @ W2.T + b2
    # final_non_linearity is identity
    return H

if __name__ == "__main__":
    import jax
    _d = setup_inputs()
    print(jax.jit(kernel)(*tuple(_d.values())))

</pallas_src>

<mosaic_0001>
#map = affine_map<(d0, d1) -> (0, 0)>
#map1 = affine_map<(d0, d1) -> (0, 0, 0)>
module attributes {stable_mosaic.version = 14 : i64} {
  func.func @_spmm_sc(%arg0: i32, %arg1: i32, %arg2: memref<10000x64xf32, #tpu.memory_space<hbm>>, %arg3: memref<10000x64xf32, #tpu.memory_space<hbm>>, %arg4: memref<16x160x125xi32, #tpu.memory_space<hbm>>, %arg5: memref<16x160x125xi32, #tpu.memory_space<hbm>>, %arg6: memref<2x10240x64xf32, #tpu.memory_space<hbm>>, %arg7: memref<160x125xi32, #tpu.memory_space<vmem>>, %arg8: memref<160x125xi32, #tpu.memory_space<vmem>>, %arg9: memref<125x64xf32, #tpu.memory_space<vmem>>, %arg10: memref<125x64xf32, #tpu.memory_space<vmem>>, %arg11: memref<125x64xf32, #tpu.memory_space<vmem>>, %arg12: memref<125x64xf32, #tpu.memory_space<vmem>>, %arg13: memref<128x64xf32, #tpu.memory_space<vmem>>, %arg14: memref<10240x64xf32, #tpu.memory_space<vmem_shared>>, %arg15: memref<!tpu.dma_semaphore, #tpu.memory_space<semaphore_mem>>, %arg16: memref<!tpu.dma_semaphore, #tpu.memory_space<semaphore_mem>>, %arg17: memref<!tpu.dma_semaphore, #tpu.memory_space<semaphore_mem>>, %arg18: memref<!tpu.dma_semaphore, #tpu.memory_space<semaphore_mem>>, %arg19: memref<!tpu.dma_semaphore, #tpu.memory_space<semaphore_mem>>, %arg20: memref<!tpu.dma_semaphore, #tpu.memory_space<semaphore_mem>>, %arg21: memref<!tpu.dma_semaphore, #tpu.memory_space<semaphore_mem>>, %arg22: memref<!tpu.dma_semaphore, #tpu.memory_space<semaphore_mem>>) attributes {dimension_semantics = [#tpu.dimension_semantics<core_parallel>, #tpu.dimension_semantics<subcore_parallel>], iteration_bounds = array<i64: 2, 16>, scalar_prefetch = 0 : i64, scratch_operands = 16 : i64, tpu.core_type = #tpu.core_type<sc_vector_subcore>, window_params = [{transform_indices = #map}, {transform_indices = #map}, {transform_indices = #map1}, {transform_indices = #map1}, {transform_indices = #map1}]} {
    %broadcast_in_dim3A = arith.constant 0.000000e+00 : f32
    %broadcast_in_dim3A_0 = vector.broadcast %broadcast_in_dim3A : f32 to vector<16xf32>
    %scan3A = arith.constant 0 : i32
    %scan3A_1 = arith.constant 128 : i32
    %scan3A_2 = arith.addi %scan3A, %scan3A_1 : i32
    %scan3A_3 = arith.constant 1 : i32
    scf.for %scan3A_33 = %scan3A to %scan3A_2 step %scan3A_3  : i32 {
      %mul3A = arith.constant 1 : i32
      %mul3A_34 = arith.muli %scan3A_33, %mul3A : i32
      %add3A = arith.constant 0 : i32
      %add3A_35 = arith.addi %add3A, %mul3A_34 : i32
      %scan3A_36 = arith.constant 0 : i32
      %scan3A_37 = arith.constant 4 : i32
      %scan3A_38 = arith.addi %scan3A_36, %scan3A_37 : i32
      %scan3A_39 = arith.constant 1 : i32
      scf.for %scan3A_41 = %scan3A_36 to %scan3A_38 step %scan3A_39  : i32 {
        %mul3A_42 = arith.constant 1 : i32
        %mul3A_43 = arith.muli %scan3A_41, %mul3A_42 : i32
        %add3A_44 = arith.constant 0 : i32
        %add3A_45 = arith.addi %add3A_44, %mul3A_43 : i32
        %mul3A_46 = arith.constant 16 : i32
        %mul3A_47 = arith.muli %add3A_45, %mul3A_46 : i32
        %swap3A = arith.index_cast %add3A_35 : i32 to index
        %swap3A_48 = arith.index_cast %mul3A_47 : i32 to index
        %swap3A_49 = tpu.vector_load %arg13[%swap3A, %swap3A_48] {strides = array<i32>} : memref<128x64xf32, #tpu.memory_space<vmem>>, vector<1x16xf32>,
        %swap3A_50 = vector.shape_cast %swap3A_49 : vector<1x16xf32> to vector<16xf32>
        %swap3A_51 = vector.shape_cast %broadcast_in_dim3A_0 : vector<16xf32> to vector<1x16xf32>
        tpu.vector_store %arg13[%swap3A, %swap3A_48], %swap3A_51 {strides = array<i32>} : memref<128x64xf32, #tpu.memory_space<vmem>>, vector<1x16xf32>,
      }
      %scan3A_40 = arith.constant 4 : i32
    }
    %scan3A_4 = arith.constant 128 : i32
    %scan3A_5 = arith.constant 0 : i32
    %scan3A_6 = arith.constant 5 : i32
    %scan3A_7 = arith.addi %scan3A_5, %scan3A_6 : i32
    %scan3A_8 = arith.constant 1 : i32
    scf.for %scan3A_33 = %scan3A_5 to %scan3A_7 step %scan3A_8  : i32 {
      %mul3A = arith.constant 1 : i32
      %mul3A_34 = arith.muli %scan3A_33, %mul3A : i32
      %add3A = arith.constant 0 : i32
      %add3A_35 = arith.addi %add3A, %mul3A_34 : i32
      %mul3A_36 = arith.constant 640 : i32
      %mul3A_37 = arith.muli %arg1, %mul3A_36 : i32
      %mul3A_38 = arith.constant 128 : i32
      %mul3A_39 = arith.muli %add3A_35, %mul3A_38 : i32
      %add3A_40 = arith.addi %mul3A_37, %mul3A_39 : i32
      %dma_start3A = arith.constant 0 : i32
      %dma_start3A_41 = tpu.memref_slice %arg14[%add3A_40, %dma_start3A] : memref<10240x64xf32, #tpu.memory_space<vmem_shared>> -> memref<128x64xf32, #tpu.memory_space<vmem_shared>>
      %dma_start3A_42 = arith.constant 0 : i32
      %dma_start3A_43 = tpu.memref_slice %arg14[%add3A_40, %dma_start3A_42] : memref<10240x64xf32, #tpu.memory_space<vmem_shared>> -> memref<128x64xf32, #tpu.memory_space<vmem_shared>>
      tpu.enqueue_dma source(%arg13 : memref<128x64xf32, #tpu.memory_space<vmem>>) target(%dma_start3A_43 : memref<128x64xf32, #tpu.memory_space<vmem_shared>>) target_semaphore(%arg15 : memref<!tpu.dma_semaphore, #tpu.memory_space<semaphore_mem>>)
    }
    %scan3A_9 = arith.constant 5 : i32
    %scan3A_10 = arith.constant 0 : i32
    %scan3A_11 = arith.constant 5 : i32
    %scan3A_12 = arith.addi %scan3A_10, %scan3A_11 : i32
    %scan3A_13 = arith.constant 1 : i32
    scf.for %scan3A_33 = %scan3A_10 to %scan3A_12 step %scan3A_13  : i32 {
      %mul3A = arith.constant 1 : i32
      %mul3A_34 = arith.muli %scan3A_33, %mul3A : i32
      %add3A = arith.constant 0 : i32
      %add3A_35 = arith.addi %add3A, %mul3A_34 : i32
      %dma_wait3A = arith.constant 0 : i32
      %dma_wait3A_36 = arith.constant 0 : i32
      %dma_wait3A_37 = tpu.memref_slice %arg14[%dma_wait3A, %dma_wait3A_36] : memref<10240x64xf32, #tpu.memory_space<vmem_shared>> -> memref<128x64xf32, #tpu.memory_space<vmem_shared>>
      %dma_wait3A_38 = arith.constant 0 : i32
      %dma_wait3A_39 = arith.constant 0 : i32
      %dma_wait3A_40 = tpu.memref_slice %arg14[%dma_wait3A_38, %dma_wait3A_39] : memref<10240x64xf32, #tpu.memory_space<vmem_shared>> -> memref<128x64xf32, #tpu.memory_space<vmem_shared>>
      tpu.wait_dma2 semaphore(%arg15 : memref<!tpu.dma_semaphore, #tpu.memory_space<semaphore_mem>>) src(%arg13 : memref<128x64xf32, #tpu.memory_space<vmem>>) dst(%dma_wait3A_40 : memref<128x64xf32, #tpu.memory_space<vmem_shared>>)
    }
    %scan3A_14 = arith.constant 5 : i32
    %barrier3A = arith.constant 0 : index
    tpu.barrier barrier_id(%barrier3A)
    "tpu.region"() ({
      %run_scoped3A = tpu.sem_alloc : memref<!tpu.dma_semaphore, #tpu.memory_space<semaphore_mem>>
      %dma_start3A = arith.constant 0 : i32
      %dma_start3A_33 = arith.constant 0 : i32
      %dma_start3A_34 = tpu.memref_slice %arg4[%arg1, %dma_start3A, %dma_start3A_33] : memref<16x160x125xi32, #tpu.memory_space<hbm>> -> memref<1x160x125xi32, #tpu.memory_space<hbm>>
      %dma_start3A_35 = tpu.memref_squeeze %dma_start3A_34 : memref<1x160x125xi32, #tpu.memory_space<hbm>> -> memref<160x125xi32, #tpu.memory_space<hbm>>
      %dma_start3A_36 = arith.constant 0 : i32
      %dma_start3A_37 = arith.constant 0 : i32
      %dma_start3A_38 = tpu.memref_slice %arg4[%arg1, %dma_start3A_36, %dma_start3A_37] : memref<16x160x125xi32, #tpu.memory_space<hbm>> -> memref<1x160x125xi32, #tpu.memory_space<hbm>>
      %dma_start3A_39 = tpu.memref_squeeze %dma_start3A_38 : memref<1x160x125xi32, #tpu.memory_space<hbm>> -> memref<160x125xi32, #tpu.memory_space<hbm>>
      tpu.enqueue_dma source(%dma_start3A_39 : memref<160x125xi32, #tpu.memory_space<hbm>>) target(%arg7 : memref<160x125xi32, #tpu.memory_space<vmem>>) target_semaphore(%run_scoped3A : memref<!tpu.dma_semaphore, #tpu.memory_space<semaphore_mem>>)
      %dma_wait3A = arith.constant 0 : i32
      %dma_wait3A_40 = arith.constant 0 : i32
      %dma_wait3A_41 = tpu.memref_slice %arg4[%arg1, %dma_wait3A, %dma_wait3A_40] : memref<16x160x125xi32, #tpu.memory_space<hbm>> -> memref<1x160x125xi32, #tpu.memory_space<hbm>>
      %dma_wait3A_42 = tpu.memref_squeeze %dma_wait3A_41 : memref<1x160x125xi32, #tpu.memory_space<hbm>> -> memref<160x125xi32, #tpu.memory_space<hbm>>
      %dma_wait3A_43 = arith.constant 0 : i32
      %dma_wait3A_44 = arith.constant 0 : i32
      %dma_wait3A_45 = tpu.memref_slice %arg4[%arg1, %dma_wait3A_43, %dma_wait3A_44] : memref<16x160x125xi32, #tpu.memory_space<hbm>> -> memref<1x160x125xi32, #tpu.memory_space<hbm>>
      %dma_wait3A_46 = tpu.memref_squeeze %dma_wait3A_45 : memref<1x160x125xi32, #tpu.memory_space<hbm>> -> memref<160x125xi32, #tpu.memory_space<hbm>>
      tpu.wait_dma2 semaphore(%run_scoped3A : memref<!tpu.dma_semaphore, #tpu.memory_space<semaphore_mem>>) src(%dma_wait3A_46 : memref<160x125xi32, #tpu.memory_space<hbm>>) dst(%arg7 : memref<160x125xi32, #tpu.memory_space<vmem>>)
      tpu.yield
    }) : () -> ()
    "tpu.region"() ({
      %run_scoped3A = tpu.sem_alloc : memref<!tpu.dma_semaphore, #tpu.memory_space<semaphore_mem>>
      %dma_start3A = arith.constant 0 : i32
      %dma_start3A_33 = arith.constant 0 : i32
      %dma_start3A_34 = tpu.memref_slice %arg5[%arg1, %dma_start3A, %dma_start3A_33] : memref<16x160x125xi32, #tpu.memory_space<hbm>> -> memref<1x160x125xi32, #tpu.memory_space<hbm>>
      %dma_start3A_35 = tpu.memref_squeeze %dma_start3A_34 : memref<1x160x125xi32, #tpu.memory_space<hbm>> -> memref<160x125xi32, #tpu.memory_space<hbm>>
      %dma_start3A_36 = arith.constant 0 : i32
      %dma_start3A_37 = arith.constant 0 : i32
      %dma_start3A_38 = tpu.memref_slice %arg5[%arg1, %dma_start3A_36, %dma_start3A_37] : memref<16x160x125xi32, #tpu.memory_space<hbm>> -> memref<1x160x125xi32, #tpu.memory_space<hbm>>
      %dma_start3A_39 = tpu.memref_squeeze %dma_start3A_38 : memref<1x160x125xi32, #tpu.memory_space<hbm>> -> memref<160x125xi32, #tpu.memory_space<hbm>>
      tpu.enqueue_dma source(%dma_start3A_39 : memref<160x125xi32, #tpu.memory_space<hbm>>) target(%arg8 : memref<160x125xi32, #tpu.memory_space<vmem>>) target_semaphore(%run_scoped3A : memref<!tpu.dma_semaphore, #tpu.memory_space<semaphore_mem>>)
      %dma_wait3A = arith.constant 0 : i32
      %dma_wait3A_40 = arith.constant 0 : i32
      %dma_wait3A_41 = tpu.memref_slice %arg5[%arg1, %dma_wait3A, %dma_wait3A_40] : memref<16x160x125xi32, #tpu.memory_space<hbm>> -> memref<1x160x125xi32, #tpu.memory_space<hbm>>
      %dma_wait3A_42 = tpu.memref_squeeze %dma_wait3A_41 : memref<1x160x125xi32, #tpu.memory_space<hbm>> -> memref<160x125xi32, #tpu.memory_space<hbm>>
      %dma_wait3A_43 = arith.constant 0 : i32
      %dma_wait3A_44 = arith.constant 0 : i32
      %dma_wait3A_45 = tpu.memref_slice %arg5[%arg1, %dma_wait3A_43, %dma_wait3A_44] : memref<16x160x125xi32, #tpu.memory_space<hbm>> -> memref<1x160x125xi32, #tpu.memory_space<hbm>>
      %dma_wait3A_46 = tpu.memref_squeeze %dma_wait3A_45 : memref<1x160x125xi32, #tpu.memory_space<hbm>> -> memref<160x125xi32, #tpu.memory_space<hbm>>
      tpu.wait_dma2 semaphore(%run_scoped3A : memref<!tpu.dma_semaphore, #tpu.memory_space<semaphore_mem>>) src(%dma_wait3A_46 : memref<160x125xi32, #tpu.memory_space<hbm>>) dst(%arg8 : memref<160x125xi32, #tpu.memory_space<vmem>>)
      tpu.yield
    }) : () -> ()
    %eq3A = arith.constant 0 : i32
    %eq3A_15 = arith.cmpi eq, %arg0, %eq3A : i32
    %convert_element_type3A = arith.extui %eq3A_15 : i1 to i32
    %cond3A = arith.constant 0 : i32
    %cond3A_16 = arith.cmpi ne, %convert_element_type3A, %cond3A : i32
    scf.if %cond3A_16 {
      %dma_start3A = arith.constant 0 : i32
      %dma_start3A_33 = arith.constant 0 : i32
      %dma_start3A_34 = tpu.memref_slice %arg7[%dma_start3A, %dma_start3A_33] : memref<160x125xi32, #tpu.memory_space<vmem>> -> memref<1x125xi32, #tpu.memory_space<vmem>>
      %dma_start3A_35 = tpu.memref_squeeze %dma_start3A_34 : memref<1x125xi32, #tpu.memory_space<vmem>> -> memref<125xi32, #tpu.memory_space<vmem>>
      %dma_start3A_36 = arith.constant 0 : i32
      %dma_start3A_37 = arith.constant 0 : i32
      %dma_start3A_38 = tpu.memref_slice %arg2[%dma_start3A_36, %dma_start3A_37] : memref<10000x64xf32, #tpu.memory_space<hbm>> -> memref<10000x64xf32, #tpu.memory_space<hbm>>
      tpu.enqueue_indirect_dma source(%dma_start3A_38 : memref<10000x64xf32, #tpu.memory_space<hbm>>) target(%arg9 : memref<125x64xf32, #tpu.memory_space<vmem>>) offsets(%dma_start3A_35 : memref<125xi32, #tpu.memory_space<vmem>>) semaphore(%arg15 : memref<!tpu.dma_semaphore, #tpu.memory_space<semaphore_mem>>)
      %dma_start3A_39 = arith.constant 1 : i32
      %dma_start3A_40 = arith.constant 0 : i32
      %dma_start3A_41 = tpu.memref_slice %arg7[%dma_start3A_39, %dma_start3A_40] : memref<160x125xi32, #tpu.memory_space<vmem>> -> memref<1x125xi32, #tpu.memory_space<vmem>>
      %dma_start3A_42 = tpu.memref_squeeze %dma_start3A_41 : memref<1x125xi32, #tpu.memory_space<vmem>> -> memref<125xi32, #tpu.memory_space<vmem>>
      %dma_start3A_43 = arith.constant 0 : i32
      %dma_start3A_44 = arith.constant 0 : i32
      %dma_start3A_45 = tpu.memref_slice %arg2[%dma_start3A_43, %dma_start3A_44] : memref<10000x64xf32, #tpu.memory_space<hbm>> -> memref<10000x64xf32, #tpu.memory_space<hbm>>
      tpu.enqueue_indirect_dma source(%dma_start3A_45 : memref<10000x64xf32, #tpu.memory_space<hbm>>) target(%arg10 : memref<125x64xf32, #tpu.memory_space<vmem>>) offsets(%dma_start3A_42 : memref<125xi32, #tpu.memory_space<vmem>>) semaphore(%arg16 : memref<!tpu.dma_semaphore, #tpu.memory_space<semaphore_mem>>)
      %dma_start3A_46 = arith.constant 2 : i32
      %dma_start3A_47 = arith.constant 0 : i32
      %dma_start3A_48 = tpu.memref_slice %arg7[%dma_start3A_46, %dma_start3A_47] : memref<160x125xi32, #tpu.memory_space<vmem>> -> memref<1x125xi32, #tpu.memory_space<vmem>>
      %dma_start3A_49 = tpu.memref_squeeze %dma_start3A_48 : memref<1x125xi32, #tpu.memory_space<vmem>> -> memref<125xi32, #tpu.memory_space<vmem>>
      %dma_start3A_50 = arith.constant 0 : i32
      %dma_start3A_51 = arith.constant 0 : i32
      %dma_start3A_52 = tpu.memref_slice %arg2[%dma_start3A_50, %dma_start3A_51] : memref<10000x64xf32, #tpu.memory_space<hbm>> -> memref<10000x64xf32, #tpu.memory_space<hbm>>
      tpu.enqueue_indirect_dma source(%dma_start3A_52 : memref<10000x64xf32, #tpu.memory_space<hbm>>) target(%arg11 : memref<125x64xf32, #tpu.memory_space<vmem>>) offsets(%dma_start3A_49 : memref<125xi32, #tpu.memory_space<vmem>>) semaphore(%arg17 : memref<!tpu.dma_semaphore, #tpu.memory_space<semaphore_mem>>)
      %dma_start3A_53 = arith.constant 3 : i32
      %dma_start3A_54 = arith.constant 0 : i32
      %dma_start3A_55 = tpu.memref_slice %arg7[%dma_start3A_53, %dma_start3A_54] : memref<160x125xi32, #tpu.memory_space<vmem>> -> memref<1x125xi32, #tpu.memory_space<vmem>>
      %dma_start3A_56 = tpu.memref_squeeze %dma_start3A_55 : memref<1x125xi32, #tpu.memory_space<vmem>> -> memref<125xi32, #tpu.memory_space<vmem>>
      %dma_start3A_57 = arith.constant 0 : i32
      %dma_start3A_58 = arith.constant 0 : i32
      %dma_start3A_59 = tpu.memref_slice %arg2[%dma_start3A_57, %dma_start3A_58] : memref<10000x64xf32, #tpu.memory_space<hbm>> -> memref<10000x64xf32, #tpu.memory_space<hbm>>
      tpu.enqueue_indirect_dma source(%dma_start3A_59 : memref<10000x64xf32, #tpu.memory_space<hbm>>) target(%arg12 : memref<125x64xf32, #tpu.memory_space<vmem>>) offsets(%dma_start3A_56 : memref<125xi32, #tpu.memory_space<vmem>>) semaphore(%arg18 : memref<!tpu.dma_semaphore, #tpu.memory_space<semaphore_mem>>)
      %scan3A_60 = arith.constant 0 : i32
      %scan3A_61 = arith.constant 40 : i32
      %scan3A_62 = arith.addi %scan3A_60, %scan3A_61 : i32
      %scan3A_63 = arith.constant 1 : i32
      scf.for %scan3A_92 = %scan3A_60 to %scan3A_62 step %scan3A_63  : i32 {
        %mul3A = arith.constant 1 : i32
        %mul3A_93 = arith.muli %scan3A_92, %mul3A : i32
        %add3A = arith.constant 0 : i32
        %add3A_94 = arith.addi %add3A, %mul3A_93 : i32
        %mul3A_95 = arith.constant 4 : i32
        %mul3A_96 = arith.muli %mul3A_95, %add3A_94 : i32
        %add3A_97 = arith.constant 0 : i32
        %add3A_98 = arith.addi %mul3A_96, %add3A_97 : i32
        %lt3A = arith.constant 160 : i32
        %lt3A_99 = arith.cmpi slt, %add3A_98, %lt3A : i32
        %convert_element_type3A_100 = arith.extui %lt3A_99 : i1 to i32
        %cond3A_101 = arith.constant 0 : i32
        %cond3A_102 = arith.cmpi ne, %convert_element_type3A_100, %cond3A_101 : i32
        scf.if %cond3A_102 {
          %add3A_160 = arith.constant 0 : i32
          %add3A_161 = arith.addi %mul3A_96, %add3A_160 : i32
          %dma_wait3A_162 = arith.constant 0 : i32
          %dma_wait3A_163 = tpu.memref_slice %arg7[%add3A_161, %dma_wait3A_162] : memref<160x125xi32, #tpu.memory_space<vmem>> -> memref<1x125xi32, #tpu.memory_space<vmem>>
          %dma_wait3A_164 = tpu.memref_squeeze %dma_wait3A_163 : memref<1x125xi32, #tpu.memory_space<vmem>> -> memref<125xi32, #tpu.memory_space<vmem>>
          %dma_wait3A_165 = arith.constant 0 : i32
          %dma_wait3A_166 = arith.constant 0 : i32
          %dma_wait3A_167 = tpu.memref_slice %arg2[%dma_wait3A_165, %dma_wait3A_166] : memref<10000x64xf32, #tpu.memory_space<hbm>> -> memref<10000x64xf32, #tpu.memory_space<hbm>>
          tpu.wait_indirect_dma semaphore(%arg15 : memref<!tpu.dma_semaphore, #tpu.memory_space<semaphore_mem>>) src(%dma_wait3A_167 : memref<10000x64xf32, #tpu.memory_space<hbm>>) dst(%arg9 : memref<125x64xf32, #tpu.memory_space<vmem>>)
          %dma_start3A_168 = arith.constant 0 : i32
          %dma_start3A_169 = tpu.memref_slice %arg8[%add3A_161, %dma_start3A_168] : memref<160x125xi32, #tpu.memory_space<vmem>> -> memref<1x125xi32, #tpu.memory_space<vmem>>
          %dma_start3A_170 = tpu.memref_squeeze %dma_start3A_169 : memref<1x125xi32, #tpu.memory_space<vmem>> -> memref<125xi32, #tpu.memory_space<vmem>>
          %dma_start3A_171 = arith.constant 0 : i32
          %dma_start3A_172 = arith.constant 0 : i32
          %dma_start3A_173 = tpu.memref_slice %arg14[%dma_start3A_171, %dma_start3A_172] : memref<10240x64xf32, #tpu.memory_space<vmem_shared>> -> memref<10240x64xf32, #tpu.memory_space<vmem_shared>>
          tpu.enqueue_indirect_dma source(%arg9 : memref<125x64xf32, #tpu.memory_space<vmem>>) target(%dma_start3A_173 : memref<10240x64xf32, #tpu.memory_space<vmem_shared>>) offsets(%dma_start3A_170 : memref<125xi32, #tpu.memory_space<vmem>>) semaphore(%arg19 : memref<!tpu.dma_semaphore, #tpu.memory_space<semaphore_mem>>) {add = true}
        } else {
        }
        %add3A_103 = arith.constant 1 : i32
        %add3A_104 = arith.addi %mul3A_96, %add3A_103 : i32
        %lt3A_105 = arith.constant 160 : i32
        %lt3A_106 = arith.cmpi slt, %add3A_104, %lt3A_105 : i32
        %convert_element_type3A_107 = arith.extui %lt3A_106 : i1 to i32
        %cond3A_108 = arith.constant 0 : i32
        %cond3A_109 = arith.cmpi ne, %convert_element_type3A_107, %cond3A_108 : i32
        scf.if %cond3A_109 {
          %add3A_160 = arith.constant 1 : i32
          %add3A_161 = arith.addi %mul3A_96, %add3A_160 : i32
          %dma_wait3A_162 = arith.constant 0 : i32
          %dma_wait3A_163 = tpu.memref_slice %arg7[%add3A_161, %dma_wait3A_162] : memref<160x125xi32, #tpu.memory_space<vmem>> -> memref<1x125xi32, #tpu.memory_space<vmem>>
          %dma_wait3A_164 = tpu.memref_squeeze %dma_wait3A_163 : memref<1x125xi32, #tpu.memory_space<vmem>> -> memref<125xi32, #tpu.memory_space<vmem>>
          %dma_wait3A_165 = arith.constant 0 : i32
          %dma_wait3A_166 = arith.constant 0 : i32
          %dma_wait3A_167 = tpu.memref_slice %arg2[%dma_wait3A_165, %dma_wait3A_166] : memref<10000x64xf32, #tpu.memory_space<hbm>> -> memref<10000x64xf32, #tpu.memory_space<hbm>>
          tpu.wait_indirect_dma semaphore(%arg16 : memref<!tpu.dma_semaphore, #tpu.memory_space<semaphore_mem>>) src(%dma_wait3A_167 : memref<10000x64xf32, #tpu.memory_space<hbm>>) dst(%arg10 : memref<125x64xf32, #tpu.memory_space<vmem>>)
          %dma_start3A_168 = arith.constant 0 : i32
          %dma_start3A_169 = tpu.memref_slice %arg8[%add3A_161, %dma_start3A_168] : memref<160x125xi32, #tpu.memory_space<vmem>> -> memref<1x125xi32, #tpu.memory_space<vmem>>
          %dma_start3A_170 = tpu.memref_squeeze %dma_start3A_169 : memref<1x125xi32, #tpu.memory_space<vmem>> -> memref<125xi32, #tpu.memory_space<vmem>>
          %dma_start3A_171 = arith.constant 0 : i32
          %dma_start3A_172 = arith.constant 0 : i32
          %dma_start3A_173 = tpu.memref_slice %arg14[%dma_start3A_171, %dma_start3A_172] : memref<10240x64xf32, #tpu.memory_space<vmem_shared>> -> memref<10240x64xf32, #tpu.memory_space<vmem_shared>>
          tpu.enqueue_indirect_dma source(%arg10 : memref<125x64xf32, #tpu.memory_space<vmem>>) target(%dma_start3A_173 : memref<10240x64xf32, #tpu.memory_space<vmem_shared>>) offsets(%dma_start3A_170 : memref<125xi32, #tpu.memory_space<vmem>>) semaphore(%arg20 : memref<!tpu.dma_semaphore, #tpu.memory_space<semaphore_mem>>) {add = true}
        } else {
        }
        %add3A_110 = arith.constant 2 : i32
        %add3A_111 = arith.addi %mul3A_96, %add3A_110 : i32
        %lt3A_112 = arith.constant 160 : i32
        %lt3A_113 = arith.cmpi slt, %add3A_111, %lt3A_112 : i32
        %convert_element_type3A_114 = arith.extui %lt3A_113 : i1 to i32
        %cond3A_115 = arith.constant 0 : i32
        %cond3A_116 = arith.cmpi ne, %convert_element_type3A_114, %cond3A_115 : i32
        scf.if %cond3A_116 {
          %add3A_160 = arith.constant 2 : i32
          %add3A_161 = arith.addi %mul3A_96, %add3A_160 : i32
          %dma_wait3A_162 = arith.constant 0 : i32
          %dma_wait3A_163 = tpu.memref_slice %arg7[%add3A_161, %dma_wait3A_162] : memref<160x125xi32, #tpu.memory_space<vmem>> -> memref<1x125xi32, #tpu.memory_space<vmem>>
          %dma_wait3A_164 = tpu.memref_squeeze %dma_wait3A_163 : memref<1x125xi32, #tpu.memory_space<vmem>> -> memref<125xi32, #tpu.memory_space<vmem>>
          %dma_wait3A_165 = arith.constant 0 : i32
          %dma_wait3A_166 = arith.constant 0 : i32
          %dma_wait3A_167 = tpu.memref_slice %arg2[%dma_wait3A_165, %dma_wait3A_166] : memref<10000x64xf32, #tpu.memory_space<hbm>> -> memref<10000x64xf32, #tpu.memory_space<hbm>>
          tpu.wait_indirect_dma semaphore(%arg17 : memref<!tpu.dma_semaphore, #tpu.memory_space<semaphore_mem>>) src(%dma_wait3A_167 : memref<10000x64xf32, #tpu.memory_space<hbm>>) dst(%arg11 : memref<125x64xf32, #tpu.memory_space<vmem>>)
          %dma_start3A_168 = arith.constant 0 : i32
          %dma_start3A_169 = tpu.memref_slice %arg8[%add3A_161, %dma_start3A_168] : memref<160x125xi32, #tpu.memory_space<vmem>> -> memref<1x125xi32, #tpu.memory_space<vmem>>
          %dma_start3A_170 = tpu.memref_squeeze %dma_start3A_169 : memref<1x125xi32, #tpu.memory_space<vmem>> -> memref<125xi32, #tpu.memory_space<vmem>>
          %dma_start3A_171 = arith.constant 0 : i32
          %dma_start3A_172 = arith.constant 0 : i32
          %dma_start3A_173 = tpu.memref_slice %arg14[%dma_start3A_171, %dma_start3A_172] : memref<10240x64xf32, #tpu.memory_space<vmem_shared>> -> memref<10240x64xf32, #tpu.memory_space<vmem_shared>>
          tpu.enqueue_indirect_dma source(%arg11 : memref<125x64xf32, #tpu.memory_space<vmem>>) target(%dma_start3A_173 : memref<10240x64xf32, #tpu.memory_space<vmem_shared>>) offsets(%dma_start3A_170 : memref<125xi32, #tpu.memory_space<vmem>>) semaphore(%arg21 : memref<!tpu.dma_semaphore, #tpu.memory_space<semaphore_mem>>) {add = true}
        } else {
        }
        %add3A_117 = arith.constant 3 : i32
        %add3A_118 = arith.addi %mul3A_96, %add3A_117 : i32
        %lt3A_119 = arith.constant 160 : i32
        %lt3A_120 = arith.cmpi slt, %add3A_118, %lt3A_119 : i32
        %convert_element_type3A_121 = arith.extui %lt3A_120 : i1 to i32
        %cond3A_122 = arith.constant 0 : i32
        %cond3A_123 = arith.cmpi ne, %convert_element_type3A_121, %cond3A_122 : i32
        scf.if %cond3A_123 {
          %add3A_160 = arith.constant 3 : i32
          %add3A_161 = arith.addi %mul3A_96, %add3A_160 : i32
          %dma_wait3A_162 = arith.constant 0 : i32
          %dma_wait3A_163 = tpu.memref_slice %arg7[%add3A_161, %dma_wait3A_162] : memref<160x125xi32, #tpu.memory_space<vmem>> -> memref<1x125xi32, #tpu.memory_space<vmem>>
          %dma_wait3A_164 = tpu.memref_squeeze %dma_wait3A_163 : memref<1x125xi32, #tpu.memory_space<vmem>> -> memref<125xi32, #tpu.memory_space<vmem>>
          %dma_wait3A_165 = arith.constant 0 : i32
          %dma_wait3A_166 = arith.constant 0 : i32
          %dma_wait3A_167 = tpu.memref_slice %arg2[%dma_wait3A_165, %dma_wait3A_166] : memref<10000x64xf32, #tpu.memory_space<hbm>> -> memref<10000x64xf32, #tpu.memory_space<hbm>>
          tpu.wait_indirect_dma semaphore(%arg18 : memref<!tpu.dma_semaphore, #tpu.memory_space<semaphore_mem>>) src(%dma_wait3A_167 : memref<10000x64xf32, #tpu.memory_space<hbm>>) dst(%arg12 : memref<125x64xf32, #tpu.memory_space<vmem>>)
          %dma_start3A_168 = arith.constant 0 : i32
          %dma_start3A_169 = tpu.memref_slice %arg8[%add3A_161, %dma_start3A_168] : memref<160x125xi32, #tpu.memory_space<vmem>> -> memref<1x125xi32, #tpu.memory_space<vmem>>
          %dma_start3A_170 = tpu.memref_squeeze %dma_start3A_169 : memref<1x125xi32, #tpu.memory_space<vmem>> -> memref<125xi32, #tpu.memory_space<vmem>>
          %dma_start3A_171 = arith.constant 0 : i32
          %dma_start3A_172 = arith.constant 0 : i32
          %dma_start3A_173 = tpu.memref_slice %arg14[%dma_start3A_171, %dma_start3A_172] : memref<10240x64xf32, #tpu.memory_space<vmem_shared>> -> memref<10240x64xf32, #tpu.memory_space<vmem_shared>>
          tpu.enqueue_indirect_dma source(%arg12 : memref<125x64xf32, #tpu.memory_space<vmem>>) target(%dma_start3A_173 : memref<10240x64xf32, #tpu.memory_space<vmem_shared>>) offsets(%dma_start3A_170 : memref<125xi32, #tpu.memory_space<vmem>>) semaphore(%arg22 : memref<!tpu.dma_semaphore, #tpu.memory_space<semaphore_mem>>) {add = true}
        } else {
        }
        %add3A_124 = arith.constant 0 : i32
        %add3A_125 = arith.addi %mul3A_96, %add3A_124 : i32
        %add3A_126 = arith.constant 4 : i32
        %add3A_127 = arith.addi %add3A_125, %add3A_126 : i32
        %lt3A_128 = arith.constant 160 : i32
        %lt3A_129 = arith.cmpi slt, %add3A_127, %lt3A_128 : i32
        %convert_element_type3A_130 = arith.extui %lt3A_129 : i1 to i32
        %cond3A_131 = arith.constant 0 : i32
        %cond3A_132 = arith.cmpi ne, %convert_element_type3A_130, %cond3A_131 : i32
        scf.if %cond3A_132 {
          %add3A_160 = arith.constant 0 : i32
          %add3A_161 = arith.addi %mul3A_96, %add3A_160 : i32
          %add3A_162 = arith.constant 4 : i32
          %add3A_163 = arith.addi %add3A_161, %add3A_162 : i32
          %dma_wait3A_164 = arith.constant 0 : i32
          %dma_wait3A_165 = arith.constant 0 : i32
          %dma_wait3A_166 = tpu.memref_slice %arg8[%dma_wait3A_164, %dma_wait3A_165] : memref<160x125xi32, #tpu.memory_space<vmem>> -> memref<1x125xi32, #tpu.memory_space<vmem>>
          %dma_wait3A_167 = tpu.memref_squeeze %dma_wait3A_166 : memref<1x125xi32, #tpu.memory_space<vmem>> -> memref<125xi32, #tpu.memory_space<vmem>>
          %dma_wait3A_168 = arith.constant 0 : i32
          %dma_wait3A_169 = arith.constant 0 : i32
          %dma_wait3A_170 = tpu.memref_slice %arg14[%dma_wait3A_168, %dma_wait3A_169] : memref<10240x64xf32, #tpu.memory_space<vmem_shared>> -> memref<10240x64xf32, #tpu.memory_space<vmem_shared>>
          tpu.wait_indirect_dma semaphore(%arg19 : memref<!tpu.dma_semaphore, #tpu.memory_space<semaphore_mem>>) src(%arg9 : memref<125x64xf32, #tpu.memory_space<vmem>>) dst(%dma_wait3A_170 : memref<10240x64xf32, #tpu.memory_space<vmem_shared>>)
          %dma_start3A_171 = arith.constant 0 : i32
          %dma_start3A_172 = tpu.memref_slice %arg7[%add3A_163, %dma_start3A_171] : memref<160x125xi32, #tpu.memory_space<vmem>> -> memref<1x125xi32, #tpu.memory_space<vmem>>
          %dma_start3A_173 = tpu.memref_squeeze %dma_start3A_172 : memref<1x125xi32, #tpu.memory_space<vmem>> -> memref<125xi32, #tpu.memory_space<vmem>>
          %dma_start3A_174 = arith.constant 0 : i32
          %dma_start3A_175 = arith.constant 0 : i32
          %dma_start3A_176 = tpu.memref_slice %arg2[%dma_start3A_174, %dma_start3A_175] : memref<10000x64xf32, #tpu.memory_space<hbm>> -> memref<10000x64xf32, #tpu.memory_space<hbm>>
          tpu.enqueue_indirect_dma source(%dma_start3A_176 : memref<10000x64xf32, #tpu.memory_space<hbm>>) target(%arg9 : memref<125x64xf32, #tpu.memory_space<vmem>>) offsets(%dma_start3A_173 : memref<125xi32, #tpu.memory_space<vmem>>) semaphore(%arg15 : memref<!tpu.dma_semaphore, #tpu.memory_space<semaphore_mem>>)
        } else {
        }
        %add3A_133 = arith.constant 1 : i32
        %add3A_134 = arith.addi %mul3A_96, %add3A_133 : i32
        %add3A_135 = arith.constant 4 : i32
        %add3A_136 = arith.addi %add3A_134, %add3A_135 : i32
        %lt3A_137 = arith.constant 160 : i32
        %lt3A_138 = arith.cmpi slt, %add3A_136, %lt3A_137 : i32
        %convert_element_type3A_139 = arith.extui %lt3A_138 : i1 to i32
        %cond3A_140 = arith.constant 0 : i32
        %cond3A_141 = arith.cmpi ne, %convert_element_type3A_139, %cond3A_140 : i32
        scf.if %cond3A_141 {
          %add3A_160 = arith.constant 1 : i32
          %add3A_161 = arith.addi %mul3A_96, %add3A_160 : i32
          %add3A_162 = arith.constant 4 : i32
          %add3A_163 = arith.addi %add3A_161, %add3A_162 : i32
          %dma_wait3A_164 = arith.constant 0 : i32
          %dma_wait3A_165 = arith.constant 0 : i32
          %dma_wait3A_166 = tpu.memref_slice %arg8[%dma_wait3A_164, %dma_wait3A_165] : memref<160x125xi32, #tpu.memory_space<vmem>> -> memref<1x125xi32, #tpu.memory_space<vmem>>
          %dma_wait3A_167 = tpu.memref_squeeze %dma_wait3A_166 : memref<1x125xi32, #tpu.memory_space<vmem>> -> memref<125xi32, #tpu.memory_space<vmem>>
          %dma_wait3A_168 = arith.constant 0 : i32
          %dma_wait3A_169 = arith.constant 0 : i32
          %dma_wait3A_170 = tpu.memref_slice %arg14[%dma_wait3A_168, %dma_wait3A_169] : memref<10240x64xf32, #tpu.memory_space<vmem_shared>> -> memref<10240x64xf32, #tpu.memory_space<vmem_shared>>
          tpu.wait_indirect_dma semaphore(%arg20 : memref<!tpu.dma_semaphore, #tpu.memory_space<semaphore_mem>>) src(%arg10 : memref<125x64xf32, #tpu.memory_space<vmem>>) dst(%dma_wait3A_170 : memref<10240x64xf32, #tpu.memory_space<vmem_shared>>)
          %dma_start3A_171 = arith.constant 0 : i32
          %dma_start3A_172 = tpu.memref_slice %arg7[%add3A_163, %dma_start3A_171] : memref<160x125xi32, #tpu.memory_space<vmem>> -> memref<1x125xi32, #tpu.memory_space<vmem>>
          %dma_start3A_173 = tpu.memref_squeeze %dma_start3A_172 : memref<1x125xi32, #tpu.memory_space<vmem>> -> memref<125xi32, #tpu.memory_space<vmem>>
          %dma_start3A_174 = arith.constant 0 : i32
          %dma_start3A_175 = arith.constant 0 : i32
          %dma_start3A_176 = tpu.memref_slice %arg2[%dma_start3A_174, %dma_start3A_175] : memref<10000x64xf32, #tpu.memory_space<hbm>> -> memref<10000x64xf32, #tpu.memory_space<hbm>>
          tpu.enqueue_indirect_dma source(%dma_start3A_176 : memref<10000x64xf32, #tpu.memory_space<hbm>>) target(%arg10 : memref<125x64xf32, #tpu.memory_space<vmem>>) offsets(%dma_start3A_173 : memref<125xi32, #tpu.memory_space<vmem>>) semaphore(%arg16 : memref<!tpu.dma_semaphore, #tpu.memory_space<semaphore_mem>>)
        } else {
        }
        %add3A_142 = arith.constant 2 : i32
        %add3A_143 = arith.addi %mul3A_96, %add3A_142 : i32
        %add3A_144 = arith.constant 4 : i32
        %add3A_145 = arith.addi %add3A_143, %add3A_144 : i32
        %lt3A_146 = arith.constant 160 : i32
        %lt3A_147 = arith.cmpi slt, %add3A_145, %lt3A_146 : i32
        %convert_element_type3A_148 = arith.extui %lt3A_147 : i1 to i32
        %cond3A_149 = arith.constant 0 : i32
        %cond3A_150 = arith.cmpi ne, %convert_element_type3A_148, %cond3A_149 : i32
        scf.if %cond3A_150 {
          %add3A_160 = arith.constant 2 : i32
          %add3A_161 = arith.addi %mul3A_96, %add3A_160 : i32
          %add3A_162 = arith.constant 4 : i32
          %add3A_163 = arith.addi %add3A_161, %add3A_162 : i32
          %dma_wait3A_164 = arith.constant 0 : i32
          %dma_wait3A_165 = arith.constant 0 : i32
          %dma_wait3A_166 = tpu.memref_slice %arg8[%dma_wait3A_164, %dma_wait3A_165] : memref<160x125xi32, #tpu.memory_space<vmem>> -> memref<1x125xi32, #tpu.memory_space<vmem>>
          %dma_wait3A_167 = tpu.memref_squeeze %dma_wait3A_166 : memref<1x125xi32, #tpu.memory_space<vmem>> -> memref<125xi32, #tpu.memory_space<vmem>>
          %dma_wait3A_168 = arith.constant 0 : i32
          %dma_wait3A_169 = arith.constant 0 : i32
          %dma_wait3A_170 = tpu.memref_slice %arg14[%dma_wait3A_168, %dma_wait3A_169] : memref<10240x64xf32, #tpu.memory_space<vmem_shared>> -> memref<10240x64xf32, #tpu.memory_space<vmem_shared>>
          tpu.wait_indirect_dma semaphore(%arg21 : memref<!tpu.dma_semaphore, #tpu.memory_space<semaphore_mem>>) src(%arg11 : memref<125x64xf32, #tpu.memory_space<vmem>>) dst(%dma_wait3A_170 : memref<10240x64xf32, #tpu.memory_space<vmem_shared>>)
          %dma_start3A_171 = arith.constant 0 : i32
          %dma_start3A_172 = tpu.memref_slice %arg7[%add3A_163, %dma_start3A_171] : memref<160x125xi32, #tpu.memory_space<vmem>> -> memref<1x125xi32, #tpu.memory_space<vmem>>
          %dma_start3A_173 = tpu.memref_squeeze %dma_start3A_172 : memref<1x125xi32, #tpu.memory_space<vmem>> -> memref<125xi32, #tpu.memory_space<vmem>>
          %dma_start3A_174 = arith.constant 0 : i32
          %dma_start3A_175 = arith.constant 0 : i32
          %dma_start3A_176 = tpu.memref_slice %arg2[%dma_start3A_174, %dma_start3A_175] : memref<10000x64xf32, #tpu.memory_space<hbm>> -> memref<10000x64xf32, #tpu.memory_space<hbm>>
          tpu.enqueue_indirect_dma source(%dma_start3A_176 : memref<10000x64xf32, #tpu.memory_space<hbm>>) target(%arg11 : memref<125x64xf32, #tpu.memory_space<vmem>>) offsets(%dma_start3A_173 : memref<125xi32, #tpu.memory_space<vmem>>) semaphore(%arg17 : memref<!tpu.dma_semaphore, #tpu.memory_space<semaphore_mem>>)
        } else {
        }
        %add3A_151 = arith.constant 3 : i32
        %add3A_152 = arith.addi %mul3A_96, %add3A_151 : i32
        %add3A_153 = arith.constant 4 : i32
        %add3A_154 = arith.addi %add3A_152, %add3A_153 : i32
        %lt3A_155 = arith.constant 160 : i32
        %lt3A_156 = arith.cmpi slt, %add3A_154, %lt3A_155 : i32
        %convert_element_type3A_157 = arith.extui %lt3A_156 : i1 to i32
        %cond3A_158 = arith.constant 0 : i32
        %cond3A_159 = arith.cmpi ne, %convert_element_type3A_157, %cond3A_158 : i32
        scf.if %cond3A_159 {
          %add3A_160 = arith.constant 3 : i32
          %add3A_161 = arith.addi %mul3A_96, %add3A_160 : i32
          %add3A_162 = arith.constant 4 : i32
          %add3A_163 = arith.addi %add3A_161, %add3A_162 : i32
          %dma_wait3A_164 = arith.constant 0 : i32
          %dma_wait3A_165 = arith.constant 0 : i32
          %dma_wait3A_166 = tpu.memref_slice %arg8[%dma_wait3A_164, %dma_wait3A_165] : memref<160x125xi32, #tpu.memory_space<vmem>> -> memref<1x125xi32, #tpu.memory_space<vmem>>
          %dma_wait3A_167 = tpu.memref_squeeze %dma_wait3A_166 : memref<1x125xi32, #tpu.memory_space<vmem>> -> memref<125xi32, #tpu.memory_space<vmem>>
          %dma_wait3A_168 = arith.constant 0 : i32
          %dma_wait3A_169 = arith.constant 0 : i32
          %dma_wait3A_170 = tpu.memref_slice %arg14[%dma_wait3A_168, %dma_wait3A_169] : memref<10240x64xf32, #tpu.memory_space<vmem_shared>> -> memref<10240x64xf32, #tpu.memory_space<vmem_shared>>
          tpu.wait_indirect_dma semaphore(%arg22 : memref<!tpu.dma_semaphore, #tpu.memory_space<semaphore_mem>>) src(%arg12 : memref<125x64xf32, #tpu.memory_space<vmem>>) dst(%dma_wait3A_170 : memref<10240x64xf32, #tpu.memory_space<vmem_shared>>)
          %dma_start3A_171 = arith.constant 0 : i32
          %dma_start3A_172 = tpu.memref_slice %arg7[%add3A_163, %dma_start3A_171] : memref<160x125xi32, #tpu.memory_space<vmem>> -> memref<1x125xi32, #tpu.memory_space<vmem>>
          %dma_start3A_173 = tpu.memref_squeeze %dma_start3A_172 : memref<1x125xi32, #tpu.memory_space<vmem>> -> memref<125xi32, #tpu.memory_space<vmem>>
          %dma_start3A_174 = arith.constant 0 : i32
          %dma_start3A_175 = arith.constant 0 : i32
          %dma_start3A_176 = tpu.memref_slice %arg2[%dma_start3A_174, %dma_start3A_175] : memref<10000x64xf32, #tpu.memory_space<hbm>> -> memref<10000x64xf32, #tpu.memory_space<hbm>>
          tpu.enqueue_indirect_dma source(%dma_start3A_176 : memref<10000x64xf32, #tpu.memory_space<hbm>>) target(%arg12 : memref<125x64xf32, #tpu.memory_space<vmem>>) offsets(%dma_start3A_173 : memref<125xi32, #tpu.memory_space<vmem>>) semaphore(%arg18 : memref<!tpu.dma_semaphore, #tpu.memory_space<semaphore_mem>>)
        } else {
        }
      }
      %scan3A_64 = arith.constant 40 : i32
      %dma_wait3A = arith.constant 0 : i32
      %dma_wait3A_65 = arith.constant 0 : i32
      %dma_wait3A_66 = tpu.memref_slice %arg8[%dma_wait3A, %dma_wait3A_65] : memref<160x125xi32, #tpu.memory_space<vmem>> -> memref<1x125xi32, #tpu.memory_space<vmem>>
      %dma_wait3A_67 = tpu.memref_squeeze %dma_wait3A_66 : memref<1x125xi32, #tpu.memory_space<vmem>> -> memref<125xi32, #tpu.memory_space<vmem>>
      %dma_wait3A_68 = arith.constant 0 : i32
      %dma_wait3A_69 = arith.constant 0 : i32
      %dma_wait3A_70 = tpu.memref_slice %arg14[%dma_wait3A_68, %dma_wait3A_69] : memref<10240x64xf32, #tpu.memory_space<vmem_shared>> -> memref<10240x64xf32, #tpu.memory_space<vmem_shared>>
      tpu.wait_indirect_dma semaphore(%arg19 : memref<!tpu.dma_semaphore, #tpu.memory_space<semaphore_mem>>) src(%arg9 : memref<125x64xf32, #tpu.memory_space<vmem>>) dst(%dma_wait3A_70 : memref<10240x64xf32, #tpu.memory_space<vmem_shared>>)
      %dma_wait3A_71 = arith.constant 0 : i32
      %dma_wait3A_72 = arith.constant 0 : i32
      %dma_wait3A_73 = tpu.memref_slice %arg8[%dma_wait3A_71, %dma_wait3A_72] : memref<160x125xi32, #tpu.memory_space<vmem>> -> memref<1x125xi32, #tpu.memory_space<vmem>>
      %dma_wait3A_74 = tpu.memref_squeeze %dma_wait3A_73 : memref<1x125xi32, #tpu.memory_space<vmem>> -> memref<125xi32, #tpu.memory_space<vmem>>
      %dma_wait3A_75 = arith.constant 0 : i32
      %dma_wait3A_76 = arith.constant 0 : i32
      %dma_wait3A_77 = tpu.memref_slice %arg14[%dma_wait3A_75, %dma_wait3A_76] : memref<10240x64xf32, #tpu.memory_space<vmem_shared>> -> memref<10240x64xf32, #tpu.memory_space<vmem_shared>>
      tpu.wait_indirect_dma semaphore(%arg20 : memref<!tpu.dma_semaphore, #tpu.memory_space<semaphore_mem>>) src(%arg10 : memref<125x64xf32, #tpu.memory_space<vmem>>) dst(%dma_wait3A_77 : memref<10240x64xf32, #tpu.memory_space<vmem_shared>>)
      %dma_wait3A_78 = arith.constant 0 : i32
      %dma_wait3A_79 = arith.constant 0 : i32
      %dma_wait3A_80 = tpu.memref_slice %arg8[%dma_wait3A_78, %dma_wait3A_79] : memref<160x125xi32, #tpu.memory_space<vmem>> -> memref<1x125xi32, #tpu.memory_space<vmem>>
      %dma_wait3A_81 = tpu.memref_squeeze %dma_wait3A_80 : memref<1x125xi32, #tpu.memory_space<vmem>> -> memref<125xi32, #tpu.memory_space<vmem>>
      %dma_wait3A_82 = arith.constant 0 : i32
      %dma_wait3A_83 = arith.constant 0 : i32
      %dma_wait3A_84 = tpu.memref_slice %arg14[%dma_wait3A_82, %dma_wait3A_83] : memref<10240x64xf32, #tpu.memory_space<vmem_shared>> -> memref<10240x64xf32, #tpu.memory_space<vmem_shared>>
      tpu.wait_indirect_dma semaphore(%arg21 : memref<!tpu.dma_semaphore, #tpu.memory_space<semaphore_mem>>) src(%arg11 : memref<125x64xf32, #tpu.memory_space<vmem>>) dst(%dma_wait3A_84 : memref<10240x64xf32, #tpu.memory_space<vmem_shared>>)
      %dma_wait3A_85 = arith.constant 0 : i32
      %dma_wait3A_86 = arith.constant 0 : i32
      %dma_wait3A_87 = tpu.memref_slice %arg8[%dma_wait3A_85, %dma_wait3A_86] : memref<160x125xi32, #tpu.memory_space<vmem>> -> memref<1x125xi32, #tpu.memory_space<vmem>>
      %dma_wait3A_88 = tpu.memref_squeeze %dma_wait3A_87 : memref<1x125xi32, #tpu.memory_space<vmem>> -> memref<125xi32, #tpu.memory_space<vmem>>
      %dma_wait3A_89 = arith.constant 0 : i32
      %dma_wait3A_90 = arith.constant 0 : i32
      %dma_wait3A_91 = tpu.memref_slice %arg14[%dma_wait3A_89, %dma_wait3A_90] : memref<10240x64xf32, #tpu.memory_space<vmem_shared>> -> memref<10240x64xf32, #tpu.memory_space<vmem_shared>>
      tpu.wait_indirect_dma semaphore(%arg22 : memref<!tpu.dma_semaphore, #tpu.memory_space<semaphore_mem>>) src(%arg12 : memref<125x64xf32, #tpu.memory_space<vmem>>) dst(%dma_wait3A_91 : memref<10240x64xf32, #tpu.memory_space<vmem_shared>>)
    } else {
    }
    %eq3A_17 = arith.constant 1 : i32
    %eq3A_18 = arith.cmpi eq, %arg0, %eq3A_17 : i32
    %convert_element_type3A_19 = arith.extui %eq3A_18 : i1 to i32
    %cond3A_20 = arith.constant 0 : i32
    %cond3A_21 = arith.cmpi ne, %convert_element_type3A_19, %cond3A_20 : i32
    scf.if %cond3A_21 {
      %dma_start3A = arith.constant 0 : i32
      %dma_start3A_33 = arith.constant 0 : i32
      %dma_start3A_34 = tpu.memref_slice %arg7[%dma_start3A, %dma_start3A_33] : memref<160x125xi32, #tpu.memory_space<vmem>> -> memref<1x125xi32, #tpu.memory_space<vmem>>
      %dma_start3A_35 = tpu.memref_squeeze %dma_start3A_34 : memref<1x125xi32, #tpu.memory_space<vmem>> -> memref<125xi32, #tpu.memory_space<vmem>>
      %dma_start3A_36 = arith.constant 0 : i32
      %dma_start3A_37 = arith.constant 0 : i32
      %dma_start3A_38 = tpu.memref_slice %arg3[%dma_start3A_36, %dma_start3A_37] : memref<10000x64xf32, #tpu.memory_space<hbm>> -> memref<10000x64xf32, #tpu.memory_space<hbm>>
      tpu.enqueue_indirect_dma source(%dma_start3A_38 : memref<10000x64xf32, #tpu.memory_space<hbm>>) target(%arg9 : memref<125x64xf32, #tpu.memory_space<vmem>>) offsets(%dma_start3A_35 : memref<125xi32, #tpu.memory_space<vmem>>) semaphore(%arg15 : memref<!tpu.dma_semaphore, #tpu.memory_space<semaphore_mem>>)
      %dma_start3A_39 = arith.constant 1 : i32
      %dma_start3A_40 = arith.constant 0 : i32
      %dma_start3A_41 = tpu.memref_slice %arg7[%dma_start3A_39, %dma_start3A_40] : memref<160x125xi32, #tpu.memory_space<vmem>> -> memref<1x125xi32, #tpu.memory_space<vmem>>
      %dma_start3A_42 = tpu.memref_squeeze %dma_start3A_41 : memref<1x125xi32, #tpu.memory_space<vmem>> -> memref<125xi32, #tpu.memory_space<vmem>>
      %dma_start3A_43 = arith.constant 0 : i32
      %dma_start3A_44 = arith.constant 0 : i32
      %dma_start3A_45 = tpu.memref_slice %arg3[%dma_start3A_43, %dma_start3A_44] : memref<10000x64xf32, #tpu.memory_space<hbm>> -> memref<10000x64xf32, #tpu.memory_space<hbm>>
      tpu.enqueue_indirect_dma source(%dma_start3A_45 : memref<10000x64xf32, #tpu.memory_space<hbm>>) target(%arg10 : memref<125x64xf32, #tpu.memory_space<vmem>>) offsets(%dma_start3A_42 : memref<125xi32, #tpu.memory_space<vmem>>) semaphore(%arg16 : memref<!tpu.dma_semaphore, #tpu.memory_space<semaphore_mem>>)
      %dma_start3A_46 = arith.constant 2 : i32
      %dma_start3A_47 = arith.constant 0 : i32
      %dma_start3A_48 = tpu.memref_slice %arg7[%dma_start3A_46, %dma_start3A_47] : memref<160x125xi32, #tpu.memory_space<vmem>> -> memref<1x125xi32, #tpu.memory_space<vmem>>
      %dma_start3A_49 = tpu.memref_squeeze %dma_start3A_48 : memref<1x125xi32, #tpu.memory_space<vmem>> -> memref<125xi32, #tpu.memory_space<vmem>>
      %dma_start3A_50 = arith.constant 0 : i32
      %dma_start3A_51 = arith.constant 0 : i32
      %dma_start3A_52 = tpu.memref_slice %arg3[%dma_start3A_50, %dma_start3A_51] : memref<10000x64xf32, #tpu.memory_space<hbm>> -> memref<10000x64xf32, #tpu.memory_space<hbm>>
      tpu.enqueue_indirect_dma source(%dma_start3A_52 : memref<10000x64xf32, #tpu.memory_space<hbm>>) target(%arg11 : memref<125x64xf32, #tpu.memory_space<vmem>>) offsets(%dma_start3A_49 : memref<125xi32, #tpu.memory_space<vmem>>) semaphore(%arg17 : memref<!tpu.dma_semaphore, #tpu.memory_space<semaphore_mem>>)
      %dma_start3A_53 = arith.constant 3 : i32
      %dma_start3A_54 = arith.constant 0 : i32
      %dma_start3A_55 = tpu.memref_slice %arg7[%dma_start3A_53, %dma_start3A_54] : memref<160x125xi32, #tpu.memory_space<vmem>> -> memref<1x125xi32, #tpu.memory_space<vmem>>
      %dma_start3A_56 = tpu.memref_squeeze %dma_start3A_55 : memref<1x125xi32, #tpu.memory_space<vmem>> -> memref<125xi32, #tpu.memory_space<vmem>>
      %dma_start3A_57 = arith.constant 0 : i32
      %dma_start3A_58 = arith.constant 0 : i32
      %dma_start3A_59 = tpu.memref_slice %arg3[%dma_start3A_57, %dma_start3A_58] : memref<10000x64xf32, #tpu.memory_space<hbm>> -> memref<10000x64xf32, #tpu.memory_space<hbm>>
      tpu.enqueue_indirect_dma source(%dma_start3A_59 : memref<10000x64xf32, #tpu.memory_space<hbm>>) target(%arg12 : memref<125x64xf32, #tpu.memory_space<vmem>>) offsets(%dma_start3A_56 : memref<125xi32, #tpu.memory_space<vmem>>) semaphore(%arg18 : memref<!tpu.dma_semaphore, #tpu.memory_space<semaphore_mem>>)
      %scan3A_60 = arith.constant 0 : i32
      %scan3A_61 = arith.constant 40 : i32
      %scan3A_62 = arith.addi %scan3A_60, %scan3A_61 : i32
      %scan3A_63 = arith.constant 1 : i32
      scf.for %scan3A_92 = %scan3A_60 to %scan3A_62 step %scan3A_63  : i32 {
        %mul3A = arith.constant 1 : i32
        %mul3A_93 = arith.muli %scan3A_92, %mul3A : i32
        %add3A = arith.constant 0 : i32
        %add3A_94 = arith.addi %add3A, %mul3A_93 : i32
        %mul3A_95 = arith.constant 4 : i32
        %mul3A_96 = arith.muli %mul3A_95, %add3A_94 : i32
        %add3A_97 = arith.constant 0 : i32
        %add3A_98 = arith.addi %mul3A_96, %add3A_97 : i32
        %lt3A = arith.constant 160 : i32
        %lt3A_99 = arith.cmpi slt, %add3A_98, %lt3A : i32
        %convert_element_type3A_100 = arith.extui %lt3A_99 : i1 to i32
        %cond3A_101 = arith.constant 0 : i32
        %cond3A_102 = arith.cmpi ne, %convert_element_type3A_100, %cond3A_101 : i32
        scf.if %cond3A_102 {
          %add3A_160 = arith.constant 0 : i32
          %add3A_161 = arith.addi %mul3A_96, %add3A_160 : i32
          %dma_wait3A_162 = arith.constant 0 : i32
          %dma_wait3A_163 = tpu.memref_slice %arg7[%add3A_161, %dma_wait3A_162] : memref<160x125xi32, #tpu.memory_space<vmem>> -> memref<1x125xi32, #tpu.memory_space<vmem>>
          %dma_wait3A_164 = tpu.memref_squeeze %dma_wait3A_163 : memref<1x125xi32, #tpu.memory_space<vmem>> -> memref<125xi32, #tpu.memory_space<vmem>>
          %dma_wait3A_165 = arith.constant 0 : i32
          %dma_wait3A_166 = arith.constant 0 : i32
          %dma_wait3A_167 = tpu.memref_slice %arg3[%dma_wait3A_165, %dma_wait3A_166] : memref<10000x64xf32, #tpu.memory_space<hbm>> -> memref<10000x64xf32, #tpu.memory_space<hbm>>
          tpu.wait_indirect_dma semaphore(%arg15 : memref<!tpu.dma_semaphore, #tpu.memory_space<semaphore_mem>>) src(%dma_wait3A_167 : memref<10000x64xf32, #tpu.memory_space<hbm>>) dst(%arg9 : memref<125x64xf32, #tpu.memory_space<vmem>>)
          %dma_start3A_168 = arith.constant 0 : i32
          %dma_start3A_169 = tpu.memref_slice %arg8[%add3A_161, %dma_start3A_168] : memref<160x125xi32, #tpu.memory_space<vmem>> -> memref<1x125xi32, #tpu.memory_space<vmem>>
          %dma_start3A_170 = tpu.memref_squeeze %dma_start3A_169 : memref<1x125xi32, #tpu.memory_space<vmem>> -> memref<125xi32, #tpu.memory_space<vmem>>
          %dma_start3A_171 = arith.constant 0 : i32
          %dma_start3A_172 = arith.constant 0 : i32
          %dma_start3A_173 = tpu.memref_slice %arg14[%dma_start3A_171, %dma_start3A_172] : memref<10240x64xf32, #tpu.memory_space<vmem_shared>> -> memref<10240x64xf32, #tpu.memory_space<vmem_shared>>
          tpu.enqueue_indirect_dma source(%arg9 : memref<125x64xf32, #tpu.memory_space<vmem>>) target(%dma_start3A_173 : memref<10240x64xf32, #tpu.memory_space<vmem_shared>>) offsets(%dma_start3A_170 : memref<125xi32, #tpu.memory_space<vmem>>) semaphore(%arg19 : memref<!tpu.dma_semaphore, #tpu.memory_space<semaphore_mem>>) {add = true}
        } else {
        }
        %add3A_103 = arith.constant 1 : i32
        %add3A_104 = arith.addi %mul3A_96, %add3A_103 : i32
        %lt3A_105 = arith.constant 160 : i32
        %lt3A_106 = arith.cmpi slt, %add3A_104, %lt3A_105 : i32
        %convert_element_type3A_107 = arith.extui %lt3A_106 : i1 to i32
        %cond3A_108 = arith.constant 0 : i32
        %cond3A_109 = arith.cmpi ne, %convert_element_type3A_107, %cond3A_108 : i32
        scf.if %cond3A_109 {
          %add3A_160 = arith.constant 1 : i32
          %add3A_161 = arith.addi %mul3A_96, %add3A_160 : i32
          %dma_wait3A_162 = arith.constant 0 : i32
          %dma_wait3A_163 = tpu.memref_slice %arg7[%add3A_161, %dma_wait3A_162] : memref<160x125xi32, #tpu.memory_space<vmem>> -> memref<1x125xi32, #tpu.memory_space<vmem>>
          %dma_wait3A_164 = tpu.memref_squeeze %dma_wait3A_163 : memref<1x125xi32, #tpu.memory_space<vmem>> -> memref<125xi32, #tpu.memory_space<vmem>>
          %dma_wait3A_165 = arith.constant 0 : i32
          %dma_wait3A_166 = arith.constant 0 : i32
          %dma_wait3A_167 = tpu.memref_slice %arg3[%dma_wait3A_165, %dma_wait3A_166] : memref<10000x64xf32, #tpu.memory_space<hbm>> -> memref<10000x64xf32, #tpu.memory_space<hbm>>
          tpu.wait_indirect_dma semaphore(%arg16 : memref<!tpu.dma_semaphore, #tpu.memory_space<semaphore_mem>>) src(%dma_wait3A_167 : memref<10000x64xf32, #tpu.memory_space<hbm>>) dst(%arg10 : memref<125x64xf32, #tpu.memory_space<vmem>>)
          %dma_start3A_168 = arith.constant 0 : i32
          %dma_start3A_169 = tpu.memref_slice %arg8[%add3A_161, %dma_start3A_168] : memref<160x125xi32, #tpu.memory_space<vmem>> -> memref<1x125xi32, #tpu.memory_space<vmem>>
          %dma_start3A_170 = tpu.memref_squeeze %dma_start3A_169 : memref<1x125xi32, #tpu.memory_space<vmem>> -> memref<125xi32, #tpu.memory_space<vmem>>
          %dma_start3A_171 = arith.constant 0 : i32
          %dma_start3A_172 = arith.constant 0 : i32
          %dma_start3A_173 = tpu.memref_slice %arg14[%dma_start3A_171, %dma_start3A_172] : memref<10240x64xf32, #tpu.memory_space<vmem_shared>> -> memref<10240x64xf32, #tpu.memory_space<vmem_shared>>
          tpu.enqueue_indirect_dma source(%arg10 : memref<125x64xf32, #tpu.memory_space<vmem>>) target(%dma_start3A_173 : memref<10240x64xf32, #tpu.memory_space<vmem_shared>>) offsets(%dma_start3A_170 : memref<125xi32, #tpu.memory_space<vmem>>) semaphore(%arg20 : memref<!tpu.dma_semaphore, #tpu.memory_space<semaphore_mem>>) {add = true}
        } else {
        }
        %add3A_110 = arith.constant 2 : i32
        %add3A_111 = arith.addi %mul3A_96, %add3A_110 : i32
        %lt3A_112 = arith.constant 160 : i32
        %lt3A_113 = arith.cmpi slt, %add3A_111, %lt3A_112 : i32
        %convert_element_type3A_114 = arith.extui %lt3A_113 : i1 to i32
        %cond3A_115 = arith.constant 0 : i32
        %cond3A_116 = arith.cmpi ne, %convert_element_type3A_114, %cond3A_115 : i32
        scf.if %cond3A_116 {
          %add3A_160 = arith.constant 2 : i32
          %add3A_161 = arith.addi %mul3A_96, %add3A_160 : i32
          %dma_wait3A_162 = arith.constant 0 : i32
          %dma_wait3A_163 = tpu.memref_slice %arg7[%add3A_161, %dma_wait3A_162] : memref<160x125xi32, #tpu.memory_space<vmem>> -> memref<1x125xi32, #tpu.memory_space<vmem>>
          %dma_wait3A_164 = tpu.memref_squeeze %dma_wait3A_163 : memref<1x125xi32, #tpu.memory_space<vmem>> -> memref<125xi32, #tpu.memory_space<vmem>>
          %dma_wait3A_165 = arith.constant 0 : i32
          %dma_wait3A_166 = arith.constant 0 : i32
          %dma_wait3A_167 = tpu.memref_slice %arg3[%dma_wait3A_165, %dma_wait3A_166] : memref<10000x64xf32, #tpu.memory_space<hbm>> -> memref<10000x64xf32, #tpu.memory_space<hbm>>
          tpu.wait_indirect_dma semaphore(%arg17 : memref<!tpu.dma_semaphore, #tpu.memory_space<semaphore_mem>>) src(%dma_wait3A_167 : memref<10000x64xf32, #tpu.memory_space<hbm>>) dst(%arg11 : memref<125x64xf32, #tpu.memory_space<vmem>>)
          %dma_start3A_168 = arith.constant 0 : i32
          %dma_start3A_169 = tpu.memref_slice %arg8[%add3A_161, %dma_start3A_168] : memref<160x125xi32, #tpu.memory_space<vmem>> -> memref<1x125xi32, #tpu.memory_space<vmem>>
          %dma_start3A_170 = tpu.memref_squeeze %dma_start3A_169 : memref<1x125xi32, #tpu.memory_space<vmem>> -> memref<125xi32, #tpu.memory_space<vmem>>
          %dma_start3A_171 = arith.constant 0 : i32
          %dma_start3A_172 = arith.constant 0 : i32
          %dma_start3A_173 = tpu.memref_slice %arg14[%dma_start3A_171, %dma_start3A_172] : memref<10240x64xf32, #tpu.memory_space<vmem_shared>> -> memref<10240x64xf32, #tpu.memory_space<vmem_shared>>
          tpu.enqueue_indirect_dma source(%arg11 : memref<125x64xf32, #tpu.memory_space<vmem>>) target(%dma_start3A_173 : memref<10240x64xf32, #tpu.memory_space<vmem_shared>>) offsets(%dma_start3A_170 : memref<125xi32, #tpu.memory_space<vmem>>) semaphore(%arg21 : memref<!tpu.dma_semaphore, #tpu.memory_space<semaphore_mem>>) {add = true}
        } else {
        }
        %add3A_117 = arith.constant 3 : i32
        %add3A_118 = arith.addi %mul3A_96, %add3A_117 : i32
        %lt3A_119 = arith.constant 160 : i32
        %lt3A_120 = arith.cmpi slt, %add3A_118, %lt3A_119 : i32
        %convert_element_type3A_121 = arith.extui %lt3A_120 : i1 to i32
        %cond3A_122 = arith.constant 0 : i32
        %cond3A_123 = arith.cmpi ne, %convert_element_type3A_121, %cond3A_122 : i32
        scf.if %cond3A_123 {
          %add3A_160 = arith.constant 3 : i32
          %add3A_161 = arith.addi %mul3A_96, %add3A_160 : i32
          %dma_wait3A_162 = arith.constant 0 : i32
          %dma_wait3A_163 = tpu.memref_slice %arg7[%add3A_161, %dma_wait3A_162] : memref<160x125xi32, #tpu.memory_space<vmem>> -> memref<1x125xi32, #tpu.memory_space<vmem>>
          %dma_wait3A_164 = tpu.memref_squeeze %dma_wait3A_163 : memref<1x125xi32, #tpu.memory_space<vmem>> -> memref<125xi32, #tpu.memory_space<vmem>>
          %dma_wait3A_165 = arith.constant 0 : i32
          %dma_wait3A_166 = arith.constant 0 : i32
          %dma_wait3A_167 = tpu.memref_slice %arg3[%dma_wait3A_165, %dma_wait3A_166] : memref<10000x64xf32, #tpu.memory_space<hbm>> -> memref<10000x64xf32, #tpu.memory_space<hbm>>
          tpu.wait_indirect_dma semaphore(%arg18 : memref<!tpu.dma_semaphore, #tpu.memory_space<semaphore_mem>>) src(%dma_wait3A_167 : memref<10000x64xf32, #tpu.memory_space<hbm>>) dst(%arg12 : memref<125x64xf32, #tpu.memory_space<vmem>>)
          %dma_start3A_168 = arith.constant 0 : i32
          %dma_start3A_169 = tpu.memref_slice %arg8[%add3A_161, %dma_start3A_168] : memref<160x125xi32, #tpu.memory_space<vmem>> -> memref<1x125xi32, #tpu.memory_space<vmem>>
          %dma_start3A_170 = tpu.memref_squeeze %dma_start3A_169 : memref<1x125xi32, #tpu.memory_space<vmem>> -> memref<125xi32, #tpu.memory_space<vmem>>
          %dma_start3A_171 = arith.constant 0 : i32
          %dma_start3A_172 = arith.constant 0 : i32
          %dma_start3A_173 = tpu.memref_slice %arg14[%dma_start3A_171, %dma_start3A_172] : memref<10240x64xf32, #tpu.memory_space<vmem_shared>> -> memref<10240x64xf32, #tpu.memory_space<vmem_shared>>
          tpu.enqueue_indirect_dma source(%arg12 : memref<125x64xf32, #tpu.memory_space<vmem>>) target(%dma_start3A_173 : memref<10240x64xf32, #tpu.memory_space<vmem_shared>>) offsets(%dma_start3A_170 : memref<125xi32, #tpu.memory_space<vmem>>) semaphore(%arg22 : memref<!tpu.dma_semaphore, #tpu.memory_space<semaphore_mem>>) {add = true}
        } else {
        }
        %add3A_124 = arith.constant 0 : i32
        %add3A_125 = arith.addi %mul3A_96, %add3A_124 : i32
        %add3A_126 = arith.constant 4 : i32
        %add3A_127 = arith.addi %add3A_125, %add3A_126 : i32
        %lt3A_128 = arith.constant 160 : i32
        %lt3A_129 = arith.cmpi slt, %add3A_127, %lt3A_128 : i32
        %convert_element_type3A_130 = arith.extui %lt3A_129 : i1 to i32
        %cond3A_131 = arith.constant 0 : i32
        %cond3A_132 = arith.cmpi ne, %convert_element_type3A_130, %cond3A_131 : i32
        scf.if %cond3A_132 {
          %add3A_160 = arith.constant 0 : i32
          %add3A_161 = arith.addi %mul3A_96, %add3A_160 : i32
          %add3A_162 = arith.constant 4 : i32
          %add3A_163 = arith.addi %add3A_161, %add3A_162 : i32
          %dma_wait3A_164 = arith.constant 0 : i32
          %dma_wait3A_165 = arith.constant 0 : i32
          %dma_wait3A_166 = tpu.memref_slice %arg8[%dma_wait3A_164, %dma_wait3A_165] : memref<160x125xi32, #tpu.memory_space<vmem>> -> memref<1x125xi32, #tpu.memory_space<vmem>>
          %dma_wait3A_167 = tpu.memref_squeeze %dma_wait3A_166 : memref<1x125xi32, #tpu.memory_space<vmem>> -> memref<125xi32, #tpu.memory_space<vmem>>
          %dma_wait3A_168 = arith.constant 0 : i32
          %dma_wait3A_169 = arith.constant 0 : i32
          %dma_wait3A_170 = tpu.memref_slice %arg14[%dma_wait3A_168, %dma_wait3A_169] : memref<10240x64xf32, #tpu.memory_space<vmem_shared>> -> memref<10240x64xf32, #tpu.memory_space<vmem_shared>>
          tpu.wait_indirect_dma semaphore(%arg19 : memref<!tpu.dma_semaphore, #tpu.memory_space<semaphore_mem>>) src(%arg9 : memref<125x64xf32, #tpu.memory_space<vmem>>) dst(%dma_wait3A_170 : memref<10240x64xf32, #tpu.memory_space<vmem_shared>>)
          %dma_start3A_171 = arith.constant 0 : i32
          %dma_start3A_172 = tpu.memref_slice %arg7[%add3A_163, %dma_start3A_171] : memref<160x125xi32, #tpu.memory_space<vmem>> -> memref<1x125xi32, #tpu.memory_space<vmem>>
          %dma_start3A_173 = tpu.memref_squeeze %dma_start3A_172 : memref<1x125xi32, #tpu.memory_space<vmem>> -> memref<125xi32, #tpu.memory_space<vmem>>
          %dma_start3A_174 = arith.constant 0 : i32
          %dma_start3A_175 = arith.constant 0 : i32
          %dma_start3A_176 = tpu.memref_slice %arg3[%dma_start3A_174, %dma_start3A_175] : memref<10000x64xf32, #tpu.memory_space<hbm>> -> memref<10000x64xf32, #tpu.memory_space<hbm>>
          tpu.enqueue_indirect_dma source(%dma_start3A_176 : memref<10000x64xf32, #tpu.memory_space<hbm>>) target(%arg9 : memref<125x64xf32, #tpu.memory_space<vmem>>) offsets(%dma_start3A_173 : memref<125xi32, #tpu.memory_space<vmem>>) semaphore(%arg15 : memref<!tpu.dma_semaphore, #tpu.memory_space<semaphore_mem>>)
        } else {
        }
        %add3A_133 = arith.constant 1 : i32
        %add3A_134 = arith.addi %mul3A_96, %add3A_133 : i32
        %add3A_135 = arith.constant 4 : i32
        %add3A_136 = arith.addi %add3A_134, %add3A_135 : i32
        %lt3A_137 = arith.constant 160 : i32
        %lt3A_138 = arith.cmpi slt, %add3A_136, %lt3A_137 : i32
        %convert_element_type3A_139 = arith.extui %lt3A_138 : i1 to i32
        %cond3A_140 = arith.constant 0 : i32
        %cond3A_141 = arith.cmpi ne, %convert_element_type3A_139, %cond3A_140 : i32
        scf.if %cond3A_141 {
          %add3A_160 = arith.constant 1 : i32
          %add3A_161 = arith.addi %mul3A_96, %add3A_160 : i32
          %add3A_162 = arith.constant 4 : i32
          %add3A_163 = arith.addi %add3A_161, %add3A_162 : i32
          %dma_wait3A_164 = arith.constant 0 : i32
          %dma_wait3A_165 = arith.constant 0 : i32
          %dma_wait3A_166 = tpu.memref_slice %arg8[%dma_wait3A_164, %dma_wait3A_165] : memref<160x125xi32, #tpu.memory_space<vmem>> -> memref<1x125xi32, #tpu.memory_space<vmem>>
          %dma_wait3A_167 = tpu.memref_squeeze %dma_wait3A_166 : memref<1x125xi32, #tpu.memory_space<vmem>> -> memref<125xi32, #tpu.memory_space<vmem>>
          %dma_wait3A_168 = arith.constant 0 : i32
          %dma_wait3A_169 = arith.constant 0 : i32
          %dma_wait3A_170 = tpu.memref_slice %arg14[%dma_wait3A_168, %dma_wait3A_169] : memref<10240x64xf32, #tpu.memory_space<vmem_shared>> -> memref<10240x64xf32, #tpu.memory_space<vmem_shared>>
          tpu.wait_indirect_dma semaphore(%arg20 : memref<!tpu.dma_semaphore, #tpu.memory_space<semaphore_mem>>) src(%arg10 : memref<125x64xf32, #tpu.memory_space<vmem>>) dst(%dma_wait3A_170 : memref<10240x64xf32, #tpu.memory_space<vmem_shared>>)
          %dma_start3A_171 = arith.constant 0 : i32
          %dma_start3A_172 = tpu.memref_slice %arg7[%add3A_163, %dma_start3A_171] : memref<160x125xi32, #tpu.memory_space<vmem>> -> memref<1x125xi32, #tpu.memory_space<vmem>>
          %dma_start3A_173 = tpu.memref_squeeze %dma_start3A_172 : memref<1x125xi32, #tpu.memory_space<vmem>> -> memref<125xi32, #tpu.memory_space<vmem>>
          %dma_start3A_174 = arith.constant 0 : i32
          %dma_start3A_175 = arith.constant 0 : i32
          %dma_start3A_176 = tpu.memref_slice %arg3[%dma_start3A_174, %dma_start3A_175] : memref<10000x64xf32, #tpu.memory_space<hbm>> -> memref<10000x64xf32, #tpu.memory_space<hbm>>
          tpu.enqueue_indirect_dma source(%dma_start3A_176 : memref<10000x64xf32, #tpu.memory_space<hbm>>) target(%arg10 : memref<125x64xf32, #tpu.memory_space<vmem>>) offsets(%dma_start3A_173 : memref<125xi32, #tpu.memory_space<vmem>>) semaphore(%arg16 : memref<!tpu.dma_semaphore, #tpu.memory_space<semaphore_mem>>)
        } else {
        }
        %add3A_142 = arith.constant 2 : i32
        %add3A_143 = arith.addi %mul3A_96, %add3A_142 : i32
        %add3A_144 = arith.constant 4 : i32
        %add3A_145 = arith.addi %add3A_143, %add3A_144 : i32
        %lt3A_146 = arith.constant 160 : i32
        %lt3A_147 = arith.cmpi slt, %add3A_145, %lt3A_146 : i32
        %convert_element_type3A_148 = arith.extui %lt3A_147 : i1 to i32
        %cond3A_149 = arith.constant 0 : i32
        %cond3A_150 = arith.cmpi ne, %convert_element_type3A_148, %cond3A_149 : i32
        scf.if %cond3A_150 {
          %add3A_160 = arith.constant 2 : i32
          %add3A_161 = arith.addi %mul3A_96, %add3A_160 : i32
          %add3A_162 = arith.constant 4 : i32
          %add3A_163 = arith.addi %add3A_161, %add3A_162 : i32
          %dma_wait3A_164 = arith.constant 0 : i32
          %dma_wait3A_165 = arith.constant 0 : i32
          %dma_wait3A_166 = tpu.memref_slice %arg8[%dma_wait3A_164, %dma_wait3A_165] : memref<160x125xi32, #tpu.memory_space<vmem>> -> memref<1x125xi32, #tpu.memory_space<vmem>>
          %dma_wait3A_167 = tpu.memref_squeeze %dma_wait3A_166 : memref<1x125xi32, #tpu.memory_space<vmem>> -> memref<125xi32, #tpu.memory_space<vmem>>
          %dma_wait3A_168 = arith.constant 0 : i32
          %dma_wait3A_169 = arith.constant 0 : i32
          %dma_wait3A_170 = tpu.memref_slice %arg14[%dma_wait3A_168, %dma_wait3A_169] : memref<10240x64xf32, #tpu.memory_space<vmem_shared>> -> memref<10240x64xf32, #tpu.memory_space<vmem_shared>>
          tpu.wait_indirect_dma semaphore(%arg21 : memref<!tpu.dma_semaphore, #tpu.memory_space<semaphore_mem>>) src(%arg11 : memref<125x64xf32, #tpu.memory_space<vmem>>) dst(%dma_wait3A_170 : memref<10240x64xf32, #tpu.memory_space<vmem_shared>>)
          %dma_start3A_171 = arith.constant 0 : i32
          %dma_start3A_172 = tpu.memref_slice %arg7[%add3A_163, %dma_start3A_171] : memref<160x125xi32, #tpu.memory_space<vmem>> -> memref<1x125xi32, #tpu.memory_space<vmem>>
          %dma_start3A_173 = tpu.memref_squeeze %dma_start3A_172 : memref<1x125xi32, #tpu.memory_space<vmem>> -> memref<125xi32, #tpu.memory_space<vmem>>
          %dma_start3A_174 = arith.constant 0 : i32
          %dma_start3A_175 = arith.constant 0 : i32
          %dma_start3A_176 = tpu.memref_slice %arg3[%dma_start3A_174, %dma_start3A_175] : memref<10000x64xf32, #tpu.memory_space<hbm>> -> memref<10000x64xf32, #tpu.memory_space<hbm>>
          tpu.enqueue_indirect_dma source(%dma_start3A_176 : memref<10000x64xf32, #tpu.memory_space<hbm>>) target(%arg11 : memref<125x64xf32, #tpu.memory_space<vmem>>) offsets(%dma_start3A_173 : memref<125xi32, #tpu.memory_space<vmem>>) semaphore(%arg17 : memref<!tpu.dma_semaphore, #tpu.memory_space<semaphore_mem>>)
        } else {
        }
        %add3A_151 = arith.constant 3 : i32
        %add3A_152 = arith.addi %mul3A_96, %add3A_151 : i32
        %add3A_153 = arith.constant 4 : i32
        %add3A_154 = arith.addi %add3A_152, %add3A_153 : i32
        %lt3A_155 = arith.constant 160 : i32
        %lt3A_156 = arith.cmpi slt, %add3A_154, %lt3A_155 : i32
        %convert_element_type3A_157 = arith.extui %lt3A_156 : i1 to i32
        %cond3A_158 = arith.constant 0 : i32
        %cond3A_159 = arith.cmpi ne, %convert_element_type3A_157, %cond3A_158 : i32
        scf.if %cond3A_159 {
          %add3A_160 = arith.constant 3 : i32
          %add3A_161 = arith.addi %mul3A_96, %add3A_160 : i32
          %add3A_162 = arith.constant 4 : i32
          %add3A_163 = arith.addi %add3A_161, %add3A_162 : i32
          %dma_wait3A_164 = arith.constant 0 : i32
          %dma_wait3A_165 = arith.constant 0 : i32
          %dma_wait3A_166 = tpu.memref_slice %arg8[%dma_wait3A_164, %dma_wait3A_165] : memref<160x125xi32, #tpu.memory_space<vmem>> -> memref<1x125xi32, #tpu.memory_space<vmem>>
          %dma_wait3A_167 = tpu.memref_squeeze %dma_wait3A_166 : memref<1x125xi32, #tpu.memory_space<vmem>> -> memref<125xi32, #tpu.memory_space<vmem>>
          %dma_wait3A_168 = arith.constant 0 : i32
          %dma_wait3A_169 = arith.constant 0 : i32
          %dma_wait3A_170 = tpu.memref_slice %arg14[%dma_wait3A_168, %dma_wait3A_169] : memref<10240x64xf32, #tpu.memory_space<vmem_shared>> -> memref<10240x64xf32, #tpu.memory_space<vmem_shared>>
          tpu.wait_indirect_dma semaphore(%arg22 : memref<!tpu.dma_semaphore, #tpu.memory_space<semaphore_mem>>) src(%arg12 : memref<125x64xf32, #tpu.memory_space<vmem>>) dst(%dma_wait3A_170 : memref<10240x64xf32, #tpu.memory_space<vmem_shared>>)
          %dma_start3A_171 = arith.constant 0 : i32
          %dma_start3A_172 = tpu.memref_slice %arg7[%add3A_163, %dma_start3A_171] : memref<160x125xi32, #tpu.memory_space<vmem>> -> memref<1x125xi32, #tpu.memory_space<vmem>>
          %dma_start3A_173 = tpu.memref_squeeze %dma_start3A_172 : memref<1x125xi32, #tpu.memory_space<vmem>> -> memref<125xi32, #tpu.memory_space<vmem>>
          %dma_start3A_174 = arith.constant 0 : i32
          %dma_start3A_175 = arith.constant 0 : i32
          %dma_start3A_176 = tpu.memref_slice %arg3[%dma_start3A_174, %dma_start3A_175] : memref<10000x64xf32, #tpu.memory_space<hbm>> -> memref<10000x64xf32, #tpu.memory_space<hbm>>
          tpu.enqueue_indirect_dma source(%dma_start3A_176 : memref<10000x64xf32, #tpu.memory_space<hbm>>) target(%arg12 : memref<125x64xf32, #tpu.memory_space<vmem>>) offsets(%dma_start3A_173 : memref<125xi32, #tpu.memory_space<vmem>>) semaphore(%arg18 : memref<!tpu.dma_semaphore, #tpu.memory_space<semaphore_mem>>)
        } else {
        }
      }
      %scan3A_64 = arith.constant 40 : i32
      %dma_wait3A = arith.constant 0 : i32
      %dma_wait3A_65 = arith.constant 0 : i32
      %dma_wait3A_66 = tpu.memref_slice %arg8[%dma_wait3A, %dma_wait3A_65] : memref<160x125xi32, #tpu.memory_space<vmem>> -> memref<1x125xi32, #tpu.memory_space<vmem>>
      %dma_wait3A_67 = tpu.memref_squeeze %dma_wait3A_66 : memref<1x125xi32, #tpu.memory_space<vmem>> -> memref<125xi32, #tpu.memory_space<vmem>>
      %dma_wait3A_68 = arith.constant 0 : i32
      %dma_wait3A_69 = arith.constant 0 : i32
      %dma_wait3A_70 = tpu.memref_slice %arg14[%dma_wait3A_68, %dma_wait3A_69] : memref<10240x64xf32, #tpu.memory_space<vmem_shared>> -> memref<10240x64xf32, #tpu.memory_space<vmem_shared>>
      tpu.wait_indirect_dma semaphore(%arg19 : memref<!tpu.dma_semaphore, #tpu.memory_space<semaphore_mem>>) src(%arg9 : memref<125x64xf32, #tpu.memory_space<vmem>>) dst(%dma_wait3A_70 : memref<10240x64xf32, #tpu.memory_space<vmem_shared>>)
      %dma_wait3A_71 = arith.constant 0 : i32
      %dma_wait3A_72 = arith.constant 0 : i32
      %dma_wait3A_73 = tpu.memref_slice %arg8[%dma_wait3A_71, %dma_wait3A_72] : memref<160x125xi32, #tpu.memory_space<vmem>> -> memref<1x125xi32, #tpu.memory_space<vmem>>
      %dma_wait3A_74 = tpu.memref_squeeze %dma_wait3A_73 : memref<1x125xi32, #tpu.memory_space<vmem>> -> memref<125xi32, #tpu.memory_space<vmem>>
      %dma_wait3A_75 = arith.constant 0 : i32
      %dma_wait3A_76 = arith.constant 0 : i32
      %dma_wait3A_77 = tpu.memref_slice %arg14[%dma_wait3A_75, %dma_wait3A_76] : memref<10240x64xf32, #tpu.memory_space<vmem_shared>> -> memref<10240x64xf32, #tpu.memory_space<vmem_shared>>
      tpu.wait_indirect_dma semaphore(%arg20 : memref<!tpu.dma_semaphore, #tpu.memory_space<semaphore_mem>>) src(%arg10 : memref<125x64xf32, #tpu.memory_space<vmem>>) dst(%dma_wait3A_77 : memref<10240x64xf32, #tpu.memory_space<vmem_shared>>)
      %dma_wait3A_78 = arith.constant 0 : i32
      %dma_wait3A_79 = arith.constant 0 : i32
      %dma_wait3A_80 = tpu.memref_slice %arg8[%dma_wait3A_78, %dma_wait3A_79] : memref<160x125xi32, #tpu.memory_space<vmem>> -> memref<1x125xi32, #tpu.memory_space<vmem>>
      %dma_wait3A_81 = tpu.memref_squeeze %dma_wait3A_80 : memref<1x125xi32, #tpu.memory_space<vmem>> -> memref<125xi32, #tpu.memory_space<vmem>>
      %dma_wait3A_82 = arith.constant 0 : i32
      %dma_wait3A_83 = arith.constant 0 : i32
      %dma_wait3A_84 = tpu.memref_slice %arg14[%dma_wait3A_82, %dma_wait3A_83] : memref<10240x64xf32, #tpu.memory_space<vmem_shared>> -> memref<10240x64xf32, #tpu.memory_space<vmem_shared>>
      tpu.wait_indirect_dma semaphore(%arg21 : memref<!tpu.dma_semaphore, #tpu.memory_space<semaphore_mem>>) src(%arg11 : memref<125x64xf32, #tpu.memory_space<vmem>>) dst(%dma_wait3A_84 : memref<10240x64xf32, #tpu.memory_space<vmem_shared>>)
      %dma_wait3A_85 = arith.constant 0 : i32
      %dma_wait3A_86 = arith.constant 0 : i32
      %dma_wait3A_87 = tpu.memref_slice %arg8[%dma_wait3A_85, %dma_wait3A_86] : memref<160x125xi32, #tpu.memory_space<vmem>> -> memref<1x125xi32, #tpu.memory_space<vmem>>
      %dma_wait3A_88 = tpu.memref_squeeze %dma_wait3A_87 : memref<1x125xi32, #tpu.memory_space<vmem>> -> memref<125xi32, #tpu.memory_space<vmem>>
      %dma_wait3A_89 = arith.constant 0 : i32
      %dma_wait3A_90 = arith.constant 0 : i32
      %dma_wait3A_91 = tpu.memref_slice %arg14[%dma_wait3A_89, %dma_wait3A_90] : memref<10240x64xf32, #tpu.memory_space<vmem_shared>> -> memref<10240x64xf32, #tpu.memory_space<vmem_shared>>
      tpu.wait_indirect_dma semaphore(%arg22 : memref<!tpu.dma_semaphore, #tpu.memory_space<semaphore_mem>>) src(%arg12 : memref<125x64xf32, #tpu.memory_space<vmem>>) dst(%dma_wait3A_91 : memref<10240x64xf32, #tpu.memory_space<vmem_shared>>)
    } else {
    }
    %barrier3A_22 = arith.constant 0 : index
    tpu.barrier barrier_id(%barrier3A_22)
    %scan3A_23 = arith.constant 0 : i32
    %scan3A_24 = arith.constant 5 : i32
    %scan3A_25 = arith.addi %scan3A_23, %scan3A_24 : i32
    %scan3A_26 = arith.constant 1 : i32
    scf.for %scan3A_33 = %scan3A_23 to %scan3A_25 step %scan3A_26  : i32 {
      %mul3A = arith.constant 1 : i32
      %mul3A_34 = arith.muli %scan3A_33, %mul3A : i32
      %add3A = arith.constant 0 : i32
      %add3A_35 = arith.addi %add3A, %mul3A_34 : i32
      %mul3A_36 = arith.constant 640 : i32
      %mul3A_37 = arith.muli %arg1, %mul3A_36 : i32
      %mul3A_38 = arith.constant 128 : i32
      %mul3A_39 = arith.muli %add3A_35, %mul3A_38 : i32
      %add3A_40 = arith.addi %mul3A_37, %mul3A_39 : i32
      %mul3A_41 = arith.constant 640 : i32
      %mul3A_42 = arith.muli %arg1, %mul3A_41 : i32
      %mul3A_43 = arith.constant 128 : i32
      %mul3A_44 = arith.muli %add3A_35, %mul3A_43 : i32
      %add3A_45 = arith.addi %mul3A_42, %mul3A_44 : i32
      %dma_start3A = arith.constant 0 : i32
      %dma_start3A_46 = arith.constant 0 : i32
      %dma_start3A_47 = tpu.memref_slice %arg6[%arg0, %dma_start3A, %dma_start3A_46] : memref<2x10240x64xf32, #tpu.memory_space<hbm>> -> memref<1x10240x64xf32, #tpu.memory_space<hbm>>
      %dma_start3A_48 = tpu.memref_squeeze %dma_start3A_47 : memref<1x10240x64xf32, #tpu.memory_space<hbm>> -> memref<10240x64xf32, #tpu.memory_space<hbm>>
      %dma_start3A_49 = arith.constant 0 : i32
      %dma_start3A_50 = tpu.memref_slice %dma_start3A_48[%add3A_45, %dma_start3A_49] : memref<10240x64xf32, #tpu.memory_space<hbm>> -> memref<128x64xf32, #tpu.memory_space<hbm>>
      %dma_start3A_51 = arith.constant 0 : i32
      %dma_start3A_52 = tpu.memref_slice %arg14[%add3A_40, %dma_start3A_51] : memref<10240x64xf32, #tpu.memory_space<vmem_shared>> -> memref<128x64xf32, #tpu.memory_space<vmem_shared>>
      tpu.enqueue_dma source(%dma_start3A_52 : memref<128x64xf32, #tpu.memory_space<vmem_shared>>) target(%dma_start3A_50 : memref<128x64xf32, #tpu.memory_space<hbm>>) target_semaphore(%arg15 : memref<!tpu.dma_semaphore, #tpu.memory_space<semaphore_mem>>)
    }
    %scan3A_27 = arith.constant 5 : i32
    %scan3A_28 = arith.constant 0 : i32
    %scan3A_29 = arith.constant 5 : i32
    %scan3A_30 = arith.addi %scan3A_28, %scan3A_29 : i32
    %scan3A_31 = arith.constant 1 : i32
    scf.for %scan3A_33 = %scan3A_28 to %scan3A_30 step %scan3A_31  : i32 {
      %mul3A = arith.constant 1 : i32
      %mul3A_34 = arith.muli %scan3A_33, %mul3A : i32
      %add3A = arith.constant 0 : i32
      %add3A_35 = arith.addi %add3A, %mul3A_34 : i32
      %dma_wait3A = arith.constant 0 : i32
      %dma_wait3A_36 = arith.constant 0 : i32
      %dma_wait3A_37 = tpu.memref_slice %arg6[%arg0, %dma_wait3A, %dma_wait3A_36] : memref<2x10240x64xf32, #tpu.memory_space<hbm>> -> memref<1x10240x64xf32, #tpu.memory_space<hbm>>
      %dma_wait3A_38 = tpu.memref_squeeze %dma_wait3A_37 : memref<1x10240x64xf32, #tpu.memory_space<hbm>> -> memref<10240x64xf32, #tpu.memory_space<hbm>>
      %dma_wait3A_39 = arith.constant 0 : i32
      %dma_wait3A_40 = arith.constant 0 : i32
      %dma_wait3A_41 = tpu.memref_slice %dma_wait3A_38[%dma_wait3A_39, %dma_wait3A_40] : memref<10240x64xf32, #tpu.memory_space<hbm>> -> memref<128x64xf32, #tpu.memory_space<hbm>>
      %dma_wait3A_42 = arith.constant 0 : i32
      %dma_wait3A_43 = arith.constant 0 : i32
      %dma_wait3A_44 = tpu.memref_slice %arg14[%dma_wait3A_42, %dma_wait3A_43] : memref<10240x64xf32, #tpu.memory_space<vmem_shared>> -> memref<128x64xf32, #tpu.memory_space<vmem_shared>>
      tpu.wait_dma2 semaphore(%arg15 : memref<!tpu.dma_semaphore, #tpu.memory_space<semaphore_mem>>) src(%dma_wait3A_44 : memref<128x64xf32, #tpu.memory_space<vmem_shared>>) dst(%dma_wait3A_41 : memref<128x64xf32, #tpu.memory_space<hbm>>)
    }
    %scan3A_32 = arith.constant 5 : i32
    return
  }
}

#map = affine_map<(d0, d1) -> (0, 0, 0)>
module attributes {stable_mosaic.version = 14 : i64} {
  func.func @_deg_sc(%arg0: i32, %arg1: i32, %arg2: memref<32x80x125xi32, #tpu.memory_space<hbm>>, %arg3: memref<2x10240x16xf32, #tpu.memory_space<hbm>>, %arg4: memref<80x125xi32, #tpu.memory_space<vmem>>, %arg5: memref<125x16xf32, #tpu.memory_space<vmem>>, %arg6: memref<640x16xf32, #tpu.memory_space<vmem>>, %arg7: memref<10240x16xf32, #tpu.memory_space<vmem_shared>>, %arg8: memref<!tpu.dma_semaphore, #tpu.memory_space<semaphore_mem>>) attributes {dimension_semantics = [#tpu.dimension_semantics<core_parallel>, #tpu.dimension_semantics<subcore_parallel>], iteration_bounds = array<i64: 2, 16>, scalar_prefetch = 0 : i64, scratch_operands = 5 : i64, tpu.core_type = #tpu.core_type<sc_vector_subcore>, window_params = [{transform_indices = #map}, {transform_indices = #map}]} {
    %mul3A = arith.constant 16 : i32
    %mul3A_0 = arith.muli %arg0, %mul3A : i32
    %add3A = arith.addi %mul3A_0, %arg1 : i32
    %broadcast_in_dim3A = arith.constant 1.000000e+00 : f32
    %broadcast_in_dim3A_1 = vector.broadcast %broadcast_in_dim3A : f32 to vector<16xf32>
    %broadcast_in_dim3A_2 = arith.constant 0.000000e+00 : f32
    %broadcast_in_dim3A_3 = vector.broadcast %broadcast_in_dim3A_2 : f32 to vector<16xf32>
    %scan3A = arith.constant 0 : i32
    %scan3A_4 = arith.constant 125 : i32
    %scan3A_5 = arith.addi %scan3A, %scan3A_4 : i32
    %scan3A_6 = arith.constant 1 : i32
    scf.for %scan3A_30 = %scan3A to %scan3A_5 step %scan3A_6  : i32 {
      %mul3A_31 = arith.constant 1 : i32
      %mul3A_32 = arith.muli %scan3A_30, %mul3A_31 : i32
      %add3A_33 = arith.constant 0 : i32
      %add3A_34 = arith.addi %add3A_33, %mul3A_32 : i32
      %swap3A = arith.index_cast %add3A_34 : i32 to index
      %swap3A_35 = arith.constant 0 : index
      %swap3A_36 = tpu.vector_load %arg5[%swap3A, %swap3A_35] {strides = array<i32>} : memref<125x16xf32, #tpu.memory_space<vmem>>, vector<1x16xf32>,
      %swap3A_37 = vector.shape_cast %swap3A_36 : vector<1x16xf32> to vector<16xf32>
      %swap3A_38 = vector.shape_cast %broadcast_in_dim3A_1 : vector<16xf32> to vector<1x16xf32>
      tpu.vector_store %arg5[%swap3A, %swap3A_35], %swap3A_38 {strides = array<i32>} : memref<125x16xf32, #tpu.memory_space<vmem>>, vector<1x16xf32>,
    }
    %scan3A_7 = arith.constant 125 : i32
    %scan3A_8 = arith.constant 0 : i32
    %scan3A_9 = arith.constant 640 : i32
    %scan3A_10 = arith.addi %scan3A_8, %scan3A_9 : i32
    %scan3A_11 = arith.constant 1 : i32
    scf.for %scan3A_30 = %scan3A_8 to %scan3A_10 step %scan3A_11  : i32 {
      %mul3A_31 = arith.constant 1 : i32
      %mul3A_32 = arith.muli %scan3A_30, %mul3A_31 : i32
      %add3A_33 = arith.constant 0 : i32
      %add3A_34 = arith.addi %add3A_33, %mul3A_32 : i32
      %swap3A = arith.index_cast %add3A_34 : i32 to index
      %swap3A_35 = arith.constant 0 : index
      %swap3A_36 = tpu.vector_load %arg6[%swap3A, %swap3A_35] {strides = array<i32>} : memref<640x16xf32, #tpu.memory_space<vmem>>, vector<1x16xf32>,
      %swap3A_37 = vector.shape_cast %swap3A_36 : vector<1x16xf32> to vector<16xf32>
      %swap3A_38 = vector.shape_cast %broadcast_in_dim3A_3 : vector<16xf32> to vector<1x16xf32>
      tpu.vector_store %arg6[%swap3A, %swap3A_35], %swap3A_38 {strides = array<i32>} : memref<640x16xf32, #tpu.memory_space<vmem>>, vector<1x16xf32>,
    }
    %scan3A_12 = arith.constant 640 : i32
    %mul3A_13 = arith.constant 640 : i32
    %mul3A_14 = arith.muli %arg1, %mul3A_13 : i32
    "tpu.region"() ({
      %run_scoped3A = tpu.sem_alloc : memref<!tpu.dma_semaphore, #tpu.memory_space<semaphore_mem>>
      %dma_start3A = arith.constant 0 : i32
      %dma_start3A_30 = tpu.memref_slice %arg7[%mul3A_14, %dma_start3A] : memref<10240x16xf32, #tpu.memory_space<vmem_shared>> -> memref<640x16xf32, #tpu.memory_space<vmem_shared>>
      %dma_start3A_31 = arith.constant 0 : i32
      %dma_start3A_32 = tpu.memref_slice %arg7[%mul3A_14, %dma_start3A_31] : memref<10240x16xf32, #tpu.memory_space<vmem_shared>> -> memref<640x16xf32, #tpu.memory_space<vmem_shared>>
      tpu.enqueue_dma source(%arg6 : memref<640x16xf32, #tpu.memory_space<vmem>>) target(%dma_start3A_32 : memref<640x16xf32, #tpu.memory_space<vmem_shared>>) target_semaphore(%run_scoped3A : memref<!tpu.dma_semaphore, #tpu.memory_space<semaphore_mem>>)
      %dma_wait3A = arith.constant 0 : i32
      %dma_wait3A_33 = tpu.memref_slice %arg7[%mul3A_14, %dma_wait3A] : memref<10240x16xf32, #tpu.memory_space<vmem_shared>> -> memref<640x16xf32, #tpu.memory_space<vmem_shared>>
      %dma_wait3A_34 = arith.constant 0 : i32
      %dma_wait3A_35 = tpu.memref_slice %arg7[%mul3A_14, %dma_wait3A_34] : memref<10240x16xf32, #tpu.memory_space<vmem_shared>> -> memref<640x16xf32, #tpu.memory_space<vmem_shared>>
      tpu.wait_dma2 semaphore(%run_scoped3A : memref<!tpu.dma_semaphore, #tpu.memory_space<semaphore_mem>>) src(%arg6 : memref<640x16xf32, #tpu.memory_space<vmem>>) dst(%dma_wait3A_35 : memref<640x16xf32, #tpu.memory_space<vmem_shared>>)
      tpu.yield
    }) : () -> ()
    %barrier3A = arith.constant 0 : index
    tpu.barrier barrier_id(%barrier3A)
    "tpu.region"() ({
      %run_scoped3A = tpu.sem_alloc : memref<!tpu.dma_semaphore, #tpu.memory_space<semaphore_mem>>
      %dma_start3A = arith.constant 0 : i32
      %dma_start3A_30 = arith.constant 0 : i32
      %dma_start3A_31 = tpu.memref_slice %arg2[%add3A, %dma_start3A, %dma_start3A_30] : memref<32x80x125xi32, #tpu.memory_space<hbm>> -> memref<1x80x125xi32, #tpu.memory_space<hbm>>
      %dma_start3A_32 = tpu.memref_squeeze %dma_start3A_31 : memref<1x80x125xi32, #tpu.memory_space<hbm>> -> memref<80x125xi32, #tpu.memory_space<hbm>>
      %dma_start3A_33 = arith.constant 0 : i32
      %dma_start3A_34 = arith.constant 0 : i32
      %dma_start3A_35 = tpu.memref_slice %arg2[%add3A, %dma_start3A_33, %dma_start3A_34] : memref<32x80x125xi32, #tpu.memory_space<hbm>> -> memref<1x80x125xi32, #tpu.memory_space<hbm>>
      %dma_start3A_36 = tpu.memref_squeeze %dma_start3A_35 : memref<1x80x125xi32, #tpu.memory_space<hbm>> -> memref<80x125xi32, #tpu.memory_space<hbm>>
      tpu.enqueue_dma source(%dma_start3A_36 : memref<80x125xi32, #tpu.memory_space<hbm>>) target(%arg4 : memref<80x125xi32, #tpu.memory_space<vmem>>) target_semaphore(%run_scoped3A : memref<!tpu.dma_semaphore, #tpu.memory_space<semaphore_mem>>)
      %dma_wait3A = arith.constant 0 : i32
      %dma_wait3A_37 = arith.constant 0 : i32
      %dma_wait3A_38 = tpu.memref_slice %arg2[%add3A, %dma_wait3A, %dma_wait3A_37] : memref<32x80x125xi32, #tpu.memory_space<hbm>> -> memref<1x80x125xi32, #tpu.memory_space<hbm>>
      %dma_wait3A_39 = tpu.memref_squeeze %dma_wait3A_38 : memref<1x80x125xi32, #tpu.memory_space<hbm>> -> memref<80x125xi32, #tpu.memory_space<hbm>>
      %dma_wait3A_40 = arith.constant 0 : i32
      %dma_wait3A_41 = arith.constant 0 : i32
      %dma_wait3A_42 = tpu.memref_slice %arg2[%add3A, %dma_wait3A_40, %dma_wait3A_41] : memref<32x80x125xi32, #tpu.memory_space<hbm>> -> memref<1x80x125xi32, #tpu.memory_space<hbm>>
      %dma_wait3A_43 = tpu.memref_squeeze %dma_wait3A_42 : memref<1x80x125xi32, #tpu.memory_space<hbm>> -> memref<80x125xi32, #tpu.memory_space<hbm>>
      tpu.wait_dma2 semaphore(%run_scoped3A : memref<!tpu.dma_semaphore, #tpu.memory_space<semaphore_mem>>) src(%dma_wait3A_43 : memref<80x125xi32, #tpu.memory_space<hbm>>) dst(%arg4 : memref<80x125xi32, #tpu.memory_space<vmem>>)
      tpu.yield
    }) : () -> ()
    %scan3A_15 = arith.constant 0 : i32
    %scan3A_16 = arith.constant 80 : i32
    %scan3A_17 = arith.addi %scan3A_15, %scan3A_16 : i32
    %scan3A_18 = arith.constant 1 : i32
    scf.for %scan3A_30 = %scan3A_15 to %scan3A_17 step %scan3A_18  : i32 {
      %mul3A_31 = arith.constant 1 : i32
      %mul3A_32 = arith.muli %scan3A_30, %mul3A_31 : i32
      %add3A_33 = arith.constant 0 : i32
      %add3A_34 = arith.addi %add3A_33, %mul3A_32 : i32
      %dma_start3A = arith.constant 0 : i32
      %dma_start3A_35 = tpu.memref_slice %arg4[%add3A_34, %dma_start3A] : memref<80x125xi32, #tpu.memory_space<vmem>> -> memref<1x125xi32, #tpu.memory_space<vmem>>
      %dma_start3A_36 = tpu.memref_squeeze %dma_start3A_35 : memref<1x125xi32, #tpu.memory_space<vmem>> -> memref<125xi32, #tpu.memory_space<vmem>>
      %dma_start3A_37 = arith.constant 0 : i32
      %dma_start3A_38 = arith.constant 0 : i32
      %dma_start3A_39 = tpu.memref_slice %arg7[%dma_start3A_37, %dma_start3A_38] : memref<10240x16xf32, #tpu.memory_space<vmem_shared>> -> memref<10240x16xf32, #tpu.memory_space<vmem_shared>>
      tpu.enqueue_indirect_dma source(%arg5 : memref<125x16xf32, #tpu.memory_space<vmem>>) target(%dma_start3A_39 : memref<10240x16xf32, #tpu.memory_space<vmem_shared>>) offsets(%dma_start3A_36 : memref<125xi32, #tpu.memory_space<vmem>>) semaphore(%arg8 : memref<!tpu.dma_semaphore, #tpu.memory_space<semaphore_mem>>) {add = true}
    }
    %scan3A_19 = arith.constant 80 : i32
    %scan3A_20 = arith.constant 0 : i32
    %scan3A_21 = arith.constant 80 : i32
    %scan3A_22 = arith.addi %scan3A_20, %scan3A_21 : i32
    %scan3A_23 = arith.constant 1 : i32
    scf.for %scan3A_30 = %scan3A_20 to %scan3A_22 step %scan3A_23  : i32 {
      %mul3A_31 = arith.constant 1 : i32
      %mul3A_32 = arith.muli %scan3A_30, %mul3A_31 : i32
      %add3A_33 = arith.constant 0 : i32
      %add3A_34 = arith.addi %add3A_33, %mul3A_32 : i32
      %dma_wait3A = arith.constant 0 : i32
      %dma_wait3A_35 = arith.constant 0 : i32
      %dma_wait3A_36 = tpu.memref_slice %arg4[%dma_wait3A, %dma_wait3A_35] : memref<80x125xi32, #tpu.memory_space<vmem>> -> memref<1x125xi32, #tpu.memory_space<vmem>>
      %dma_wait3A_37 = tpu.memref_squeeze %dma_wait3A_36 : memref<1x125xi32, #tpu.memory_space<vmem>> -> memref<125xi32, #tpu.memory_space<vmem>>
      %dma_wait3A_38 = arith.constant 0 : i32
      %dma_wait3A_39 = arith.constant 0 : i32
      %dma_wait3A_40 = tpu.memref_slice %arg7[%dma_wait3A_38, %dma_wait3A_39] : memref<10240x16xf32, #tpu.memory_space<vmem_shared>> -> memref<10240x16xf32, #tpu.memory_space<vmem_shared>>
      tpu.wait_indirect_dma semaphore(%arg8 : memref<!tpu.dma_semaphore, #tpu.memory_space<semaphore_mem>>) src(%arg5 : memref<125x16xf32, #tpu.memory_space<vmem>>) dst(%dma_wait3A_40 : memref<10240x16xf32, #tpu.memory_space<vmem_shared>>)
    }
    %scan3A_24 = arith.constant 80 : i32
    %barrier3A_25 = arith.constant 0 : index
    tpu.barrier barrier_id(%barrier3A_25)
    %mul3A_26 = arith.constant 640 : i32
    %mul3A_27 = arith.muli %arg1, %mul3A_26 : i32
    %mul3A_28 = arith.constant 640 : i32
    %mul3A_29 = arith.muli %arg1, %mul3A_28 : i32
    "tpu.region"() ({
      %run_scoped3A = tpu.sem_alloc : memref<!tpu.dma_semaphore, #tpu.memory_space<semaphore_mem>>
      %dma_start3A = arith.constant 0 : i32
      %dma_start3A_30 = arith.constant 0 : i32
      %dma_start3A_31 = tpu.memref_slice %arg3[%arg0, %dma_start3A, %dma_start3A_30] : memref<2x10240x16xf32, #tpu.memory_space<hbm>> -> memref<1x10240x16xf32, #tpu.memory_space<hbm>>
      %dma_start3A_32 = tpu.memref_squeeze %dma_start3A_31 : memref<1x10240x16xf32, #tpu.memory_space<hbm>> -> memref<10240x16xf32, #tpu.memory_space<hbm>>
      %dma_start3A_33 = arith.constant 0 : i32
      %dma_start3A_34 = tpu.memref_slice %dma_start3A_32[%mul3A_29, %dma_start3A_33] : memref<10240x16xf32, #tpu.memory_space<hbm>> -> memref<640x16xf32, #tpu.memory_space<hbm>>
      %dma_start3A_35 = arith.constant 0 : i32
      %dma_start3A_36 = tpu.memref_slice %arg7[%mul3A_27, %dma_start3A_35] : memref<10240x16xf32, #tpu.memory_space<vmem_shared>> -> memref<640x16xf32, #tpu.memory_space<vmem_shared>>
      tpu.enqueue_dma source(%dma_start3A_36 : memref<640x16xf32, #tpu.memory_space<vmem_shared>>) target(%dma_start3A_34 : memref<640x16xf32, #tpu.memory_space<hbm>>) target_semaphore(%run_scoped3A : memref<!tpu.dma_semaphore, #tpu.memory_space<semaphore_mem>>)
      %dma_wait3A = arith.constant 0 : i32
      %dma_wait3A_37 = arith.constant 0 : i32
      %dma_wait3A_38 = tpu.memref_slice %arg3[%arg0, %dma_wait3A, %dma_wait3A_37] : memref<2x10240x16xf32, #tpu.memory_space<hbm>> -> memref<1x10240x16xf32, #tpu.memory_space<hbm>>
      %dma_wait3A_39 = tpu.memref_squeeze %dma_wait3A_38 : memref<1x10240x16xf32, #tpu.memory_space<hbm>> -> memref<10240x16xf32, #tpu.memory_space<hbm>>
      %dma_wait3A_40 = arith.constant 0 : i32
      %dma_wait3A_41 = tpu.memref_slice %dma_wait3A_39[%mul3A_29, %dma_wait3A_40] : memref<10240x16xf32, #tpu.memory_space<hbm>> -> memref<640x16xf32, #tpu.memory_space<hbm>>
      %dma_wait3A_42 = arith.constant 0 : i32
      %dma_wait3A_43 = tpu.memref_slice %arg7[%mul3A_27, %dma_wait3A_42] : memref<10240x16xf32, #tpu.memory_space<vmem_shared>> -> memref<640x16xf32, #tpu.memory_space<vmem_shared>>
      tpu.wait_dma2 semaphore(%run_scoped3A : memref<!tpu.dma_semaphore, #tpu.memory_space<semaphore_mem>>) src(%dma_wait3A_43 : memref<640x16xf32, #tpu.memory_space<vmem_shared>>) dst(%dma_wait3A_41 : memref<640x16xf32, #tpu.memory_space<hbm>>)
      tpu.yield
    }) : () -> ()
    return
  }
}

#map = affine_map<(d0, d1) -> (0, 0)>
#map1 = affine_map<(d0, d1) -> (0, 0, 0)>
module attributes {stable_mosaic.version = 14 : i64} {
  func.func @_spmm_sc(%arg0: i32, %arg1: i32, %arg2: memref<10000x64xf32, #tpu.memory_space<hbm>>, %arg3: memref<10000x64xf32, #tpu.memory_space<hbm>>, %arg4: memref<16x160x125xi32, #tpu.memory_space<hbm>>, %arg5: memref<16x160x125xi32, #tpu.memory_space<hbm>>, %arg6: memref<2x10240x64xf32, #tpu.memory_space<hbm>>, %arg7: memref<160x125xi32, #tpu.memory_space<vmem>>, %arg8: memref<160x125xi32, #tpu.memory_space<vmem>>, %arg9: memref<125x64xf32, #tpu.memory_space<vmem>>, %arg10: memref<125x64xf32, #tpu.memory_space<vmem>>, %arg11: memref<125x64xf32, #tpu.memory_space<vmem>>, %arg12: memref<125x64xf32, #tpu.memory_space<vmem>>, %arg13: memref<128x64xf32, #tpu.memory_space<vmem>>, %arg14: memref<10240x64xf32, #tpu.memory_space<vmem_shared>>, %arg15: memref<!tpu.dma_semaphore, #tpu.memory_space<semaphore_mem>>, %arg16: memref<!tpu.dma_semaphore, #tpu.memory_space<semaphore_mem>>, %arg17: memref<!tpu.dma_semaphore, #tpu.memory_space<semaphore_mem>>, %arg18: memref<!tpu.dma_semaphore, #tpu.memory_space<semaphore_mem>>, %arg19: memref<!tpu.dma_semaphore, #tpu.memory_space<semaphore_mem>>, %arg20: memref<!tpu.dma_semaphore, #tpu.memory_space<semaphore_mem>>, %arg21: memref<!tpu.dma_semaphore, #tpu.memory_space<semaphore_mem>>, %arg22: memref<!tpu.dma_semaphore, #tpu.memory_space<semaphore_mem>>) attributes {dimension_semantics = [#tpu.dimension_semantics<core_parallel>, #tpu.dimension_semantics<subcore_parallel>], iteration_bounds = array<i64: 2, 16>, scalar_prefetch = 0 : i64, scratch_operands = 16 : i64, tpu.core_type = #tpu.core_type<sc_vector_subcore>, window_params = [{transform_indices = #map}, {transform_indices = #map}, {transform_indices = #map1}, {transform_indices = #map1}, {transform_indices = #map1}]} {
    %broadcast_in_dim3A = arith.constant 0.000000e+00 : f32
    %broadcast_in_dim3A_0 = vector.broadcast %broadcast_in_dim3A : f32 to vector<16xf32>
    %scan3A = arith.constant 0 : i32
    %scan3A_1 = arith.constant 128 : i32
    %scan3A_2 = arith.addi %scan3A, %scan3A_1 : i32
    %scan3A_3 = arith.constant 1 : i32
    scf.for %scan3A_33 = %scan3A to %scan3A_2 step %scan3A_3  : i32 {
      %mul3A = arith.constant 1 : i32
      %mul3A_34 = arith.muli %scan3A_33, %mul3A : i32
      %add3A = arith.constant 0 : i32
      %add3A_35 = arith.addi %add3A, %mul3A_34 : i32
      %scan3A_36 = arith.constant 0 : i32
      %scan3A_37 = arith.constant 4 : i32
      %scan3A_38 = arith.addi %scan3A_36, %scan3A_37 : i32
      %scan3A_39 = arith.constant 1 : i32
      scf.for %scan3A_41 = %scan3A_36 to %scan3A_38 step %scan3A_39  : i32 {
        %mul3A_42 = arith.constant 1 : i32
        %mul3A_43 = arith.muli %scan3A_41, %mul3A_42 : i32
        %add3A_44 = arith.constant 0 : i32
        %add3A_45 = arith.addi %add3A_44, %mul3A_43 : i32
        %mul3A_46 = arith.constant 16 : i32
        %mul3A_47 = arith.muli %add3A_45, %mul3A_46 : i32
        %swap3A = arith.index_cast %add3A_35 : i32 to index
        %swap3A_48 = arith.index_cast %mul3A_47 : i32 to index
        %swap3A_49 = tpu.vector_load %arg13[%swap3A, %swap3A_48] {strides = array<i32>} : memref<128x64xf32, #tpu.memory_space<vmem>>, vector<1x16xf32>,
        %swap3A_50 = vector.shape_cast %swap3A_49 : vector<1x16xf32> to vector<16xf32>
        %swap3A_51 = vector.shape_cast %broadcast_in_dim3A_0 : vector<16xf32> to vector<1x16xf32>
        tpu.vector_store %arg13[%swap3A, %swap3A_48], %swap3A_51 {strides = array<i32>} : memref<128x64xf32, #tpu.memory_space<vmem>>, vector<1x16xf32>,
      }
      %scan3A_40 = arith.constant 4 : i32
    }
    %scan3A_4 = arith.constant 128 : i32
    %scan3A_5 = arith.constant 0 : i32
    %scan3A_6 = arith.constant 5 : i32
    %scan3A_7 = arith.addi %scan3A_5, %scan3A_6 : i32
    %scan3A_8 = arith.constant 1 : i32
    scf.for %scan3A_33 = %scan3A_5 to %scan3A_7 step %scan3A_8  : i32 {
      %mul3A = arith.constant 1 : i32
      %mul3A_34 = arith.muli %scan3A_33, %mul3A : i32
      %add3A = arith.constant 0 : i32
      %add3A_35 = arith.addi %add3A, %mul3A_34 : i32
      %mul3A_36 = arith.constant 640 : i32
      %mul3A_37 = arith.muli %arg1, %mul3A_36 : i32
      %mul3A_38 = arith.constant 128 : i32
      %mul3A_39 = arith.muli %add3A_35, %mul3A_38 : i32
      %add3A_40 = arith.addi %mul3A_37, %mul3A_39 : i32
      %dma_start3A = arith.constant 0 : i32
      %dma_start3A_41 = tpu.memref_slice %arg14[%add3A_40, %dma_start3A] : memref<10240x64xf32, #tpu.memory_space<vmem_shared>> -> memref<128x64xf32, #tpu.memory_space<vmem_shared>>
      %dma_start3A_42 = arith.constant 0 : i32
      %dma_start3A_43 = tpu.memref_slice %arg14[%add3A_40, %dma_start3A_42] : memref<10240x64xf32, #tpu.memory_space<vmem_shared>> -> memref<128x64xf32, #tpu.memory_space<vmem_shared>>
      tpu.enqueue_dma source(%arg13 : memref<128x64xf32, #tpu.memory_space<vmem>>) target(%dma_start3A_43 : memref<128x64xf32, #tpu.memory_space<vmem_shared>>) target_semaphore(%arg15 : memref<!tpu.dma_semaphore, #tpu.memory_space<semaphore_mem>>)
    }
    %scan3A_9 = arith.constant 5 : i32
    %scan3A_10 = arith.constant 0 : i32
    %scan3A_11 = arith.constant 5 : i32
    %scan3A_12 = arith.addi %scan3A_10, %scan3A_11 : i32
    %scan3A_13 = arith.constant 1 : i32
    scf.for %scan3A_33 = %scan3A_10 to %scan3A_12 step %scan3A_13  : i32 {
      %mul3A = arith.constant 1 : i32
      %mul3A_34 = arith.muli %scan3A_33, %mul3A : i32
      %add3A = arith.constant 0 : i32
      %add3A_35 = arith.addi %add3A, %mul3A_34 : i32
      %dma_wait3A = arith.constant 0 : i32
      %dma_wait3A_36 = arith.constant 0 : i32
      %dma_wait3A_37 = tpu.memref_slice %arg14[%dma_wait3A, %dma_wait3A_36] : memref<10240x64xf32, #tpu.memory_space<vmem_shared>> -> memref<128x64xf32, #tpu.memory_space<vmem_shared>>
      %dma_wait3A_38 = arith.constant 0 : i32
      %dma_wait3A_39 = arith.constant 0 : i32
      %dma_wait3A_40 = tpu.memref_slice %arg14[%dma_wait3A_38, %dma_wait3A_39] : memref<10240x64xf32, #tpu.memory_space<vmem_shared>> -> memref<128x64xf32, #tpu.memory_space<vmem_shared>>
      tpu.wait_dma2 semaphore(%arg15 : memref<!tpu.dma_semaphore, #tpu.memory_space<semaphore_mem>>) src(%arg13 : memref<128x64xf32, #tpu.memory_space<vmem>>) dst(%dma_wait3A_40 : memref<128x64xf32, #tpu.memory_space<vmem_shared>>)
    }
    %scan3A_14 = arith.constant 5 : i32
    %barrier3A = arith.constant 0 : index
    tpu.barrier barrier_id(%barrier3A)
    "tpu.region"() ({
      %run_scoped3A = tpu.sem_alloc : memref<!tpu.dma_semaphore, #tpu.memory_space<semaphore_mem>>
      %dma_start3A = arith.constant 0 : i32
      %dma_start3A_33 = arith.constant 0 : i32
      %dma_start3A_34 = tpu.memref_slice %arg4[%arg1, %dma_start3A, %dma_start3A_33] : memref<16x160x125xi32, #tpu.memory_space<hbm>> -> memref<1x160x125xi32, #tpu.memory_space<hbm>>
      %dma_start3A_35 = tpu.memref_squeeze %dma_start3A_34 : memref<1x160x125xi32, #tpu.memory_space<hbm>> -> memref<160x125xi32, #tpu.memory_space<hbm>>
      %dma_start3A_36 = arith.constant 0 : i32
      %dma_start3A_37 = arith.constant 0 : i32
      %dma_start3A_38 = tpu.memref_slice %arg4[%arg1, %dma_start3A_36, %dma_start3A_37] : memref<16x160x125xi32, #tpu.memory_space<hbm>> -> memref<1x160x125xi32, #tpu.memory_space<hbm>>
      %dma_start3A_39 = tpu.memref_squeeze %dma_start3A_38 : memref<1x160x125xi32, #tpu.memory_space<hbm>> -> memref<160x125xi32, #tpu.memory_space<hbm>>
      tpu.enqueue_dma source(%dma_start3A_39 : memref<160x125xi32, #tpu.memory_space<hbm>>) target(%arg7 : memref<160x125xi32, #tpu.memory_space<vmem>>) target_semaphore(%run_scoped3A : memref<!tpu.dma_semaphore, #tpu.memory_space<semaphore_mem>>)
      %dma_wait3A = arith.constant 0 : i32
      %dma_wait3A_40 = arith.constant 0 : i32
      %dma_wait3A_41 = tpu.memref_slice %arg4[%arg1, %dma_wait3A, %dma_wait3A_40] : memref<16x160x125xi32, #tpu.memory_space<hbm>> -> memref<1x160x125xi32, #tpu.memory_space<hbm>>
      %dma_wait3A_42 = tpu.memref_squeeze %dma_wait3A_41 : memref<1x160x125xi32, #tpu.memory_space<hbm>> -> memref<160x125xi32, #tpu.memory_space<hbm>>
      %dma_wait3A_43 = arith.constant 0 : i32
      %dma_wait3A_44 = arith.constant 0 : i32
      %dma_wait3A_45 = tpu.memref_slice %arg4[%arg1, %dma_wait3A_43, %dma_wait3A_44] : memref<16x160x125xi32, #tpu.memory_space<hbm>> -> memref<1x160x125xi32, #tpu.memory_space<hbm>>
      %dma_wait3A_46 = tpu.memref_squeeze %dma_wait3A_45 : memref<1x160x125xi32, #tpu.memory_space<hbm>> -> memref<160x125xi32, #tpu.memory_space<hbm>>
      tpu.wait_dma2 semaphore(%run_scoped3A : memref<!tpu.dma_semaphore, #tpu.memory_space<semaphore_mem>>) src(%dma_wait3A_46 : memref<160x125xi32, #tpu.memory_space<hbm>>) dst(%arg7 : memref<160x125xi32, #tpu.memory_space<vmem>>)
      tpu.yield
    }) : () -> ()
    "tpu.region"() ({
      %run_scoped3A = tpu.sem_alloc : memref<!tpu.dma_semaphore, #tpu.memory_space<semaphore_mem>>
      %dma_start3A = arith.constant 0 : i32
      %dma_start3A_33 = arith.constant 0 : i32
      %dma_start3A_34 = tpu.memref_slice %arg5[%arg1, %dma_start3A, %dma_start3A_33] : memref<16x160x125xi32, #tpu.memory_space<hbm>> -> memref<1x160x125xi32, #tpu.memory_space<hbm>>
      %dma_start3A_35 = tpu.memref_squeeze %dma_start3A_34 : memref<1x160x125xi32, #tpu.memory_space<hbm>> -> memref<160x125xi32, #tpu.memory_space<hbm>>
      %dma_start3A_36 = arith.constant 0 : i32
      %dma_start3A_37 = arith.constant 0 : i32
      %dma_start3A_38 = tpu.memref_slice %arg5[%arg1, %dma_start3A_36, %dma_start3A_37] : memref<16x160x125xi32, #tpu.memory_space<hbm>> -> memref<1x160x125xi32, #tpu.memory_space<hbm>>
      %dma_start3A_39 = tpu.memref_squeeze %dma_start3A_38 : memref<1x160x125xi32, #tpu.memory_space<hbm>> -> memref<160x125xi32, #tpu.memory_space<hbm>>
      tpu.enqueue_dma source(%dma_start3A_39 : memref<160x125xi32, #tpu.memory_space<hbm>>) target(%arg8 : memref<160x125xi32, #tpu.memory_space<vmem>>) target_semaphore(%run_scoped3A : memref<!tpu.dma_semaphore, #tpu.memory_space<semaphore_mem>>)
      %dma_wait3A = arith.constant 0 : i32
      %dma_wait3A_40 = arith.constant 0 : i32
      %dma_wait3A_41 = tpu.memref_slice %arg5[%arg1, %dma_wait3A, %dma_wait3A_40] : memref<16x160x125xi32, #tpu.memory_space<hbm>> -> memref<1x160x125xi32, #tpu.memory_space<hbm>>
      %dma_wait3A_42 = tpu.memref_squeeze %dma_wait3A_41 : memref<1x160x125xi32, #tpu.memory_space<hbm>> -> memref<160x125xi32, #tpu.memory_space<hbm>>
      %dma_wait3A_43 = arith.constant 0 : i32
      %dma_wait3A_44 = arith.constant 0 : i32
      %dma_wait3A_45 = tpu.memref_slice %arg5[%arg1, %dma_wait3A_43, %dma_wait3A_44] : memref<16x160x125xi32, #tpu.memory_space<hbm>> -> memref<1x160x125xi32, #tpu.memory_space<hbm>>
      %dma_wait3A_46 = tpu.memref_squeeze %dma_wait3A_45 : memref<1x160x125xi32, #tpu.memory_space<hbm>> -> memref<160x125xi32, #tpu.memory_space<hbm>>
      tpu.wait_dma2 semaphore(%run_scoped3A : memref<!tpu.dma_semaphore, #tpu.memory_space<semaphore_mem>>) src(%dma_wait3A_46 : memref<160x125xi32, #tpu.memory_space<hbm>>) dst(%arg8 : memref<160x125xi32, #tpu.memory_space<vmem>>)
      tpu.yield
    }) : () -> ()
    %eq3A = arith.constant 0 : i32
    %eq3A_15 = arith.cmpi eq, %arg0, %eq3A : i32
    %convert_element_type3A = arith.extui %eq3A_15 : i1 to i32
    %cond3A = arith.constant 0 : i32
    %cond3A_16 = arith.cmpi ne, %convert_element_type3A, %cond3A : i32
    scf.if %cond3A_16 {
      %dma_start3A = arith.constant 0 : i32
      %dma_start3A_33 = arith.constant 0 : i32
      %dma_start3A_34 = tpu.memref_slice %arg7[%dma_start3A, %dma_start3A_33] : memref<160x125xi32, #tpu.memory_space<vmem>> -> memref<1x125xi32, #tpu.memory_space<vmem>>
      %dma_start3A_35 = tpu.memref_squeeze %dma_start3A_34 : memref<1x125xi32, #tpu.memory_space<vmem>> -> memref<125xi32, #tpu.memory_space<vmem>>
      %dma_start3A_36 = arith.constant 0 : i32
      %dma_start3A_37 = arith.constant 0 : i32
      %dma_start3A_38 = tpu.memref_slice %arg2[%dma_start3A_36, %dma_start3A_37] : memref<10000x64xf32, #tpu.memory_space<hbm>> -> memref<10000x64xf32, #tpu.memory_space<hbm>>
      tpu.enqueue_indirect_dma source(%dma_start3A_38 : memref<10000x64xf32, #tpu.memory_space<hbm>>) target(%arg9 : memref<125x64xf32, #tpu.memory_space<vmem>>) offsets(%dma_start3A_35 : memref<125xi32, #tpu.memory_space<vmem>>) semaphore(%arg15 : memref<!tpu.dma_semaphore, #tpu.memory_space<semaphore_mem>>)
      %dma_start3A_39 = arith.constant 1 : i32
      %dma_start3A_40 = arith.constant 0 : i32
      %dma_start3A_41 = tpu.memref_slice %arg7[%dma_start3A_39, %dma_start3A_40] : memref<160x125xi32, #tpu.memory_space<vmem>> -> memref<1x125xi32, #tpu.memory_space<vmem>>
      %dma_start3A_42 = tpu.memref_squeeze %dma_start3A_41 : memref<1x125xi32, #tpu.memory_space<vmem>> -> memref<125xi32, #tpu.memory_space<vmem>>
      %dma_start3A_43 = arith.constant 0 : i32
      %dma_start3A_44 = arith.constant 0 : i32
      %dma_start3A_45 = tpu.memref_slice %arg2[%dma_start3A_43, %dma_start3A_44] : memref<10000x64xf32, #tpu.memory_space<hbm>> -> memref<10000x64xf32, #tpu.memory_space<hbm>>
      tpu.enqueue_indirect_dma source(%dma_start3A_45 : memref<10000x64xf32, #tpu.memory_space<hbm>>) target(%arg10 : memref<125x64xf32, #tpu.memory_space<vmem>>) offsets(%dma_start3A_42 : memref<125xi32, #tpu.memory_space<vmem>>) semaphore(%arg16 : memref<!tpu.dma_semaphore, #tpu.memory_space<semaphore_mem>>)
      %dma_start3A_46 = arith.constant 2 : i32
      %dma_start3A_47 = arith.constant 0 : i32
      %dma_start3A_48 = tpu.memref_slice %arg7[%dma_start3A_46, %dma_start3A_47] : memref<160x125xi32, #tpu.memory_space<vmem>> -> memref<1x125xi32, #tpu.memory_space<vmem>>
      %dma_start3A_49 = tpu.memref_squeeze %dma_start3A_48 : memref<1x125xi32, #tpu.memory_space<vmem>> -> memref<125xi32, #tpu.memory_space<vmem>>
      %dma_start3A_50 = arith.constant 0 : i32
      %dma_start3A_51 = arith.constant 0 : i32
      %dma_start3A_52 = tpu.memref_slice %arg2[%dma_start3A_50, %dma_start3A_51] : memref<10000x64xf32, #tpu.memory_space<hbm>> -> memref<10000x64xf32, #tpu.memory_space<hbm>>
      tpu.enqueue_indirect_dma source(%dma_start3A_52 : memref<10000x64xf32, #tpu.memory_space<hbm>>) target(%arg11 : memref<125x64xf32, #tpu.memory_space<vmem>>) offsets(%dma_start3A_49 : memref<125xi32, #tpu.memory_space<vmem>>) semaphore(%arg17 : memref<!tpu.dma_semaphore, #tpu.memory_space<semaphore_mem>>)
      %dma_start3A_53 = arith.constant 3 : i32
      %dma_start3A_54 = arith.constant 0 : i32
      %dma_start3A_55 = tpu.memref_slice %arg7[%dma_start3A_53, %dma_start3A_54] : memref<160x125xi32, #tpu.memory_space<vmem>> -> memref<1x125xi32, #tpu.memory_space<vmem>>
      %dma_start3A_56 = tpu.memref_squeeze %dma_start3A_55 : memref<1x125xi32, #tpu.memory_space<vmem>> -> memref<125xi32, #tpu.memory_space<vmem>>
      %dma_start3A_57 = arith.constant 0 : i32
      %dma_start3A_58 = arith.constant 0 : i32
      %dma_start3A_59 = tpu.memref_slice %arg2[%dma_start3A_57, %dma_start3A_58] : memref<10000x64xf32, #tpu.memory_space<hbm>> -> memref<10000x64xf32, #tpu.memory_space<hbm>>
      tpu.enqueue_indirect_dma source(%dma_start3A_59 : memref<10000x64xf32, #tpu.memory_space<hbm>>) target(%arg12 : memref<125x64xf32, #tpu.memory_space<vmem>>) offsets(%dma_start3A_56 : memref<125xi32, #tpu.memory_space<vmem>>) semaphore(%arg18 : memref<!tpu.dma_semaphore, #tpu.memory_space<semaphore_mem>>)
      %scan3A_60 = arith.constant 0 : i32
      %scan3A_61 = arith.constant 40 : i32
      %scan3A_62 = arith.addi %scan3A_60, %scan3A_61 : i32
      %scan3A_63 = arith.constant 1 : i32
      scf.for %scan3A_92 = %scan3A_60 to %scan3A_62 step %scan3A_63  : i32 {
        %mul3A = arith.constant 1 : i32
        %mul3A_93 = arith.muli %scan3A_92, %mul3A : i32
        %add3A = arith.constant 0 : i32
        %add3A_94 = arith.addi %add3A, %mul3A_93 : i32
        %mul3A_95 = arith.constant 4 : i32
        %mul3A_96 = arith.muli %mul3A_95, %add3A_94 : i32
        %add3A_97 = arith.constant 0 : i32
        %add3A_98 = arith.addi %mul3A_96, %add3A_97 : i32
        %lt3A = arith.constant 160 : i32
        %lt3A_99 = arith.cmpi slt, %add3A_98, %lt3A : i32
        %convert_element_type3A_100 = arith.extui %lt3A_99 : i1 to i32
        %cond3A_101 = arith.constant 0 : i32
        %cond3A_102 = arith.cmpi ne, %convert_element_type3A_100, %cond3A_101 : i32
        scf.if %cond3A_102 {
          %add3A_160 = arith.constant 0 : i32
          %add3A_161 = arith.addi %mul3A_96, %add3A_160 : i32
          %dma_wait3A_162 = arith.constant 0 : i32
          %dma_wait3A_163 = tpu.memref_slice %arg7[%add3A_161, %dma_wait3A_162] : memref<160x125xi32, #tpu.memory_space<vmem>> -> memref<1x125xi32, #tpu.memory_space<vmem>>
          %dma_wait3A_164 = tpu.memref_squeeze %dma_wait3A_163 : memref<1x125xi32, #tpu.memory_space<vmem>> -> memref<125xi32, #tpu.memory_space<vmem>>
          %dma_wait3A_165 = arith.constant 0 : i32
          %dma_wait3A_166 = arith.constant 0 : i32
          %dma_wait3A_167 = tpu.memref_slice %arg2[%dma_wait3A_165, %dma_wait3A_166] : memref<10000x64xf32, #tpu.memory_space<hbm>> -> memref<10000x64xf32, #tpu.memory_space<hbm>>
          tpu.wait_indirect_dma semaphore(%arg15 : memref<!tpu.dma_semaphore, #tpu.memory_space<semaphore_mem>>) src(%dma_wait3A_167 : memref<10000x64xf32, #tpu.memory_space<hbm>>) dst(%arg9 : memref<125x64xf32, #tpu.memory_space<vmem>>)
          %dma_start3A_168 = arith.constant 0 : i32
          %dma_start3A_169 = tpu.memref_slice %arg8[%add3A_161, %dma_start3A_168] : memref<160x125xi32, #tpu.memory_space<vmem>> -> memref<1x125xi32, #tpu.memory_space<vmem>>
          %dma_start3A_170 = tpu.memref_squeeze %dma_start3A_169 : memref<1x125xi32, #tpu.memory_space<vmem>> -> memref<125xi32, #tpu.memory_space<vmem>>
          %dma_start3A_171 = arith.constant 0 : i32
          %dma_start3A_172 = arith.constant 0 : i32
          %dma_start3A_173 = tpu.memref_slice %arg14[%dma_start3A_171, %dma_start3A_172] : memref<10240x64xf32, #tpu.memory_space<vmem_shared>> -> memref<10240x64xf32, #tpu.memory_space<vmem_shared>>
          tpu.enqueue_indirect_dma source(%arg9 : memref<125x64xf32, #tpu.memory_space<vmem>>) target(%dma_start3A_173 : memref<10240x64xf32, #tpu.memory_space<vmem_shared>>) offsets(%dma_start3A_170 : memref<125xi32, #tpu.memory_space<vmem>>) semaphore(%arg19 : memref<!tpu.dma_semaphore, #tpu.memory_space<semaphore_mem>>) {add = true}
        } else {
        }
        %add3A_103 = arith.constant 1 : i32
        %add3A_104 = arith.addi %mul3A_96, %add3A_103 : i32
        %lt3A_105 = arith.constant 160 : i32
        %lt3A_106 = arith.cmpi slt, %add3A_104, %lt3A_105 : i32
        %convert_element_type3A_107 = arith.extui %lt3A_106 : i1 to i32
        %cond3A_108 = arith.constant 0 : i32
        %cond3A_109 = arith.cmpi ne, %convert_element_type3A_107, %cond3A_108 : i32
        scf.if %cond3A_109 {
          %add3A_160 = arith.constant 1 : i32
          %add3A_161 = arith.addi %mul3A_96, %add3A_160 : i32
          %dma_wait3A_162 = arith.constant 0 : i32
          %dma_wait3A_163 = tpu.memref_slice %arg7[%add3A_161, %dma_wait3A_162] : memref<160x125xi32, #tpu.memory_space<vmem>> -> memref<1x125xi32, #tpu.memory_space<vmem>>
          %dma_wait3A_164 = tpu.memref_squeeze %dma_wait3A_163 : memref<1x125xi32, #tpu.memory_space<vmem>> -> memref<125xi32, #tpu.memory_space<vmem>>
          %dma_wait3A_165 = arith.constant 0 : i32
          %dma_wait3A_166 = arith.constant 0 : i32
          %dma_wait3A_167 = tpu.memref_slice %arg2[%dma_wait3A_165, %dma_wait3A_166] : memref<10000x64xf32, #tpu.memory_space<hbm>> -> memref<10000x64xf32, #tpu.memory_space<hbm>>
          tpu.wait_indirect_dma semaphore(%arg16 : memref<!tpu.dma_semaphore, #tpu.memory_space<semaphore_mem>>) src(%dma_wait3A_167 : memref<10000x64xf32, #tpu.memory_space<hbm>>) dst(%arg10 : memref<125x64xf32, #tpu.memory_space<vmem>>)
          %dma_start3A_168 = arith.constant 0 : i32
          %dma_start3A_169 = tpu.memref_slice %arg8[%add3A_161, %dma_start3A_168] : memref<160x125xi32, #tpu.memory_space<vmem>> -> memref<1x125xi32, #tpu.memory_space<vmem>>
          %dma_start3A_170 = tpu.memref_squeeze %dma_start3A_169 : memref<1x125xi32, #tpu.memory_space<vmem>> -> memref<125xi32, #tpu.memory_space<vmem>>
          %dma_start3A_171 = arith.constant 0 : i32
          %dma_start3A_172 = arith.constant 0 : i32
          %dma_start3A_173 = tpu.memref_slice %arg14[%dma_start3A_171, %dma_start3A_172] : memref<10240x64xf32, #tpu.memory_space<vmem_shared>> -> memref<10240x64xf32, #tpu.memory_space<vmem_shared>>
          tpu.enqueue_indirect_dma source(%arg10 : memref<125x64xf32, #tpu.memory_space<vmem>>) target(%dma_start3A_173 : memref<10240x64xf32, #tpu.memory_space<vmem_shared>>) offsets(%dma_start3A_170 : memref<125xi32, #tpu.memory_space<vmem>>) semaphore(%arg20 : memref<!tpu.dma_semaphore, #tpu.memory_space<semaphore_mem>>) {add = true}
        } else {
        }
        %add3A_110 = arith.constant 2 : i32
        %add3A_111 = arith.addi %mul3A_96, %add3A_110 : i32
        %lt3A_112 = arith.constant 160 : i32
        %lt3A_113 = arith.cmpi slt, %add3A_111, %lt3A_112 : i32
        %convert_element_type3A_114 = arith.extui %lt3A_113 : i1 to i32
        %cond3A_115 = arith.constant 0 : i32
        %cond3A_116 = arith.cmpi ne, %convert_element_type3A_114, %cond3A_115 : i32
        scf.if %cond3A_116 {
          %add3A_160 = arith.constant 2 : i32
          %add3A_161 = arith.addi %mul3A_96, %add3A_160 : i32
          %dma_wait3A_162 = arith.constant 0 : i32
          %dma_wait3A_163 = tpu.memref_slice %arg7[%add3A_161, %dma_wait3A_162] : memref<160x125xi32, #tpu.memory_space<vmem>> -> memref<1x125xi32, #tpu.memory_space<vmem>>
          %dma_wait3A_164 = tpu.memref_squeeze %dma_wait3A_163 : memref<1x125xi32, #tpu.memory_space<vmem>> -> memref<125xi32, #tpu.memory_space<vmem>>
          %dma_wait3A_165 = arith.constant 0 : i32
          %dma_wait3A_166 = arith.constant 0 : i32
          %dma_wait3A_167 = tpu.memref_slice %arg2[%dma_wait3A_165, %dma_wait3A_166] : memref<10000x64xf32, #tpu.memory_space<hbm>> -> memref<10000x64xf32, #tpu.memory_space<hbm>>
          tpu.wait_indirect_dma semaphore(%arg17 : memref<!tpu.dma_semaphore, #tpu.memory_space<semaphore_mem>>) src(%dma_wait3A_167 : memref<10000x64xf32, #tpu.memory_space<hbm>>) dst(%arg11 : memref<125x64xf32, #tpu.memory_space<vmem>>)
          %dma_start3A_168 = arith.constant 0 : i32
          %dma_start3A_169 = tpu.memref_slice %arg8[%add3A_161, %dma_start3A_168] : memref<160x125xi32, #tpu.memory_space<vmem>> -> memref<1x125xi32, #tpu.memory_space<vmem>>
          %dma_start3A_170 = tpu.memref_squeeze %dma_start3A_169 : memref<1x125xi32, #tpu.memory_space<vmem>> -> memref<125xi32, #tpu.memory_space<vmem>>
          %dma_start3A_171 = arith.constant 0 : i32
          %dma_start3A_172 = arith.constant 0 : i32
          %dma_start3A_173 = tpu.memref_slice %arg14[%dma_start3A_171, %dma_start3A_172] : memref<10240x64xf32, #tpu.memory_space<vmem_shared>> -> memref<10240x64xf32, #tpu.memory_space<vmem_shared>>
          tpu.enqueue_indirect_dma source(%arg11 : memref<125x64xf32, #tpu.memory_space<vmem>>) target(%dma_start3A_173 : memref<10240x64xf32, #tpu.memory_space<vmem_shared>>) offsets(%dma_start3A_170 : memref<125xi32, #tpu.memory_space<vmem>>) semaphore(%arg21 : memref<!tpu.dma_semaphore, #tpu.memory_space<semaphore_mem>>) {add = true}
        } else {
        }
        %add3A_117 = arith.constant 3 : i32
        %add3A_118 = arith.addi %mul3A_96, %add3A_117 : i32
        %lt3A_119 = arith.constant 160 : i32
        %lt3A_120 = arith.cmpi slt, %add3A_118, %lt3A_119 : i32
        %convert_element_type3A_121 = arith.extui %lt3A_120 : i1 to i32
        %cond3A_122 = arith.constant 0 : i32
        %cond3A_123 = arith.cmpi ne, %convert_element_type3A_121, %cond3A_122 : i32
        scf.if %cond3A_123 {
          %add3A_160 = arith.constant 3 : i32
          %add3A_161 = arith.addi %mul3A_96, %add3A_160 : i32
          %dma_wait3A_162 = arith.constant 0 : i32
          %dma_wait3A_163 = tpu.memref_slice %arg7[%add3A_161, %dma_wait3A_162] : memref<160x125xi32, #tpu.memory_space<vmem>> -> memref<1x125xi32, #tpu.memory_space<vmem>>
          %dma_wait3A_164 = tpu.memref_squeeze %dma_wait3A_163 : memref<1x125xi32, #tpu.memory_space<vmem>> -> memref<125xi32, #tpu.memory_space<vmem>>
          %dma_wait3A_165 = arith.constant 0 : i32
          %dma_wait3A_166 = arith.constant 0 : i32
          %dma_wait3A_167 = tpu.memref_slice %arg2[%dma_wait3A_165, %dma_wait3A_166] : memref<10000x64xf32, #tpu.memory_space<hbm>> -> memref<10000x64xf32, #tpu.memory_space<hbm>>
          tpu.wait_indirect_dma semaphore(%arg18 : memref<!tpu.dma_semaphore, #tpu.memory_space<semaphore_mem>>) src(%dma_wait3A_167 : memref<10000x64xf32, #tpu.memory_space<hbm>>) dst(%arg12 : memref<125x64xf32, #tpu.memory_space<vmem>>)
          %dma_start3A_168 = arith.constant 0 : i32
          %dma_start3A_169 = tpu.memref_slice %arg8[%add3A_161, %dma_start3A_168] : memref<160x125xi32, #tpu.memory_space<vmem>> -> memref<1x125xi32, #tpu.memory_space<vmem>>
          %dma_start3A_170 = tpu.memref_squeeze %dma_start3A_169 : memref<1x125xi32, #tpu.memory_space<vmem>> -> memref<125xi32, #tpu.memory_space<vmem>>
          %dma_start3A_171 = arith.constant 0 : i32
          %dma_start3A_172 = arith.constant 0 : i32
          %dma_start3A_173 = tpu.memref_slice %arg14[%dma_start3A_171, %dma_start3A_172] : memref<10240x64xf32, #tpu.memory_space<vmem_shared>> -> memref<10240x64xf32, #tpu.memory_space<vmem_shared>>
          tpu.enqueue_indirect_dma source(%arg12 : memref<125x64xf32, #tpu.memory_space<vmem>>) target(%dma_start3A_173 : memref<10240x64xf32, #tpu.memory_space<vmem_shared>>) offsets(%dma_start3A_170 : memref<125xi32, #tpu.memory_space<vmem>>) semaphore(%arg22 : memref<!tpu.dma_semaphore, #tpu.memory_space<semaphore_mem>>) {add = true}
        } else {
        }
        %add3A_124 = arith.constant 0 : i32
        %add3A_125 = arith.addi %mul3A_96, %add3A_124 : i32
        %add3A_126 = arith.constant 4 : i32
        %add3A_127 = arith.addi %add3A_125, %add3A_126 : i32
        %lt3A_128 = arith.constant 160 : i32
        %lt3A_129 = arith.cmpi slt, %add3A_127, %lt3A_128 : i32
        %convert_element_type3A_130 = arith.extui %lt3A_129 : i1 to i32
        %cond3A_131 = arith.constant 0 : i32
        %cond3A_132 = arith.cmpi ne, %convert_element_type3A_130, %cond3A_131 : i32
        scf.if %cond3A_132 {
          %add3A_160 = arith.constant 0 : i32
          %add3A_161 = arith.addi %mul3A_96, %add3A_160 : i32
          %add3A_162 = arith.constant 4 : i32
          %add3A_163 = arith.addi %add3A_161, %add3A_162 : i32
          %dma_wait3A_164 = arith.constant 0 : i32
          %dma_wait3A_165 = arith.constant 0 : i32
          %dma_wait3A_166 = tpu.memref_slice %arg8[%dma_wait3A_164, %dma_wait3A_165] : memref<160x125xi32, #tpu.memory_space<vmem>> -> memref<1x125xi32, #tpu.memory_space<vmem>>
          %dma_wait3A_167 = tpu.memref_squeeze %dma_wait3A_166 : memref<1x125xi32, #tpu.memory_space<vmem>> -> memref<125xi32, #tpu.memory_space<vmem>>
          %dma_wait3A_168 = arith.constant 0 : i32
          %dma_wait3A_169 = arith.constant 0 : i32
          %dma_wait3A_170 = tpu.memref_slice %arg14[%dma_wait3A_168, %dma_wait3A_169] : memref<10240x64xf32, #tpu.memory_space<vmem_shared>> -> memref<10240x64xf32, #tpu.memory_space<vmem_shared>>
          tpu.wait_indirect_dma semaphore(%arg19 : memref<!tpu.dma_semaphore, #tpu.memory_space<semaphore_mem>>) src(%arg9 : memref<125x64xf32, #tpu.memory_space<vmem>>) dst(%dma_wait3A_170 : memref<10240x64xf32, #tpu.memory_space<vmem_shared>>)
          %dma_start3A_171 = arith.constant 0 : i32
          %dma_start3A_172 = tpu.memref_slice %arg7[%add3A_163, %dma_start3A_171] : memref<160x125xi32, #tpu.memory_space<vmem>> -> memref<1x125xi32, #tpu.memory_space<vmem>>
          %dma_start3A_173 = tpu.memref_squeeze %dma_start3A_172 : memref<1x125xi32, #tpu.memory_space<vmem>> -> memref<125xi32, #tpu.memory_space<vmem>>
          %dma_start3A_174 = arith.constant 0 : i32
          %dma_start3A_175 = arith.constant 0 : i32
          %dma_start3A_176 = tpu.memref_slice %arg2[%dma_start3A_174, %dma_start3A_175] : memref<10000x64xf32, #tpu.memory_space<hbm>> -> memref<10000x64xf32, #tpu.memory_space<hbm>>
          tpu.enqueue_indirect_dma source(%dma_start3A_176 : memref<10000x64xf32, #tpu.memory_space<hbm>>) target(%arg9 : memref<125x64xf32, #tpu.memory_space<vmem>>) offsets(%dma_start3A_173 : memref<125xi32, #tpu.memory_space<vmem>>) semaphore(%arg15 : memref<!tpu.dma_semaphore, #tpu.memory_space<semaphore_mem>>)
        } else {
        }
        %add3A_133 = arith.constant 1 : i32
        %add3A_134 = arith.addi %mul3A_96, %add3A_133 : i32
        %add3A_135 = arith.constant 4 : i32
        %add3A_136 = arith.addi %add3A_134, %add3A_135 : i32
        %lt3A_137 = arith.constant 160 : i32
        %lt3A_138 = arith.cmpi slt, %add3A_136, %lt3A_137 : i32
        %convert_element_type3A_139 = arith.extui %lt3A_138 : i1 to i32
        %cond3A_140 = arith.constant 0 : i32
        %cond3A_141 = arith.cmpi ne, %convert_element_type3A_139, %cond3A_140 : i32
        scf.if %cond3A_141 {
          %add3A_160 = arith.constant 1 : i32
          %add3A_161 = arith.addi %mul3A_96, %add3A_160 : i32
          %add3A_162 = arith.constant 4 : i32
          %add3A_163 = arith.addi %add3A_161, %add3A_162 : i32
          %dma_wait3A_164 = arith.constant 0 : i32
          %dma_wait3A_165 = arith.constant 0 : i32
          %dma_wait3A_166 = tpu.memref_slice %arg8[%dma_wait3A_164, %dma_wait3A_165] : memref<160x125xi32, #tpu.memory_space<vmem>> -> memref<1x125xi32, #tpu.memory_space<vmem>>
          %dma_wait3A_167 = tpu.memref_squeeze %dma_wait3A_166 : memref<1x125xi32, #tpu.memory_space<vmem>> -> memref<125xi32, #tpu.memory_space<vmem>>
          %dma_wait3A_168 = arith.constant 0 : i32
          %dma_wait3A_169 = arith.constant 0 : i32
          %dma_wait3A_170 = tpu.memref_slice %arg14[%dma_wait3A_168, %dma_wait3A_169] : memref<10240x64xf32, #tpu.memory_space<vmem_shared>> -> memref<10240x64xf32, #tpu.memory_space<vmem_shared>>
          tpu.wait_indirect_dma semaphore(%arg20 : memref<!tpu.dma_semaphore, #tpu.memory_space<semaphore_mem>>) src(%arg10 : memref<125x64xf32, #tpu.memory_space<vmem>>) dst(%dma_wait3A_170 : memref<10240x64xf32, #tpu.memory_space<vmem_shared>>)
          %dma_start3A_171 = arith.constant 0 : i32
          %dma_start3A_172 = tpu.memref_slice %arg7[%add3A_163, %dma_start3A_171] : memref<160x125xi32, #tpu.memory_space<vmem>> -> memref<1x125xi32, #tpu.memory_space<vmem>>
          %dma_start3A_173 = tpu.memref_squeeze %dma_start3A_172 : memref<1x125xi32, #tpu.memory_space<vmem>> -> memref<125xi32, #tpu.memory_space<vmem>>
          %dma_start3A_174 = arith.constant 0 : i32
          %dma_start3A_175 = arith.constant 0 : i32
          %dma_start3A_176 = tpu.memref_slice %arg2[%dma_start3A_174, %dma_start3A_175] : memref<10000x64xf32, #tpu.memory_space<hbm>> -> memref<10000x64xf32, #tpu.memory_space<hbm>>
          tpu.enqueue_indirect_dma source(%dma_start3A_176 : memref<10000x64xf32, #tpu.memory_space<hbm>>) target(%arg10 : memref<125x64xf32, #tpu.memory_space<vmem>>) offsets(%dma_start3A_173 : memref<125xi32, #tpu.memory_space<vmem>>) semaphore(%arg16 : memref<!tpu.dma_semaphore, #tpu.memory_space<semaphore_mem>>)
        } else {
        }
        %add3A_142 = arith.constant 2 : i32
        %add3A_143 = arith.addi %mul3A_96, %add3A_142 : i32
        %add3A_144 = arith.constant 4 : i32
        %add3A_145 = arith.addi %add3A_143, %add3A_144 : i32
        %lt3A_146 = arith.constant 160 : i32
        %lt3A_147 = arith.cmpi slt, %add3A_145, %lt3A_146 : i32
        %convert_element_type3A_148 = arith.extui %lt3A_147 : i1 to i32
        %cond3A_149 = arith.constant 0 : i32
        %cond3A_150 = arith.cmpi ne, %convert_element_type3A_148, %cond3A_149 : i32
        scf.if %cond3A_150 {
          %add3A_160 = arith.constant 2 : i32
          %add3A_161 = arith.addi %mul3A_96, %add3A_160 : i32
          %add3A_162 = arith.constant 4 : i32
          %add3A_163 = arith.addi %add3A_161, %add3A_162 : i32
          %dma_wait3A_164 = arith.constant 0 : i32
          %dma_wait3A_165 = arith.constant 0 : i32
          %dma_wait3A_166 = tpu.memref_slice %arg8[%dma_wait3A_164, %dma_wait3A_165] : memref<160x125xi32, #tpu.memory_space<vmem>> -> memref<1x125xi32, #tpu.memory_space<vmem>>
          %dma_wait3A_167 = tpu.memref_squeeze %dma_wait3A_166 : memref<1x125xi32, #tpu.memory_space<vmem>> -> memref<125xi32, #tpu.memory_space<vmem>>
          %dma_wait3A_168 = arith.constant 0 : i32
          %dma_wait3A_169 = arith.constant 0 : i32
          %dma_wait3A_170 = tpu.memref_slice %arg14[%dma_wait3A_168, %dma_wait3A_169] : memref<10240x64xf32, #tpu.memory_space<vmem_shared>> -> memref<10240x64xf32, #tpu.memory_space<vmem_shared>>
          tpu.wait_indirect_dma semaphore(%arg21 : memref<!tpu.dma_semaphore, #tpu.memory_space<semaphore_mem>>) src(%arg11 : memref<125x64xf32, #tpu.memory_space<vmem>>) dst(%dma_wait3A_170 : memref<10240x64xf32, #tpu.memory_space<vmem_shared>>)
          %dma_start3A_171 = arith.constant 0 : i32
          %dma_start3A_172 = tpu.memref_slice %arg7[%add3A_163, %dma_start3A_171] : memref<160x125xi32, #tpu.memory_space<vmem>> -> memref<1x125xi32, #tpu.memory_space<vmem>>
          %dma_start3A_173 = tpu.memref_squeeze %dma_start3A_172 : memref<1x125xi32, #tpu.memory_space<vmem>> -> memref<125xi32, #tpu.memory_space<vmem>>
          %dma_start3A_174 = arith.constant 0 : i32
          %dma_start3A_175 = arith.constant 0 : i32
          %dma_start3A_176 = tpu.memref_slice %arg2[%dma_start3A_174, %dma_start3A_175] : memref<10000x64xf32, #tpu.memory_space<hbm>> -> memref<10000x64xf32, #tpu.memory_space<hbm>>
          tpu.enqueue_indirect_dma source(%dma_start3A_176 : memref<10000x64xf32, #tpu.memory_space<hbm>>) target(%arg11 : memref<125x64xf32, #tpu.memory_space<vmem>>) offsets(%dma_start3A_173 : memref<125xi32, #tpu.memory_space<vmem>>) semaphore(%arg17 : memref<!tpu.dma_semaphore, #tpu.memory_space<semaphore_mem>>)
        } else {
        }
        %add3A_151 = arith.constant 3 : i32
        %add3A_152 = arith.addi %mul3A_96, %add3A_151 : i32
        %add3A_153 = arith.constant 4 : i32
        %add3A_154 = arith.addi %add3A_152, %add3A_153 : i32
        %lt3A_155 = arith.constant 160 : i32
        %lt3A_156 = arith.cmpi slt, %add3A_154, %lt3A_155 : i32
        %convert_element_type3A_157 = arith.extui %lt3A_156 : i1 to i32
        %cond3A_158 = arith.constant 0 : i32
        %cond3A_159 = arith.cmpi ne, %convert_element_type3A_157, %cond3A_158 : i32
        scf.if %cond3A_159 {
          %add3A_160 = arith.constant 3 : i32
          %add3A_161 = arith.addi %mul3A_96, %add3A_160 : i32
          %add3A_162 = arith.constant 4 : i32
          %add3A_163 = arith.addi %add3A_161, %add3A_162 : i32
          %dma_wait3A_164 = arith.constant 0 : i32
          %dma_wait3A_165 = arith.constant 0 : i32
          %dma_wait3A_166 = tpu.memref_slice %arg8[%dma_wait3A_164, %dma_wait3A_165] : memref<160x125xi32, #tpu.memory_space<vmem>> -> memref<1x125xi32, #tpu.memory_space<vmem>>
          %dma_wait3A_167 = tpu.memref_squeeze %dma_wait3A_166 : memref<1x125xi32, #tpu.memory_space<vmem>> -> memref<125xi32, #tpu.memory_space<vmem>>
          %dma_wait3A_168 = arith.constant 0 : i32
          %dma_wait3A_169 = arith.constant 0 : i32
          %dma_wait3A_170 = tpu.memref_slice %arg14[%dma_wait3A_168, %dma_wait3A_169] : memref<10240x64xf32, #tpu.memory_space<vmem_shared>> -> memref<10240x64xf32, #tpu.memory_space<vmem_shared>>
          tpu.wait_indirect_dma semaphore(%arg22 : memref<!tpu.dma_semaphore, #tpu.memory_space<semaphore_mem>>) src(%arg12 : memref<125x64xf32, #tpu.memory_space<vmem>>) dst(%dma_wait3A_170 : memref<10240x64xf32, #tpu.memory_space<vmem_shared>>)
          %dma_start3A_171 = arith.constant 0 : i32
          %dma_start3A_172 = tpu.memref_slice %arg7[%add3A_163, %dma_start3A_171] : memref<160x125xi32, #tpu.memory_space<vmem>> -> memref<1x125xi32, #tpu.memory_space<vmem>>
          %dma_start3A_173 = tpu.memref_squeeze %dma_start3A_172 : memref<1x125xi32, #tpu.memory_space<vmem>> -> memref<125xi32, #tpu.memory_space<vmem>>
          %dma_start3A_174 = arith.constant 0 : i32
          %dma_start3A_175 = arith.constant 0 : i32
          %dma_start3A_176 = tpu.memref_slice %arg2[%dma_start3A_174, %dma_start3A_175] : memref<10000x64xf32, #tpu.memory_space<hbm>> -> memref<10000x64xf32, #tpu.memory_space<hbm>>
          tpu.enqueue_indirect_dma source(%dma_start3A_176 : memref<10000x64xf32, #tpu.memory_space<hbm>>) target(%arg12 : memref<125x64xf32, #tpu.memory_space<vmem>>) offsets(%dma_start3A_173 : memref<125xi32, #tpu.memory_space<vmem>>) semaphore(%arg18 : memref<!tpu.dma_semaphore, #tpu.memory_space<semaphore_mem>>)
        } else {
        }
      }
      %scan3A_64 = arith.constant 40 : i32
      %dma_wait3A = arith.constant 0 : i32
      %dma_wait3A_65 = arith.constant 0 : i32
      %dma_wait3A_66 = tpu.memref_slice %arg8[%dma_wait3A, %dma_wait3A_65] : memref<160x125xi32, #tpu.memory_space<vmem>> -> memref<1x125xi32, #tpu.memory_space<vmem>>
      %dma_wait3A_67 = tpu.memref_squeeze %dma_wait3A_66 : memref<1x125xi32, #tpu.memory_space<vmem>> -> memref<125xi32, #tpu.memory_space<vmem>>
      %dma_wait3A_68 = arith.constant 0 : i32
      %dma_wait3A_69 = arith.constant 0 : i32
      %dma_wait3A_70 = tpu.memref_slice %arg14[%dma_wait3A_68, %dma_wait3A_69] : memref<10240x64xf32, #tpu.memory_space<vmem_shared>> -> memref<10240x64xf32, #tpu.memory_space<vmem_shared>>
      tpu.wait_indirect_dma semaphore(%arg19 : memref<!tpu.dma_semaphore, #tpu.memory_space<semaphore_mem>>) src(%arg9 : memref<125x64xf32, #tpu.memory_space<vmem>>) dst(%dma_wait3A_70 : memref<10240x64xf32, #tpu.memory_space<vmem_shared>>)
      %dma_wait3A_71 = arith.constant 0 : i32
      %dma_wait3A_72 = arith.constant 0 : i32
      %dma_wait3A_73 = tpu.memref_slice %arg8[%dma_wait3A_71, %dma_wait3A_72] : memref<160x125xi32, #tpu.memory_space<vmem>> -> memref<1x125xi32, #tpu.memory_space<vmem>>
      %dma_wait3A_74 = tpu.memref_squeeze %dma_wait3A_73 : memref<1x125xi32, #tpu.memory_space<vmem>> -> memref<125xi32, #tpu.memory_space<vmem>>
      %dma_wait3A_75 = arith.constant 0 : i32
      %dma_wait3A_76 = arith.constant 0 : i32
      %dma_wait3A_77 = tpu.memref_slice %arg14[%dma_wait3A_75, %dma_wait3A_76] : memref<10240x64xf32, #tpu.memory_space<vmem_shared>> -> memref<10240x64xf32, #tpu.memory_space<vmem_shared>>
      tpu.wait_indirect_dma semaphore(%arg20 : memref<!tpu.dma_semaphore, #tpu.memory_space<semaphore_mem>>) src(%arg10 : memref<125x64xf32, #tpu.memory_space<vmem>>) dst(%dma_wait3A_77 : memref<10240x64xf32, #tpu.memory_space<vmem_shared>>)
      %dma_wait3A_78 = arith.constant 0 : i32
      %dma_wait3A_79 = arith.constant 0 : i32
      %dma_wait3A_80 = tpu.memref_slice %arg8[%dma_wait3A_78, %dma_wait3A_79] : memref<160x125xi32, #tpu.memory_space<vmem>> -> memref<1x125xi32, #tpu.memory_space<vmem>>
      %dma_wait3A_81 = tpu.memref_squeeze %dma_wait3A_80 : memref<1x125xi32, #tpu.memory_space<vmem>> -> memref<125xi32, #tpu.memory_space<vmem>>
      %dma_wait3A_82 = arith.constant 0 : i32
      %dma_wait3A_83 = arith.constant 0 : i32
      %dma_wait3A_84 = tpu.memref_slice %arg14[%dma_wait3A_82, %dma_wait3A_83] : memref<10240x64xf32, #tpu.memory_space<vmem_shared>> -> memref<10240x64xf32, #tpu.memory_space<vmem_shared>>
      tpu.wait_indirect_dma semaphore(%arg21 : memref<!tpu.dma_semaphore, #tpu.memory_space<semaphore_mem>>) src(%arg11 : memref<125x64xf32, #tpu.memory_space<vmem>>) dst(%dma_wait3A_84 : memref<10240x64xf32, #tpu.memory_space<vmem_shared>>)
      %dma_wait3A_85 = arith.constant 0 : i32
      %dma_wait3A_86 = arith.constant 0 : i32
      %dma_wait3A_87 = tpu.memref_slice %arg8[%dma_wait3A_85, %dma_wait3A_86] : memref<160x125xi32, #tpu.memory_space<vmem>> -> memref<1x125xi32, #tpu.memory_space<vmem>>
      %dma_wait3A_88 = tpu.memref_squeeze %dma_wait3A_87 : memref<1x125xi32, #tpu.memory_space<vmem>> -> memref<125xi32, #tpu.memory_space<vmem>>
      %dma_wait3A_89 = arith.constant 0 : i32
      %dma_wait3A_90 = arith.constant 0 : i32
      %dma_wait3A_91 = tpu.memref_slice %arg14[%dma_wait3A_89, %dma_wait3A_90] : memref<10240x64xf32, #tpu.memory_space<vmem_shared>> -> memref<10240x64xf32, #tpu.memory_space<vmem_shared>>
      tpu.wait_indirect_dma semaphore(%arg22 : memref<!tpu.dma_semaphore, #tpu.memory_space<semaphore_mem>>) src(%arg12 : memref<125x64xf32, #tpu.memory_space<vmem>>) dst(%dma_wait3A_91 : memref<10240x64xf32, #tpu.memory_space<vmem_shared>>)
    } else {
    }
    %eq3A_17 = arith.constant 1 : i32
    %eq3A_18 = arith.cmpi eq, %arg0, %eq3A_17 : i32
    %convert_element_type3A_19 = arith.extui %eq3A_18 : i1 to i32
    %cond3A_20 = arith.constant 0 : i32
    %cond3A_21 = arith.cmpi ne, %convert_element_type3A_19, %cond3A_20 : i32
    scf.if %cond3A_21 {
      %dma_start3A = arith.constant 0 : i32
      %dma_start3A_33 = arith.constant 0 : i32
      %dma_start3A_34 = tpu.memref_slice %arg7[%dma_start3A, %dma_start3A_33] : memref<160x125xi32, #tpu.memory_space<vmem>> -> memref<1x125xi32, #tpu.memory_space<vmem>>
      %dma_start3A_35 = tpu.memref_squeeze %dma_start3A_34 : memref<1x125xi32, #tpu.memory_space<vmem>> -> memref<125xi32, #tpu.memory_space<vmem>>
      %dma_start3A_36 = arith.constant 0 : i32
      %dma_start3A_37 = arith.constant 0 : i32
      %dma_start3A_38 = tpu.memref_slice %arg3[%dma_start3A_36, %dma_start3A_37] : memref<10000x64xf32, #tpu.memory_space<hbm>> -> memref<10000x64xf32, #tpu.memory_space<hbm>>
      tpu.enqueue_indirect_dma source(%dma_start3A_38 : memref<10000x64xf32, #tpu.memory_space<hbm>>) target(%arg9 : memref<125x64xf32, #tpu.memory_space<vmem>>) offsets(%dma_start3A_35 : memref<125xi32, #tpu.memory_space<vmem>>) semaphore(%arg15 : memref<!tpu.dma_semaphore, #tpu.memory_space<semaphore_mem>>)
      %dma_start3A_39 = arith.constant 1 : i32
      %dma_start3A_40 = arith.constant 0 : i32
      %dma_start3A_41 = tpu.memref_slice %arg7[%dma_start3A_39, %dma_start3A_40] : memref<160x125xi32, #tpu.memory_space<vmem>> -> memref<1x125xi32, #tpu.memory_space<vmem>>
      %dma_start3A_42 = tpu.memref_squeeze %dma_start3A_41 : memref<1x125xi32, #tpu.memory_space<vmem>> -> memref<125xi32, #tpu.memory_space<vmem>>
      %dma_start3A_43 = arith.constant 0 : i32
      %dma_start3A_44 = arith.constant 0 : i32
      %dma_start3A_45 = tpu.memref_slice %arg3[%dma_start3A_43, %dma_start3A_44] : memref<10000x64xf32, #tpu.memory_space<hbm>> -> memref<10000x64xf32, #tpu.memory_space<hbm>>
      tpu.enqueue_indirect_dma source(%dma_start3A_45 : memref<10000x64xf32, #tpu.memory_space<hbm>>) target(%arg10 : memref<125x64xf32, #tpu.memory_space<vmem>>) offsets(%dma_start3A_42 : memref<125xi32, #tpu.memory_space<vmem>>) semaphore(%arg16 : memref<!tpu.dma_semaphore, #tpu.memory_space<semaphore_mem>>)
      %dma_start3A_46 = arith.constant 2 : i32
      %dma_start3A_47 = arith.constant 0 : i32
      %dma_start3A_48 = tpu.memref_slice %arg7[%dma_start3A_46, %dma_start3A_47] : memref<160x125xi32, #tpu.memory_space<vmem>> -> memref<1x125xi32, #tpu.memory_space<vmem>>
      %dma_start3A_49 = tpu.memref_squeeze %dma_start3A_48 : memref<1x125xi32, #tpu.memory_space<vmem>> -> memref<125xi32, #tpu.memory_space<vmem>>
      %dma_start3A_50 = arith.constant 0 : i32
      %dma_start3A_51 = arith.constant 0 : i32
      %dma_start3A_52 = tpu.memref_slice %arg3[%dma_start3A_50, %dma_start3A_51] : memref<10000x64xf32, #tpu.memory_space<hbm>> -> memref<10000x64xf32, #tpu.memory_space<hbm>>
      tpu.enqueue_indirect_dma source(%dma_start3A_52 : memref<10000x64xf32, #tpu.memory_space<hbm>>) target(%arg11 : memref<125x64xf32, #tpu.memory_space<vmem>>) offsets(%dma_start3A_49 : memref<125xi32, #tpu.memory_space<vmem>>) semaphore(%arg17 : memref<!tpu.dma_semaphore, #tpu.memory_space<semaphore_mem>>)
      %dma_start3A_53 = arith.constant 3 : i32
      %dma_start3A_54 = arith.constant 0 : i32
      %dma_start3A_55 = tpu.memref_slice %arg7[%dma_start3A_53, %dma_start3A_54] : memref<160x125xi32, #tpu.memory_space<vmem>> -> memref<1x125xi32, #tpu.memory_space<vmem>>
      %dma_start3A_56 = tpu.memref_squeeze %dma_start3A_55 : memref<1x125xi32, #tpu.memory_space<vmem>> -> memref<125xi32, #tpu.memory_space<vmem>>
      %dma_start3A_57 = arith.constant 0 : i32
      %dma_start3A_58 = arith.constant 0 : i32
      %dma_start3A_59 = tpu.memref_slice %arg3[%dma_start3A_57, %dma_start3A_58] : memref<10000x64xf32, #tpu.memory_space<hbm>> -> memref<10000x64xf32, #tpu.memory_space<hbm>>
      tpu.enqueue_indirect_dma source(%dma_start3A_59 : memref<10000x64xf32, #tpu.memory_space<hbm>>) target(%arg12 : memref<125x64xf32, #tpu.memory_space<vmem>>) offsets(%dma_start3A_56 : memref<125xi32, #tpu.memory_space<vmem>>) semaphore(%arg18 : memref<!tpu.dma_semaphore, #tpu.memory_space<semaphore_mem>>)
      %scan3A_60 = arith.constant 0 : i32
      %scan3A_61 = arith.constant 40 : i32
      %scan3A_62 = arith.addi %scan3A_60, %scan3A_61 : i32
      %scan3A_63 = arith.constant 1 : i32
      scf.for %scan3A_92 = %scan3A_60 to %scan3A_62 step %scan3A_63  : i32 {
        %mul3A = arith.constant 1 : i32
        %mul3A_93 = arith.muli %scan3A_92, %mul3A : i32
        %add3A = arith.constant 0 : i32
        %add3A_94 = arith.addi %add3A, %mul3A_93 : i32
        %mul3A_95 = arith.constant 4 : i32
        %mul3A_96 = arith.muli %mul3A_95, %add3A_94 : i32
        %add3A_97 = arith.constant 0 : i32
        %add3A_98 = arith.addi %mul3A_96, %add3A_97 : i32
        %lt3A = arith.constant 160 : i32
        %lt3A_99 = arith.cmpi slt, %add3A_98, %lt3A : i32
        %convert_element_type3A_100 = arith.extui %lt3A_99 : i1 to i32
        %cond3A_101 = arith.constant 0 : i32
        %cond3A_102 = arith.cmpi ne, %convert_element_type3A_100, %cond3A_101 : i32
        scf.if %cond3A_102 {
          %add3A_160 = arith.constant 0 : i32
          %add3A_161 = arith.addi %mul3A_96, %add3A_160 : i32
          %dma_wait3A_162 = arith.constant 0 : i32
          %dma_wait3A_163 = tpu.memref_slice %arg7[%add3A_161, %dma_wait3A_162] : memref<160x125xi32, #tpu.memory_space<vmem>> -> memref<1x125xi32, #tpu.memory_space<vmem>>
          %dma_wait3A_164 = tpu.memref_squeeze %dma_wait3A_163 : memref<1x125xi32, #tpu.memory_space<vmem>> -> memref<125xi32, #tpu.memory_space<vmem>>
          %dma_wait3A_165 = arith.constant 0 : i32
          %dma_wait3A_166 = arith.constant 0 : i32
          %dma_wait3A_167 = tpu.memref_slice %arg3[%dma_wait3A_165, %dma_wait3A_166] : memref<10000x64xf32, #tpu.memory_space<hbm>> -> memref<10000x64xf32, #tpu.memory_space<hbm>>
          tpu.wait_indirect_dma semaphore(%arg15 : memref<!tpu.dma_semaphore, #tpu.memory_space<semaphore_mem>>) src(%dma_wait3A_167 : memref<10000x64xf32, #tpu.memory_space<hbm>>) dst(%arg9 : memref<125x64xf32, #tpu.memory_space<vmem>>)
          %dma_start3A_168 = arith.constant 0 : i32
          %dma_start3A_169 = tpu.memref_slice %arg8[%add3A_161, %dma_start3A_168] : memref<160x125xi32, #tpu.memory_space<vmem>> -> memref<1x125xi32, #tpu.memory_space<vmem>>
          %dma_start3A_170 = tpu.memref_squeeze %dma_start3A_169 : memref<1x125xi32, #tpu.memory_space<vmem>> -> memref<125xi32, #tpu.memory_space<vmem>>
          %dma_start3A_171 = arith.constant 0 : i32
          %dma_start3A_172 = arith.constant 0 : i32
          %dma_start3A_173 = tpu.memref_slice %arg14[%dma_start3A_171, %dma_start3A_172] : memref<10240x64xf32, #tpu.memory_space<vmem_shared>> -> memref<10240x64xf32, #tpu.memory_space<vmem_shared>>
          tpu.enqueue_indirect_dma source(%arg9 : memref<125x64xf32, #tpu.memory_space<vmem>>) target(%dma_start3A_173 : memref<10240x64xf32, #tpu.memory_space<vmem_shared>>) offsets(%dma_start3A_170 : memref<125xi32, #tpu.memory_space<vmem>>) semaphore(%arg19 : memref<!tpu.dma_semaphore, #tpu.memory_space<semaphore_mem>>) {add = true}
        } else {
        }
        %add3A_103 = arith.constant 1 : i32
        %add3A_104 = arith.addi %mul3A_96, %add3A_103 : i32
        %lt3A_105 = arith.constant 160 : i32
        %lt3A_106 = arith.cmpi slt, %add3A_104, %lt3A_105 : i32
        %convert_element_type3A_107 = arith.extui %lt3A_106 : i1 to i32
        %cond3A_108 = arith.constant 0 : i32
        %cond3A_109 = arith.cmpi ne, %convert_element_type3A_107, %cond3A_108 : i32
        scf.if %cond3A_109 {
          %add3A_160 = arith.constant 1 : i32
          %add3A_161 = arith.addi %mul3A_96, %add3A_160 : i32
          %dma_wait3A_162 = arith.constant 0 : i32
          %dma_wait3A_163 = tpu.memref_slice %arg7[%add3A_161, %dma_wait3A_162] : memref<160x125xi32, #tpu.memory_space<vmem>> -> memref<1x125xi32, #tpu.memory_space<vmem>>
          %dma_wait3A_164 = tpu.memref_squeeze %dma_wait3A_163 : memref<1x125xi32, #tpu.memory_space<vmem>> -> memref<125xi32, #tpu.memory_space<vmem>>
          %dma_wait3A_165 = arith.constant 0 : i32
          %dma_wait3A_166 = arith.constant 0 : i32
          %dma_wait3A_167 = tpu.memref_slice %arg3[%dma_wait3A_165, %dma_wait3A_166] : memref<10000x64xf32, #tpu.memory_space<hbm>> -> memref<10000x64xf32, #tpu.memory_space<hbm>>
          tpu.wait_indirect_dma semaphore(%arg16 : memref<!tpu.dma_semaphore, #tpu.memory_space<semaphore_mem>>) src(%dma_wait3A_167 : memref<10000x64xf32, #tpu.memory_space<hbm>>) dst(%arg10 : memref<125x64xf32, #tpu.memory_space<vmem>>)
          %dma_start3A_168 = arith.constant 0 : i32
          %dma_start3A_169 = tpu.memref_slice %arg8[%add3A_161, %dma_start3A_168] : memref<160x125xi32, #tpu.memory_space<vmem>> -> memref<1x125xi32, #tpu.memory_space<vmem>>
          %dma_start3A_170 = tpu.memref_squeeze %dma_start3A_169 : memref<1x125xi32, #tpu.memory_space<vmem>> -> memref<125xi32, #tpu.memory_space<vmem>>
          %dma_start3A_171 = arith.constant 0 : i32
          %dma_start3A_172 = arith.constant 0 : i32
          %dma_start3A_173 = tpu.memref_slice %arg14[%dma_start3A_171, %dma_start3A_172] : memref<10240x64xf32, #tpu.memory_space<vmem_shared>> -> memref<10240x64xf32, #tpu.memory_space<vmem_shared>>
          tpu.enqueue_indirect_dma source(%arg10 : memref<125x64xf32, #tpu.memory_space<vmem>>) target(%dma_start3A_173 : memref<10240x64xf32, #tpu.memory_space<vmem_shared>>) offsets(%dma_start3A_170 : memref<125xi32, #tpu.memory_space<vmem>>) semaphore(%arg20 : memref<!tpu.dma_semaphore, #tpu.memory_space<semaphore_mem>>) {add = true}
        } else {
        }
        %add3A_110 = arith.constant 2 : i32
        %add3A_111 = arith.addi %mul3A_96, %add3A_110 : i32
        %lt3A_112 = arith.constant 160 : i32
        %lt3A_113 = arith.cmpi slt, %add3A_111, %lt3A_112 : i32
        %convert_element_type3A_114 = arith.extui %lt3A_113 : i1 to i32
        %cond3A_115 = arith.constant 0 : i32
        %cond3A_116 = arith.cmpi ne, %convert_element_type3A_114, %cond3A_115 : i32
        scf.if %cond3A_116 {
          %add3A_160 = arith.constant 2 : i32
          %add3A_161 = arith.addi %mul3A_96, %add3A_160 : i32
          %dma_wait3A_162 = arith.constant 0 : i32
          %dma_wait3A_163 = tpu.memref_slice %arg7[%add3A_161, %dma_wait3A_162] : memref<160x125xi32, #tpu.memory_space<vmem>> -> memref<1x125xi32, #tpu.memory_space<vmem>>
          %dma_wait3A_164 = tpu.memref_squeeze %dma_wait3A_163 : memref<1x125xi32, #tpu.memory_space<vmem>> -> memref<125xi32, #tpu.memory_space<vmem>>
          %dma_wait3A_165 = arith.constant 0 : i32
          %dma_wait3A_166 = arith.constant 0 : i32
          %dma_wait3A_167 = tpu.memref_slice %arg3[%dma_wait3A_165, %dma_wait3A_166] : memref<10000x64xf32, #tpu.memory_space<hbm>> -> memref<10000x64xf32, #tpu.memory_space<hbm>>
          tpu.wait_indirect_dma semaphore(%arg17 : memref<!tpu.dma_semaphore, #tpu.memory_space<semaphore_mem>>) src(%dma_wait3A_167 : memref<10000x64xf32, #tpu.memory_space<hbm>>) dst(%arg11 : memref<125x64xf32, #tpu.memory_space<vmem>>)
          %dma_start3A_168 = arith.constant 0 : i32
          %dma_start3A_169 = tpu.memref_slice %arg8[%add3A_161, %dma_start3A_168] : memref<160x125xi32, #tpu.memory_space<vmem>> -> memref<1x125xi32, #tpu.memory_space<vmem>>
          %dma_start3A_170 = tpu.memref_squeeze %dma_start3A_169 : memref<1x125xi32, #tpu.memory_space<vmem>> -> memref<125xi32, #tpu.memory_space<vmem>>
          %dma_start3A_171 = arith.constant 0 : i32
          %dma_start3A_172 = arith.constant 0 : i32
          %dma_start3A_173 = tpu.memref_slice %arg14[%dma_start3A_171, %dma_start3A_172] : memref<10240x64xf32, #tpu.memory_space<vmem_shared>> -> memref<10240x64xf32, #tpu.memory_space<vmem_shared>>
          tpu.enqueue_indirect_dma source(%arg11 : memref<125x64xf32, #tpu.memory_space<vmem>>) target(%dma_start3A_173 : memref<10240x64xf32, #tpu.memory_space<vmem_shared>>) offsets(%dma_start3A_170 : memref<125xi32, #tpu.memory_space<vmem>>) semaphore(%arg21 : memref<!tpu.dma_semaphore, #tpu.memory_space<semaphore_mem>>) {add = true}
        } else {
        }
        %add3A_117 = arith.constant 3 : i32
        %add3A_118 = arith.addi %mul3A_96, %add3A_117 : i32
        %lt3A_119 = arith.constant 160 : i32
        %lt3A_120 = arith.cmpi slt, %add3A_118, %lt3A_119 : i32
        %convert_element_type3A_121 = arith.extui %lt3A_120 : i1 to i32
        %cond3A_122 = arith.constant 0 : i32
        %cond3A_123 = arith.cmpi ne, %convert_element_type3A_121, %cond3A_122 : i32
        scf.if %cond3A_123 {
          %add3A_160 = arith.constant 3 : i32
          %add3A_161 = arith.addi %mul3A_96, %add3A_160 : i32
          %dma_wait3A_162 = arith.constant 0 : i32
          %dma_wait3A_163 = tpu.memref_slice %arg7[%add3A_161, %dma_wait3A_162] : memref<160x125xi32, #tpu.memory_space<vmem>> -> memref<1x125xi32, #tpu.memory_space<vmem>>
          %dma_wait3A_164 = tpu.memref_squeeze %dma_wait3A_163 : memref<1x125xi32, #tpu.memory_space<vmem>> -> memref<125xi32, #tpu.memory_space<vmem>>
          %dma_wait3A_165 = arith.constant 0 : i32
          %dma_wait3A_166 = arith.constant 0 : i32
          %dma_wait3A_167 = tpu.memref_slice %arg3[%dma_wait3A_165, %dma_wait3A_166] : memref<10000x64xf32, #tpu.memory_space<hbm>> -> memref<10000x64xf32, #tpu.memory_space<hbm>>
          tpu.wait_indirect_dma semaphore(%arg18 : memref<!tpu.dma_semaphore, #tpu.memory_space<semaphore_mem>>) src(%dma_wait3A_167 : memref<10000x64xf32, #tpu.memory_space<hbm>>) dst(%arg12 : memref<125x64xf32, #tpu.memory_space<vmem>>)
          %dma_start3A_168 = arith.constant 0 : i32
          %dma_start3A_169 = tpu.memref_slice %arg8[%add3A_161, %dma_start3A_168] : memref<160x125xi32, #tpu.memory_space<vmem>> -> memref<1x125xi32, #tpu.memory_space<vmem>>
          %dma_start3A_170 = tpu.memref_squeeze %dma_start3A_169 : memref<1x125xi32, #tpu.memory_space<vmem>> -> memref<125xi32, #tpu.memory_space<vmem>>
          %dma_start3A_171 = arith.constant 0 : i32
          %dma_start3A_172 = arith.constant 0 : i32
          %dma_start3A_173 = tpu.memref_slice %arg14[%dma_start3A_171, %dma_start3A_172] : memref<10240x64xf32, #tpu.memory_space<vmem_shared>> -> memref<10240x64xf32, #tpu.memory_space<vmem_shared>>
          tpu.enqueue_indirect_dma source(%arg12 : memref<125x64xf32, #tpu.memory_space<vmem>>) target(%dma_start3A_173 : memref<10240x64xf32, #tpu.memory_space<vmem_shared>>) offsets(%dma_start3A_170 : memref<125xi32, #tpu.memory_space<vmem>>) semaphore(%arg22 : memref<!tpu.dma_semaphore, #tpu.memory_space<semaphore_mem>>) {add = true}
        } else {
        }
        %add3A_124 = arith.constant 0 : i32
        %add3A_125 = arith.addi %mul3A_96, %add3A_124 : i32
        %add3A_126 = arith.constant 4 : i32
        %add3A_127 = arith.addi %add3A_125, %add3A_126 : i32
        %lt3A_128 = arith.constant 160 : i32
        %lt3A_129 = arith.cmpi slt, %add3A_127, %lt3A_128 : i32
        %convert_element_type3A_130 = arith.extui %lt3A_129 : i1 to i32
        %cond3A_131 = arith.constant 0 : i32
        %cond3A_132 = arith.cmpi ne, %convert_element_type3A_130, %cond3A_131 : i32
        scf.if %cond3A_132 {
          %add3A_160 = arith.constant 0 : i32
          %add3A_161 = arith.addi %mul3A_96, %add3A_160 : i32
          %add3A_162 = arith.constant 4 : i32
          %add3A_163 = arith.addi %add3A_161, %add3A_162 : i32
          %dma_wait3A_164 = arith.constant 0 : i32
          %dma_wait3A_165 = arith.constant 0 : i32
          %dma_wait3A_166 = tpu.memref_slice %arg8[%dma_wait3A_164, %dma_wait3A_165] : memref<160x125xi32, #tpu.memory_space<vmem>> -> memref<1x125xi32, #tpu.memory_space<vmem>>
          %dma_wait3A_167 = tpu.memref_squeeze %dma_wait3A_166 : memref<1x125xi32, #tpu.memory_space<vmem>> -> memref<125xi32, #tpu.memory_space<vmem>>
          %dma_wait3A_168 = arith.constant 0 : i32
          %dma_wait3A_169 = arith.constant 0 : i32
          %dma_wait3A_170 = tpu.memref_slice %arg14[%dma_wait3A_168, %dma_wait3A_169] : memref<10240x64xf32, #tpu.memory_space<vmem_shared>> -> memref<10240x64xf32, #tpu.memory_space<vmem_shared>>
          tpu.wait_indirect_dma semaphore(%arg19 : memref<!tpu.dma_semaphore, #tpu.memory_space<semaphore_mem>>) src(%arg9 : memref<125x64xf32, #tpu.memory_space<vmem>>) dst(%dma_wait3A_170 : memref<10240x64xf32, #tpu.memory_space<vmem_shared>>)
          %dma_start3A_171 = arith.constant 0 : i32
          %dma_start3A_172 = tpu.memref_slice %arg7[%add3A_163, %dma_start3A_171] : memref<160x125xi32, #tpu.memory_space<vmem>> -> memref<1x125xi32, #tpu.memory_space<vmem>>
          %dma_start3A_173 = tpu.memref_squeeze %dma_start3A_172 : memref<1x125xi32, #tpu.memory_space<vmem>> -> memref<125xi32, #tpu.memory_space<vmem>>
          %dma_start3A_174 = arith.constant 0 : i32
          %dma_start3A_175 = arith.constant 0 : i32
          %dma_start3A_176 = tpu.memref_slice %arg3[%dma_start3A_174, %dma_start3A_175] : memref<10000x64xf32, #tpu.memory_space<hbm>> -> memref<10000x64xf32, #tpu.memory_space<hbm>>
          tpu.enqueue_indirect_dma source(%dma_start3A_176 : memref<10000x64xf32, #tpu.memory_space<hbm>>) target(%arg9 : memref<125x64xf32, #tpu.memory_space<vmem>>) offsets(%dma_start3A_173 : memref<125xi32, #tpu.memory_space<vmem>>) semaphore(%arg15 : memref<!tpu.dma_semaphore, #tpu.memory_space<semaphore_mem>>)
        } else {
        }
        %add3A_133 = arith.constant 1 : i32
        %add3A_134 = arith.addi %mul3A_96, %add3A_133 : i32
        %add3A_135 = arith.constant 4 : i32
        %add3A_136 = arith.addi %add3A_134, %add3A_135 : i32
        %lt3A_137 = arith.constant 160 : i32
        %lt3A_138 = arith.cmpi slt, %add3A_136, %lt3A_137 : i32
        %convert_element_type3A_139 = arith.extui %lt3A_138 : i1 to i32
        %cond3A_140 = arith.constant 0 : i32
        %cond3A_141 = arith.cmpi ne, %convert_element_type3A_139, %cond3A_140 : i32
        scf.if %cond3A_141 {
          %add3A_160 = arith.constant 1 : i32
          %add3A_161 = arith.addi %mul3A_96, %add3A_160 : i32
          %add3A_162 = arith.constant 4 : i32
          %add3A_163 = arith.addi %add3A_161, %add3A_162 : i32
          %dma_wait3A_164 = arith.constant 0 : i32
          %dma_wait3A_165 = arith.constant 0 : i32
          %dma_wait3A_166 = tpu.memref_slice %arg8[%dma_wait3A_164, %dma_wait3A_165] : memref<160x125xi32, #tpu.memory_space<vmem>> -> memref<1x125xi32, #tpu.memory_space<vmem>>
          %dma_wait3A_167 = tpu.memref_squeeze %dma_wait3A_166 : memref<1x125xi32, #tpu.memory_space<vmem>> -> memref<125xi32, #tpu.memory_space<vmem>>
          %dma_wait3A_168 = arith.constant 0 : i32
          %dma_wait3A_169 = arith.constant 0 : i32
          %dma_wait3A_170 = tpu.memref_slice %arg14[%dma_wait3A_168, %dma_wait3A_169] : memref<10240x64xf32, #tpu.memory_space<vmem_shared>> -> memref<10240x64xf32, #tpu.memory_space<vmem_shared>>
          tpu.wait_indirect_dma semaphore(%arg20 : memref<!tpu.dma_semaphore, #tpu.memory_space<semaphore_mem>>) src(%arg10 : memref<125x64xf32, #tpu.memory_space<vmem>>) dst(%dma_wait3A_170 : memref<10240x64xf32, #tpu.memory_space<vmem_shared>>)
          %dma_start3A_171 = arith.constant 0 : i32
          %dma_start3A_172 = tpu.memref_slice %arg7[%add3A_163, %dma_start3A_171] : memref<160x125xi32, #tpu.memory_space<vmem>> -> memref<1x125xi32, #tpu.memory_space<vmem>>
          %dma_start3A_173 = tpu.memref_squeeze %dma_start3A_172 : memref<1x125xi32, #tpu.memory_space<vmem>> -> memref<125xi32, #tpu.memory_space<vmem>>
          %dma_start3A_174 = arith.constant 0 : i32
          %dma_start3A_175 = arith.constant 0 : i32
          %dma_start3A_176 = tpu.memref_slice %arg3[%dma_start3A_174, %dma_start3A_175] : memref<10000x64xf32, #tpu.memory_space<hbm>> -> memref<10000x64xf32, #tpu.memory_space<hbm>>
          tpu.enqueue_indirect_dma source(%dma_start3A_176 : memref<10000x64xf32, #tpu.memory_space<hbm>>) target(%arg10 : memref<125x64xf32, #tpu.memory_space<vmem>>) offsets(%dma_start3A_173 : memref<125xi32, #tpu.memory_space<vmem>>) semaphore(%arg16 : memref<!tpu.dma_semaphore, #tpu.memory_space<semaphore_mem>>)
        } else {
        }
        %add3A_142 = arith.constant 2 : i32
        %add3A_143 = arith.addi %mul3A_96, %add3A_142 : i32
        %add3A_144 = arith.constant 4 : i32
        %add3A_145 = arith.addi %add3A_143, %add3A_144 : i32
        %lt3A_146 = arith.constant 160 : i32
        %lt3A_147 = arith.cmpi slt, %add3A_145, %lt3A_146 : i32
        %convert_element_type3A_148 = arith.extui %lt3A_147 : i1 to i32
        %cond3A_149 = arith.constant 0 : i32
        %cond3A_150 = arith.cmpi ne, %convert_element_type3A_148, %cond3A_149 : i32
        scf.if %cond3A_150 {
          %add3A_160 = arith.constant 2 : i32
          %add3A_161 = arith.addi %mul3A_96, %add3A_160 : i32
          %add3A_162 = arith.constant 4 : i32
          %add3A_163 = arith.addi %add3A_161, %add3A_162 : i32
          %dma_wait3A_164 = arith.constant 0 : i32
          %dma_wait3A_165 = arith.constant 0 : i32
          %dma_wait3A_166 = tpu.memref_slice %arg8[%dma_wait3A_164, %dma_wait3A_165] : memref<160x125xi32, #tpu.memory_space<vmem>> -> memref<1x125xi32, #tpu.memory_space<vmem>>
          %dma_wait3A_167 = tpu.memref_squeeze %dma_wait3A_166 : memref<1x125xi32, #tpu.memory_space<vmem>> -> memref<125xi32, #tpu.memory_space<vmem>>
          %dma_wait3A_168 = arith.constant 0 : i32
          %dma_wait3A_169 = arith.constant 0 : i32
          %dma_wait3A_170 = tpu.memref_slice %arg14[%dma_wait3A_168, %dma_wait3A_169] : memref<10240x64xf32, #tpu.memory_space<vmem_shared>> -> memref<10240x64xf32, #tpu.memory_space<vmem_shared>>
          tpu.wait_indirect_dma semaphore(%arg21 : memref<!tpu.dma_semaphore, #tpu.memory_space<semaphore_mem>>) src(%arg11 : memref<125x64xf32, #tpu.memory_space<vmem>>) dst(%dma_wait3A_170 : memref<10240x64xf32, #tpu.memory_space<vmem_shared>>)
          %dma_start3A_171 = arith.constant 0 : i32
          %dma_start3A_172 = tpu.memref_slice %arg7[%add3A_163, %dma_start3A_171] : memref<160x125xi32, #tpu.memory_space<vmem>> -> memref<1x125xi32, #tpu.memory_space<vmem>>
          %dma_start3A_173 = tpu.memref_squeeze %dma_start3A_172 : memref<1x125xi32, #tpu.memory_space<vmem>> -> memref<125xi32, #tpu.memory_space<vmem>>
          %dma_start3A_174 = arith.constant 0 : i32
          %dma_start3A_175 = arith.constant 0 : i32
          %dma_start3A_176 = tpu.memref_slice %arg3[%dma_start3A_174, %dma_start3A_175] : memref<10000x64xf32, #tpu.memory_space<hbm>> -> memref<10000x64xf32, #tpu.memory_space<hbm>>
          tpu.enqueue_indirect_dma source(%dma_start3A_176 : memref<10000x64xf32, #tpu.memory_space<hbm>>) target(%arg11 : memref<125x64xf32, #tpu.memory_space<vmem>>) offsets(%dma_start3A_173 : memref<125xi32, #tpu.memory_space<vmem>>) semaphore(%arg17 : memref<!tpu.dma_semaphore, #tpu.memory_space<semaphore_mem>>)
        } else {
        }
        %add3A_151 = arith.constant 3 : i32
        %add3A_152 = arith.addi %mul3A_96, %add3A_151 : i32
        %add3A_153 = arith.constant 4 : i32
        %add3A_154 = arith.addi %add3A_152, %add3A_153 : i32
        %lt3A_155 = arith.constant 160 : i32
        %lt3A_156 = arith.cmpi slt, %add3A_154, %lt3A_155 : i32
        %convert_element_type3A_157 = arith.extui %lt3A_156 : i1 to i32
        %cond3A_158 = arith.constant 0 : i32
        %cond3A_159 = arith.cmpi ne, %convert_element_type3A_157, %cond3A_158 : i32
        scf.if %cond3A_159 {
          %add3A_160 = arith.constant 3 : i32
          %add3A_161 = arith.addi %mul3A_96, %add3A_160 : i32
          %add3A_162 = arith.constant 4 : i32
          %add3A_163 = arith.addi %add3A_161, %add3A_162 : i32
          %dma_wait3A_164 = arith.constant 0 : i32
          %dma_wait3A_165 = arith.constant 0 : i32
          %dma_wait3A_166 = tpu.memref_slice %arg8[%dma_wait3A_164, %dma_wait3A_165] : memref<160x125xi32, #tpu.memory_space<vmem>> -> memref<1x125xi32, #tpu.memory_space<vmem>>
          %dma_wait3A_167 = tpu.memref_squeeze %dma_wait3A_166 : memref<1x125xi32, #tpu.memory_space<vmem>> -> memref<125xi32, #tpu.memory_space<vmem>>
          %dma_wait3A_168 = arith.constant 0 : i32
          %dma_wait3A_169 = arith.constant 0 : i32
          %dma_wait3A_170 = tpu.memref_slice %arg14[%dma_wait3A_168, %dma_wait3A_169] : memref<10240x64xf32, #tpu.memory_space<vmem_shared>> -> memref<10240x64xf32, #tpu.memory_space<vmem_shared>>
          tpu.wait_indirect_dma semaphore(%arg22 : memref<!tpu.dma_semaphore, #tpu.memory_space<semaphore_mem>>) src(%arg12 : memref<125x64xf32, #tpu.memory_space<vmem>>) dst(%dma_wait3A_170 : memref<10240x64xf32, #tpu.memory_space<vmem_shared>>)
          %dma_start3A_171 = arith.constant 0 : i32
          %dma_start3A_172 = tpu.memref_slice %arg7[%add3A_163, %dma_start3A_171] : memref<160x125xi32, #tpu.memory_space<vmem>> -> memref<1x125xi32, #tpu.memory_space<vmem>>
          %dma_start3A_173 = tpu.memref_squeeze %dma_start3A_172 : memref<1x125xi32, #tpu.memory_space<vmem>> -> memref<125xi32, #tpu.memory_space<vmem>>
          %dma_start3A_174 = arith.constant 0 : i32
          %dma_start3A_175 = arith.constant 0 : i32
          %dma_start3A_176 = tpu.memref_slice %arg3[%dma_start3A_174, %dma_start3A_175] : memref<10000x64xf32, #tpu.memory_space<hbm>> -> memref<10000x64xf32, #tpu.memory_space<hbm>>
          tpu.enqueue_indirect_dma source(%dma_start3A_176 : memref<10000x64xf32, #tpu.memory_space<hbm>>) target(%arg12 : memref<125x64xf32, #tpu.memory_space<vmem>>) offsets(%dma_start3A_173 : memref<125xi32, #tpu.memory_space<vmem>>) semaphore(%arg18 : memref<!tpu.dma_semaphore, #tpu.memory_space<semaphore_mem>>)
        } else {
        }
      }
      %scan3A_64 = arith.constant 40 : i32
      %dma_wait3A = arith.constant 0 : i32
      %dma_wait3A_65 = arith.constant 0 : i32
      %dma_wait3A_66 = tpu.memref_slice %arg8[%dma_wait3A, %dma_wait3A_65] : memref<160x125xi32, #tpu.memory_space<vmem>> -> memref<1x125xi32, #tpu.memory_space<vmem>>
      %dma_wait3A_67 = tpu.memref_squeeze %dma_wait3A_66 : memref<1x125xi32, #tpu.memory_space<vmem>> -> memref<125xi32, #tpu.memory_space<vmem>>
      %dma_wait3A_68 = arith.constant 0 : i32
      %dma_wait3A_69 = arith.constant 0 : i32
      %dma_wait3A_70 = tpu.memref_slice %arg14[%dma_wait3A_68, %dma_wait3A_69] : memref<10240x64xf32, #tpu.memory_space<vmem_shared>> -> memref<10240x64xf32, #tpu.memory_space<vmem_shared>>
      tpu.wait_indirect_dma semaphore(%arg19 : memref<!tpu.dma_semaphore, #tpu.memory_space<semaphore_mem>>) src(%arg9 : memref<125x64xf32, #tpu.memory_space<vmem>>) dst(%dma_wait3A_70 : memref<10240x64xf32, #tpu.memory_space<vmem_shared>>)
      %dma_wait3A_71 = arith.constant 0 : i32
      %dma_wait3A_72 = arith.constant 0 : i32
      %dma_wait3A_73 = tpu.memref_slice %arg8[%dma_wait3A_71, %dma_wait3A_72] : memref<160x125xi32, #tpu.memory_space<vmem>> -> memref<1x125xi32, #tpu.memory_space<vmem>>
      %dma_wait3A_74 = tpu.memref_squeeze %dma_wait3A_73 : memref<1x125xi32, #tpu.memory_space<vmem>> -> memref<125xi32, #tpu.memory_space<vmem>>
      %dma_wait3A_75 = arith.constant 0 : i32
      %dma_wait3A_76 = arith.constant 0 : i32
      %dma_wait3A_77 = tpu.memref_slice %arg14[%dma_wait3A_75, %dma_wait3A_76] : memref<10240x64xf32, #tpu.memory_space<vmem_shared>> -> memref<10240x64xf32, #tpu.memory_space<vmem_shared>>
      tpu.wait_indirect_dma semaphore(%arg20 : memref<!tpu.dma_semaphore, #tpu.memory_space<semaphore_mem>>) src(%arg10 : memref<125x64xf32, #tpu.memory_space<vmem>>) dst(%dma_wait3A_77 : memref<10240x64xf32, #tpu.memory_space<vmem_shared>>)
      %dma_wait3A_78 = arith.constant 0 : i32
      %dma_wait3A_79 = arith.constant 0 : i32
      %dma_wait3A_80 = tpu.memref_slice %arg8[%dma_wait3A_78, %dma_wait3A_79] : memref<160x125xi32, #tpu.memory_space<vmem>> -> memref<1x125xi32, #tpu.memory_space<vmem>>
      %dma_wait3A_81 = tpu.memref_squeeze %dma_wait3A_80 : memref<1x125xi32, #tpu.memory_space<vmem>> -> memref<125xi32, #tpu.memory_space<vmem>>
      %dma_wait3A_82 = arith.constant 0 : i32
      %dma_wait3A_83 = arith.constant 0 : i32
      %dma_wait3A_84 = tpu.memref_slice %arg14[%dma_wait3A_82, %dma_wait3A_83] : memref<10240x64xf32, #tpu.memory_space<vmem_shared>> -> memref<10240x64xf32, #tpu.memory_space<vmem_shared>>
      tpu.wait_indirect_dma semaphore(%arg21 : memref<!tpu.dma_semaphore, #tpu.memory_space<semaphore_mem>>) src(%arg11 : memref<125x64xf32, #tpu.memory_space<vmem>>) dst(%dma_wait3A_84 : memref<10240x64xf32, #tpu.memory_space<vmem_shared>>)
      %dma_wait3A_85 = arith.constant 0 : i32
      %dma_wait3A_86 = arith.constant 0 : i32
      %dma_wait3A_87 = tpu.memref_slice %arg8[%dma_wait3A_85, %dma_wait3A_86] : memref<160x125xi32, #tpu.memory_space<vmem>> -> memref<1x125xi32, #tpu.memory_space<vmem>>
      %dma_wait3A_88 = tpu.memref_squeeze %dma_wait3A_87 : memref<1x125xi32, #tpu.memory_space<vmem>> -> memref<125xi32, #tpu.memory_space<vmem>>
      %dma_wait3A_89 = arith.constant 0 : i32
      %dma_wait3A_90 = arith.constant 0 : i32
      %dma_wait3A_91 = tpu.memref_slice %arg14[%dma_wait3A_89, %dma_wait3A_90] : memref<10240x64xf32, #tpu.memory_space<vmem_shared>> -> memref<10240x64xf32, #tpu.memory_space<vmem_shared>>
      tpu.wait_indirect_dma semaphore(%arg22 : memref<!tpu.dma_semaphore, #tpu.memory_space<semaphore_mem>>) src(%arg12 : memref<125x64xf32, #tpu.memory_space<vmem>>) dst(%dma_wait3A_91 : memref<10240x64xf32, #tpu.memory_space<vmem_shared>>)
    } else {
    }
    %barrier3A_22 = arith.constant 0 : index
    tpu.barrier barrier_id(%barrier3A_22)
    %scan3A_23 = arith.constant 0 : i32
    %scan3A_24 = arith.constant 5 : i32
    %scan3A_25 = arith.addi %scan3A_23, %scan3A_24 : i32
    %scan3A_26 = arith.constant 1 : i32
    scf.for %scan3A_33 = %scan3A_23 to %scan3A_25 step %scan3A_26  : i32 {
      %mul3A = arith.constant 1 : i32
      %mul3A_34 = arith.muli %scan3A_33, %mul3A : i32
      %add3A = arith.constant 0 : i32
      %add3A_35 = arith.addi %add3A, %mul3A_34 : i32
      %mul3A_36 = arith.constant 640 : i32
      %mul3A_37 = arith.muli %arg1, %mul3A_36 : i32
      %mul3A_38 = arith.constant 128 : i32
      %mul3A_39 = arith.muli %add3A_35, %mul3A_38 : i32
      %add3A_40 = arith.addi %mul3A_37, %mul3A_39 : i32
      %mul3A_41 = arith.constant 640 : i32
      %mul3A_42 = arith.muli %arg1, %mul3A_41 : i32
      %mul3A_43 = arith.constant 128 : i32
      %mul3A_44 = arith.muli %add3A_35, %mul3A_43 : i32
      %add3A_45 = arith.addi %mul3A_42, %mul3A_44 : i32
      %dma_start3A = arith.constant 0 : i32
      %dma_start3A_46 = arith.constant 0 : i32
      %dma_start3A_47 = tpu.memref_slice %arg6[%arg0, %dma_start3A, %dma_start3A_46] : memref<2x10240x64xf32, #tpu.memory_space<hbm>> -> memref<1x10240x64xf32, #tpu.memory_space<hbm>>
      %dma_start3A_48 = tpu.memref_squeeze %dma_start3A_47 : memref<1x10240x64xf32, #tpu.memory_space<hbm>> -> memref<10240x64xf32, #tpu.memory_space<hbm>>
      %dma_start3A_49 = arith.constant 0 : i32
      %dma_start3A_50 = tpu.memref_slice %dma_start3A_48[%add3A_45, %dma_start3A_49] : memref<10240x64xf32, #tpu.memory_space<hbm>> -> memref<128x64xf32, #tpu.memory_space<hbm>>
      %dma_start3A_51 = arith.constant 0 : i32
      %dma_start3A_52 = tpu.memref_slice %arg14[%add3A_40, %dma_start3A_51] : memref<10240x64xf32, #tpu.memory_space<vmem_shared>> -> memref<128x64xf32, #tpu.memory_space<vmem_shared>>
      tpu.enqueue_dma source(%dma_start3A_52 : memref<128x64xf32, #tpu.memory_space<vmem_shared>>) target(%dma_start3A_50 : memref<128x64xf32, #tpu.memory_space<hbm>>) target_semaphore(%arg15 : memref<!tpu.dma_semaphore, #tpu.memory_space<semaphore_mem>>)
    }
    %scan3A_27 = arith.constant 5 : i32
    %scan3A_28 = arith.constant 0 : i32
    %scan3A_29 = arith.constant 5 : i32
    %scan3A_30 = arith.addi %scan3A_28, %scan3A_29 : i32
    %scan3A_31 = arith.constant 1 : i32
    scf.for %scan3A_33 = %scan3A_28 to %scan3A_30 step %scan3A_31  : i32 {
      %mul3A = arith.constant 1 : i32
      %mul3A_34 = arith.muli %scan3A_33, %mul3A : i32
      %add3A = arith.constant 0 : i32
      %add3A_35 = arith.addi %add3A, %mul3A_34 : i32
      %dma_wait3A = arith.constant 0 : i32
      %dma_wait3A_36 = arith.constant 0 : i32
      %dma_wait3A_37 = tpu.memref_slice %arg6[%arg0, %dma_wait3A, %dma_wait3A_36] : memref<2x10240x64xf32, #tpu.memory_space<hbm>> -> memref<1x10240x64xf32, #tpu.memory_space<hbm>>
      %dma_wait3A_38 = tpu.memref_squeeze %dma_wait3A_37 : memref<1x10240x64xf32, #tpu.memory_space<hbm>> -> memref<10240x64xf32, #tpu.memory_space<hbm>>
      %dma_wait3A_39 = arith.constant 0 : i32
      %dma_wait3A_40 = arith.constant 0 : i32
      %dma_wait3A_41 = tpu.memref_slice %dma_wait3A_38[%dma_wait3A_39, %dma_wait3A_40] : memref<10240x64xf32, #tpu.memory_space<hbm>> -> memref<128x64xf32, #tpu.memory_space<hbm>>
      %dma_wait3A_42 = arith.constant 0 : i32
      %dma_wait3A_43 = arith.constant 0 : i32
      %dma_wait3A_44 = tpu.memref_slice %arg14[%dma_wait3A_42, %dma_wait3A_43] : memref<10240x64xf32, #tpu.memory_space<vmem_shared>> -> memref<128x64xf32, #tpu.memory_space<vmem_shared>>
      tpu.wait_dma2 semaphore(%arg15 : memref<!tpu.dma_semaphore, #tpu.memory_space<semaphore_mem>>) src(%dma_wait3A_44 : memref<128x64xf32, #tpu.memory_space<vmem_shared>>) dst(%dma_wait3A_41 : memref<128x64xf32, #tpu.memory_space<hbm>>)
    }
    %scan3A_32 = arith.constant 5 : i32
    return
  }
}

module attributes {stable_mosaic.version = 14 : i64} {
  func.func @_stage_a_body(%arg0: i32, %arg1: memref<2x2000x16xf32, #tpu.memory_space<vmem>>, %arg2: memref<2000x128xf32, #tpu.memory_space<vmem>>, %arg3: memref<2000x64xf32, #tpu.memory_space<vmem>>, %arg4: memref<2000x64xf32, #tpu.memory_space<vmem>>, %arg5: memref<2000x1xf32, #tpu.memory_space<vmem>>) attributes {dimension_semantics = [#tpu.dimension_semantics<arbitrary>], iteration_bounds = array<i64: 5>, scalar_prefetch = 0 : i64, scratch_operands = 0 : i64, tpu.core_type = #tpu.core_type<tc>, window_params = [{transform_indices = @transform_0, window_bounds = array<i64: 2, 2000, 16>}, {transform_indices = @transform_1, window_bounds = array<i64: 2000, 128>}, {transform_indices = @transform_2, window_bounds = array<i64: 2000, 64>}, {transform_indices = @transform_3, window_bounds = array<i64: 2000, 64>}, {transform_indices = @transform_4, window_bounds = array<i64: 2000, 1>}]} {
    %get3A = arith.constant 0 : index
    %get3A_0 = arith.constant 0 : index
    %get3A_1 = arith.constant 0 : index
    %get3A_2 = vector.load %arg1[%get3A, %get3A_0, %get3A_1] : memref<2x2000x16xf32, #tpu.memory_space<vmem>>, vector<1x2000x1xf32>
    %get3A_3 = vector.shape_cast %get3A_2 : vector<1x2000x1xf32> to vector<2000x1xf32>
    %add3A = arith.constant 1.000000e+00 : f32
    %add3A_4 = vector.broadcast %add3A : f32 to vector<2000x1xf32>
    %add3A_5 = arith.addf %add3A_4, %get3A_3 : vector<2000x1xf32>
    %get3A_6 = arith.constant 1 : index
    %get3A_7 = arith.constant 0 : index
    %get3A_8 = arith.constant 0 : index
    %get3A_9 = vector.load %arg1[%get3A_6, %get3A_7, %get3A_8] : memref<2x2000x16xf32, #tpu.memory_space<vmem>>, vector<1x2000x1xf32>
    %get3A_10 = vector.shape_cast %get3A_9 : vector<1x2000x1xf32> to vector<2000x1xf32>
    %add3A_11 = arith.addf %add3A_5, %get3A_10 : vector<2000x1xf32>
    %rsqrt3A = math.rsqrt %add3A_11 : vector<2000x1xf32>
    %get3A_12 = arith.constant 0 : index
    %get3A_13 = arith.constant 0 : index
    %get3A_14 = vector.load %arg2[%get3A_12, %get3A_13] : memref<2000x128xf32, #tpu.memory_space<vmem>>, vector<2000x128xf32>
    %mul3A = vector.broadcast %rsqrt3A : vector<2000x1xf32> to vector<2000x128xf32>
    %mul3A_15 = arith.mulf %get3A_14, %mul3A : vector<2000x128xf32>
    %slice3A = vector.extract_strided_slice %mul3A_15 {offsets = [0, 0], sizes = [2000, 64], strides = [1, 1]} : vector<2000x128xf32> to vector<2000x64xf32>
    %swap3A = arith.constant 0 : index
    %swap3A_16 = arith.constant 0 : index
    %swap3A_17 = vector.load %arg3[%swap3A, %swap3A_16] : memref<2000x64xf32, #tpu.memory_space<vmem>>, vector<2000x64xf32>
    tpu.vector_store %arg3[%swap3A, %swap3A_16], %slice3A {strides = array<i32>} : memref<2000x64xf32, #tpu.memory_space<vmem>>, vector<2000x64xf32>,
    %slice3A_18 = vector.extract_strided_slice %mul3A_15 {offsets = [0, 64], sizes = [2000, 64], strides = [1, 1]} : vector<2000x128xf32> to vector<2000x64xf32>
    %swap3A_19 = arith.constant 0 : index
    %swap3A_20 = arith.constant 0 : index
    %swap3A_21 = vector.load %arg4[%swap3A_19, %swap3A_20] : memref<2000x64xf32, #tpu.memory_space<vmem>>, vector<2000x64xf32>
    tpu.vector_store %arg4[%swap3A_19, %swap3A_20], %slice3A_18 {strides = array<i32>} : memref<2000x64xf32, #tpu.memory_space<vmem>>, vector<2000x64xf32>,
    %swap3A_22 = arith.constant 0 : index
    %swap3A_23 = arith.constant 0 : index
    %swap3A_24 = vector.load %arg5[%swap3A_22, %swap3A_23] : memref<2000x1xf32, #tpu.memory_space<vmem>>, vector<2000x1xf32>
    tpu.vector_store %arg5[%swap3A_22, %swap3A_23], %rsqrt3A {strides = array<i32>} : memref<2000x1xf32, #tpu.memory_space<vmem>>, vector<2000x1xf32>,
    return
  }
  func.func @transform_0(%arg0: i32) -> (i32, i32, i32) {
    %c0_i32 = arith.constant 0 : i32
    %c0_i32_0 = arith.constant 0 : i32
    %c0_i32_1 = arith.constant 0 : i32
    return %c0_i32, %arg0, %c0_i32_0 : i32, i32, i32
  }
  func.func @transform_1(%arg0: i32) -> (i32, i32) {
    %c0_i32 = arith.constant 0 : i32
    %c0_i32_0 = arith.constant 0 : i32
    return %arg0, %c0_i32 : i32, i32
  }
  func.func @transform_2(%arg0: i32) -> (i32, i32) {
    %c0_i32 = arith.constant 0 : i32
    %c0_i32_0 = arith.constant 0 : i32
    return %arg0, %c0_i32 : i32, i32
  }
  func.func @transform_3(%arg0: i32) -> (i32, i32) {
    %c0_i32 = arith.constant 0 : i32
    %c0_i32_0 = arith.constant 0 : i32
    return %arg0, %c0_i32 : i32, i32
  }
  func.func @transform_4(%arg0: i32) -> (i32, i32) {
    %c0_i32 = arith.constant 0 : i32
    %c0_i32_0 = arith.constant 0 : i32
    return %arg0, %c0_i32 : i32, i32
  }
}

module attributes {stable_mosaic.version = 14 : i64} {
  func.func @_stage_b_body(%arg0: i32, %arg1: memref<2000x64xf32, #tpu.memory_space<vmem>>, %arg2: memref<2000x64xf32, #tpu.memory_space<vmem>>, %arg3: memref<2x2000x64xf32, #tpu.memory_space<vmem>>, %arg4: memref<2000x1xf32, #tpu.memory_space<vmem>>, %arg5: memref<128x128xf32, #tpu.memory_space<vmem>>, %arg6: memref<1x128xf32, #tpu.memory_space<vmem>>, %arg7: memref<2000x64xf32, #tpu.memory_space<vmem>>, %arg8: memref<2000x64xf32, #tpu.memory_space<vmem>>) attributes {dimension_semantics = [#tpu.dimension_semantics<arbitrary>], iteration_bounds = array<i64: 5>, scalar_prefetch = 0 : i64, scratch_operands = 0 : i64, tpu.core_type = #tpu.core_type<tc>, window_params = [{transform_indices = @transform_0, window_bounds = array<i64: 2000, 64>}, {transform_indices = @transform_1, window_bounds = array<i64: 2000, 64>}, {transform_indices = @transform_2, window_bounds = array<i64: 2, 2000, 64>}, {transform_indices = @transform_3, window_bounds = array<i64: 2000, 1>}, {pipeline_mode = #tpu.pipeline_mode<synchronous>, transform_indices = @transform_4, window_bounds = array<i64: 128, 128>}, {pipeline_mode = #tpu.pipeline_mode<synchronous>, transform_indices = @transform_5, window_bounds = array<i64: 1, 128>}, {transform_indices = @transform_6, window_bounds = array<i64: 2000, 64>}, {transform_indices = @transform_7, window_bounds = array<i64: 2000, 64>}]} {
    %get3A = arith.constant 0 : index
    %get3A_0 = arith.constant 0 : index
    %get3A_1 = vector.load %arg1[%get3A, %get3A_0] : memref<2000x64xf32, #tpu.memory_space<vmem>>, vector<2000x64xf32>
    %get3A_2 = arith.constant 0 : index
    %get3A_3 = arith.constant 0 : index
    %get3A_4 = arith.constant 0 : index
    %get3A_5 = vector.load %arg3[%get3A_2, %get3A_3, %get3A_4] : memref<2x2000x64xf32, #tpu.memory_space<vmem>>, vector<1x2000x64xf32>
    %get3A_6 = vector.shape_cast %get3A_5 : vector<1x2000x64xf32> to vector<2000x64xf32>
    %add3A = arith.addf %get3A_1, %get3A_6 : vector<2000x64xf32>
    %get3A_7 = arith.constant 0 : index
    %get3A_8 = arith.constant 0 : index
    %get3A_9 = vector.load %arg2[%get3A_7, %get3A_8] : memref<2000x64xf32, #tpu.memory_space<vmem>>, vector<2000x64xf32>
    %get3A_10 = arith.constant 1 : index
    %get3A_11 = arith.constant 0 : index
    %get3A_12 = arith.constant 0 : index
    %get3A_13 = vector.load %arg3[%get3A_10, %get3A_11, %get3A_12] : memref<2x2000x64xf32, #tpu.memory_space<vmem>>, vector<1x2000x64xf32>
    %get3A_14 = vector.shape_cast %get3A_13 : vector<1x2000x64xf32> to vector<2000x64xf32>
    %add3A_15 = arith.addf %get3A_9, %get3A_14 : vector<2000x64xf32>
    %concatenate3A = tpu.concatenate %add3A, %add3A_15 in 1 : vector<2000x64xf32>, vector<2000x64xf32> -> vector<2000x128xf32>
    %get3A_16 = arith.constant 0 : index
    %get3A_17 = arith.constant 0 : index
    %get3A_18 = vector.load %arg4[%get3A_16, %get3A_17] : memref<2000x1xf32, #tpu.memory_space<vmem>>, vector<2000x1xf32>
    %mul3A = vector.broadcast %get3A_18 : vector<2000x1xf32> to vector<2000x128xf32>
    %mul3A_19 = arith.mulf %concatenate3A, %mul3A : vector<2000x128xf32>
    %get3A_20 = arith.constant 0 : index
    %get3A_21 = arith.constant 0 : index
    %get3A_22 = vector.load %arg5[%get3A_20, %get3A_21] : memref<128x128xf32, #tpu.memory_space<vmem>>, vector<128x128xf32>
    %dot_general3A = arith.constant dense<0.000000e+00> : vector<2000x128xf32>
    %dot_general3A_23 = tpu.matmul %mul3A_19, %get3A_22, %dot_general3A {dimension_numbers = #tpu.dot_dimension_numbers<[1], [1], [0], [0], [0, 0, 1, 0], [], []>, transpose_lhs_hint = false} : vector<2000x128xf32>, vector<128x128xf32>, vector<2000x128xf32> -> vector<2000x128xf32>
    %get3A_24 = arith.constant 0 : index
    %get3A_25 = arith.constant 0 : index
    %get3A_26 = vector.load %arg6[%get3A_24, %get3A_25] : memref<1x128xf32, #tpu.memory_space<vmem>>, vector<1x128xf32>
    %add3A_27 = vector.broadcast %get3A_26 : vector<1x128xf32> to vector<2000x128xf32>
    %add3A_28 = arith.addf %dot_general3A_23, %add3A_27 : vector<2000x128xf32>
    %integer_pow3A = arith.mulf %add3A_28, %add3A_28 : vector<2000x128xf32>
    %integer_pow3A_29 = arith.mulf %add3A_28, %integer_pow3A : vector<2000x128xf32>
    %mul3A_30 = arith.constant 4.471500e-02 : f32
    %mul3A_31 = vector.broadcast %mul3A_30 : f32 to vector<2000x128xf32>
    %mul3A_32 = arith.mulf %mul3A_31, %integer_pow3A_29 : vector<2000x128xf32>
    %add3A_33 = arith.addf %add3A_28, %mul3A_32 : vector<2000x128xf32>
    %mul3A_34 = arith.constant 0.797884583 : f32
    %mul3A_35 = vector.broadcast %mul3A_34 : f32 to vector<2000x128xf32>
    %mul3A_36 = arith.mulf %mul3A_35, %add3A_33 : vector<2000x128xf32>
    %tanh3A = math.tanh %mul3A_36 : vector<2000x128xf32>
    %add3A_37 = arith.constant 1.000000e+00 : f32
    %add3A_38 = vector.broadcast %add3A_37 : f32 to vector<2000x128xf32>
    %add3A_39 = arith.addf %add3A_38, %tanh3A : vector<2000x128xf32>
    %mul3A_40 = arith.constant 5.000000e-01 : f32
    %mul3A_41 = vector.broadcast %mul3A_40 : f32 to vector<2000x128xf32>
    %mul3A_42 = arith.mulf %mul3A_41, %add3A_39 : vector<2000x128xf32>
    %mul3A_43 = arith.mulf %add3A_28, %mul3A_42 : vector<2000x128xf32>
    %get3A_44 = arith.constant 0 : index
    %get3A_45 = arith.constant 0 : index
    %get3A_46 = vector.load %arg4[%get3A_44, %get3A_45] : memref<2000x1xf32, #tpu.memory_space<vmem>>, vector<2000x1xf32>
    %mul3A_47 = vector.broadcast %get3A_46 : vector<2000x1xf32> to vector<2000x128xf32>
    %mul3A_48 = arith.mulf %mul3A_43, %mul3A_47 : vector<2000x128xf32>
    %slice3A = vector.extract_strided_slice %mul3A_48 {offsets = [0, 0], sizes = [2000, 64], strides = [1, 1]} : vector<2000x128xf32> to vector<2000x64xf32>
    %swap3A = arith.constant 0 : index
    %swap3A_49 = arith.constant 0 : index
    %swap3A_50 = vector.load %arg7[%swap3A, %swap3A_49] : memref<2000x64xf32, #tpu.memory_space<vmem>>, vector<2000x64xf32>
    tpu.vector_store %arg7[%swap3A, %swap3A_49], %slice3A {strides = array<i32>} : memref<2000x64xf32, #tpu.memory_space<vmem>>, vector<2000x64xf32>,
    %slice3A_51 = vector.extract_strided_slice %mul3A_48 {offsets = [0, 64], sizes = [2000, 64], strides = [1, 1]} : vector<2000x128xf32> to vector<2000x64xf32>
    %swap3A_52 = arith.constant 0 : index
    %swap3A_53 = arith.constant 0 : index
    %swap3A_54 = vector.load %arg8[%swap3A_52, %swap3A_53] : memref<2000x64xf32, #tpu.memory_space<vmem>>, vector<2000x64xf32>
    tpu.vector_store %arg8[%swap3A_52, %swap3A_53], %slice3A_51 {strides = array<i32>} : memref<2000x64xf32, #tpu.memory_space<vmem>>, vector<2000x64xf32>,
    return
  }
  func.func @transform_0(%arg0: i32) -> (i32, i32) {
    %c0_i32 = arith.constant 0 : i32
    %c0_i32_0 = arith.constant 0 : i32
    return %arg0, %c0_i32 : i32, i32
  }
  func.func @transform_1(%arg0: i32) -> (i32, i32) {
    %c0_i32 = arith.constant 0 : i32
    %c0_i32_0 = arith.constant 0 : i32
    return %arg0, %c0_i32 : i32, i32
  }
  func.func @transform_2(%arg0: i32) -> (i32, i32, i32) {
    %c0_i32 = arith.constant 0 : i32
    %c0_i32_0 = arith.constant 0 : i32
    %c0_i32_1 = arith.constant 0 : i32
    return %c0_i32, %arg0, %c0_i32_0 : i32, i32, i32
  }
  func.func @transform_3(%arg0: i32) -> (i32, i32) {
    %c0_i32 = arith.constant 0 : i32
    %c0_i32_0 = arith.constant 0 : i32
    return %arg0, %c0_i32 : i32, i32
  }
  func.func @transform_4(%arg0: i32) -> (i32, i32) {
    %c0_i32 = arith.constant 0 : i32
    %c0_i32_0 = arith.constant 0 : i32
    %c0_i32_1 = arith.constant 0 : i32
    return %c0_i32, %c0_i32_0 : i32, i32
  }
  func.func @transform_5(%arg0: i32) -> (i32, i32) {
    %c0_i32 = arith.constant 0 : i32
    %c0_i32_0 = arith.constant 0 : i32
    %c0_i32_1 = arith.constant 0 : i32
    return %c0_i32, %c0_i32_0 : i32, i32
  }
  func.func @transform_6(%arg0: i32) -> (i32, i32) {
    %c0_i32 = arith.constant 0 : i32
    %c0_i32_0 = arith.constant 0 : i32
    return %arg0, %c0_i32 : i32, i32
  }
  func.func @transform_7(%arg0: i32) -> (i32, i32) {
    %c0_i32 = arith.constant 0 : i32
    %c0_i32_0 = arith.constant 0 : i32
    return %arg0, %c0_i32 : i32, i32
  }
}

module attributes {stable_mosaic.version = 14 : i64} {
  func.func @_stage_c_body(%arg0: i32, %arg1: memref<2000x64xf32, #tpu.memory_space<vmem>>, %arg2: memref<2000x64xf32, #tpu.memory_space<vmem>>, %arg3: memref<2x2000x64xf32, #tpu.memory_space<vmem>>, %arg4: memref<2000x1xf32, #tpu.memory_space<vmem>>, %arg5: memref<128x128xf32, #tpu.memory_space<vmem>>, %arg6: memref<1x128xf32, #tpu.memory_space<vmem>>, %arg7: memref<2000x128xf32, #tpu.memory_space<vmem>>) attributes {dimension_semantics = [#tpu.dimension_semantics<arbitrary>], iteration_bounds = array<i64: 5>, scalar_prefetch = 0 : i64, scratch_operands = 0 : i64, tpu.core_type = #tpu.core_type<tc>, window_params = [{transform_indices = @transform_0, window_bounds = array<i64: 2000, 64>}, {transform_indices = @transform_1, window_bounds = array<i64: 2000, 64>}, {transform_indices = @transform_2, window_bounds = array<i64: 2, 2000, 64>}, {transform_indices = @transform_3, window_bounds = array<i64: 2000, 1>}, {pipeline_mode = #tpu.pipeline_mode<synchronous>, transform_indices = @transform_4, window_bounds = array<i64: 128, 128>}, {pipeline_mode = #tpu.pipeline_mode<synchronous>, transform_indices = @transform_5, window_bounds = array<i64: 1, 128>}, {transform_indices = @transform_6, window_bounds = array<i64: 2000, 128>}]} {
    %get3A = arith.constant 0 : index
    %get3A_0 = arith.constant 0 : index
    %get3A_1 = vector.load %arg1[%get3A, %get3A_0] : memref<2000x64xf32, #tpu.memory_space<vmem>>, vector<2000x64xf32>
    %get3A_2 = arith.constant 0 : index
    %get3A_3 = arith.constant 0 : index
    %get3A_4 = arith.constant 0 : index
    %get3A_5 = vector.load %arg3[%get3A_2, %get3A_3, %get3A_4] : memref<2x2000x64xf32, #tpu.memory_space<vmem>>, vector<1x2000x64xf32>
    %get3A_6 = vector.shape_cast %get3A_5 : vector<1x2000x64xf32> to vector<2000x64xf32>
    %add3A = arith.addf %get3A_1, %get3A_6 : vector<2000x64xf32>
    %get3A_7 = arith.constant 0 : index
    %get3A_8 = arith.constant 0 : index
    %get3A_9 = vector.load %arg2[%get3A_7, %get3A_8] : memref<2000x64xf32, #tpu.memory_space<vmem>>, vector<2000x64xf32>
    %get3A_10 = arith.constant 1 : index
    %get3A_11 = arith.constant 0 : index
    %get3A_12 = arith.constant 0 : index
    %get3A_13 = vector.load %arg3[%get3A_10, %get3A_11, %get3A_12] : memref<2x2000x64xf32, #tpu.memory_space<vmem>>, vector<1x2000x64xf32>
    %get3A_14 = vector.shape_cast %get3A_13 : vector<1x2000x64xf32> to vector<2000x64xf32>
    %add3A_15 = arith.addf %get3A_9, %get3A_14 : vector<2000x64xf32>
    %concatenate3A = tpu.concatenate %add3A, %add3A_15 in 1 : vector<2000x64xf32>, vector<2000x64xf32> -> vector<2000x128xf32>
    %get3A_16 = arith.constant 0 : index
    %get3A_17 = arith.constant 0 : index
    %get3A_18 = vector.load %arg4[%get3A_16, %get3A_17] : memref<2000x1xf32, #tpu.memory_space<vmem>>, vector<2000x1xf32>
    %mul3A = vector.broadcast %get3A_18 : vector<2000x1xf32> to vector<2000x128xf32>
    %mul3A_19 = arith.mulf %concatenate3A, %mul3A : vector<2000x128xf32>
    %get3A_20 = arith.constant 0 : index
    %get3A_21 = arith.constant 0 : index
    %get3A_22 = vector.load %arg5[%get3A_20, %get3A_21] : memref<128x128xf32, #tpu.memory_space<vmem>>, vector<128x128xf32>
    %dot_general3A = arith.constant dense<0.000000e+00> : vector<2000x128xf32>
    %dot_general3A_23 = tpu.matmul %mul3A_19, %get3A_22, %dot_general3A {dimension_numbers = #tpu.dot_dimension_numbers<[1], [1], [0], [0], [0, 0, 1, 0], [], []>, transpose_lhs_hint = false} : vector<2000x128xf32>, vector<128x128xf32>, vector<2000x128xf32> -> vector<2000x128xf32>
    %get3A_24 = arith.constant 0 : index
    %get3A_25 = arith.constant 0 : index
    %get3A_26 = vector.load %arg6[%get3A_24, %get3A_25] : memref<1x128xf32, #tpu.memory_space<vmem>>, vector<1x128xf32>
    %add3A_27 = vector.broadcast %get3A_26 : vector<1x128xf32> to vector<2000x128xf32>
    %add3A_28 = arith.addf %dot_general3A_23, %add3A_27 : vector<2000x128xf32>
    %swap3A = arith.constant 0 : index
    %swap3A_29 = arith.constant 0 : index
    %swap3A_30 = vector.load %arg7[%swap3A, %swap3A_29] : memref<2000x128xf32, #tpu.memory_space<vmem>>, vector<2000x128xf32>
    tpu.vector_store %arg7[%swap3A, %swap3A_29], %add3A_28 {strides = array<i32>} : memref<2000x128xf32, #tpu.memory_space<vmem>>, vector<2000x128xf32>,
    return
  }
  func.func @transform_0(%arg0: i32) -> (i32, i32) {
    %c0_i32 = arith.constant 0 : i32
    %c0_i32_0 = arith.constant 0 : i32
    return %arg0, %c0_i32 : i32, i32
  }
  func.func @transform_1(%arg0: i32) -> (i32, i32) {
    %c0_i32 = arith.constant 0 : i32
    %c0_i32_0 = arith.constant 0 : i32
    return %arg0, %c0_i32 : i32, i32
  }
  func.func @transform_2(%arg0: i32) -> (i32, i32, i32) {
    %c0_i32 = arith.constant 0 : i32
    %c0_i32_0 = arith.constant 0 : i32
    %c0_i32_1 = arith.constant 0 : i32
    return %c0_i32, %arg0, %c0_i32_0 : i32, i32, i32
  }
  func.func @transform_3(%arg0: i32) -> (i32, i32) {
    %c0_i32 = arith.constant 0 : i32
    %c0_i32_0 = arith.constant 0 : i32
    return %arg0, %c0_i32 : i32, i32
  }
  func.func @transform_4(%arg0: i32) -> (i32, i32) {
    %c0_i32 = arith.constant 0 : i32
    %c0_i32_0 = arith.constant 0 : i32
    %c0_i32_1 = arith.constant 0 : i32
    return %c0_i32, %c0_i32_0 : i32, i32
  }
  func.func @transform_5(%arg0: i32) -> (i32, i32) {
    %c0_i32 = arith.constant 0 : i32
    %c0_i32_0 = arith.constant 0 : i32
    %c0_i32_1 = arith.constant 0 : i32
    return %c0_i32, %c0_i32_0 : i32, i32
  }
  func.func @transform_6(%arg0: i32) -> (i32, i32) {
    %c0_i32 = arith.constant 0 : i32
    %c0_i32_0 = arith.constant 0 : i32
    return %arg0, %c0_i32 : i32, i32
  }
}

</mosaic_0001>

<sc_bundles>
// kernel: kernel.11.cloned.1.call-start
scs
__scs_entry_jumppad:
0x0: {  	(pc) =	sbr.rel $0x88, $3  }
0x1: {  	(tag) =	ssettag $0x0;
	lr =	simm.s32 $0x1  }
0x2: {  	[smem:$0x3F9B] =	sst lr;
	_ =	strace $0xD0000000  }
0x3: {  	_ = 	snop  }
0x4: {  	_ = 	snop  }
0x5: {  	_ = 	snop  }
0x6: {  	_ = 	snop  }
0x7: {  	_ = 	snop  }
__scs_overlays_trampoline_lowered:
0x8: {  	[smem:$0x3FAA] =	sst s0  }
0x9: {  	[smem:$0x3FAB] =	sst s1  }
0xa: {  	[smem:$0x3FAC] =	sst s2  }
0xb: {  	[smem:$0x3FAD] =	sst s3  }
0xc: {  	[smem:$0x3FAE] =	sst s4  }
0xd: {  	[smem:$0x3FAF] =	sst s5  }
0xe: {  	[smem:$0x3FB0] =	sst s6  }
0xf: {  	[smem:$0x3FB1] =	sst s7  }
0x10: {  	[smem:$0x3FB2] =	sst s8  }
0x11: {  	[smem:$0x3FB3] =	sst s9;
	s0 =	simm.s32 @!p0 $0x0  }
0x12: {  	s1 =	sld [smem:$0x3F99];
	s0 =	simm.s32 @p0 $0x1  }
0x13: {  	[smem:$0x3FB4] =	sst s0;
	s0 =	simm.s32 @!p1 $0x0  }
0x14: {  	s2 =	sld [smem:$0x3F98];
	s0 =	simm.s32 @p1 $0x1  }
0x15: {  	[smem:$0x3FB5] =	sst s0;
	s0 =	simm.s32 @!p2 $0x0  }
0x16: {  	s3 =	sld [smem:$0x3FDB];
	s0 =	simm.s32 @p2 $0x1  }
0x17: {  	s4 =	simm.s32 $0x1BF5;
	[smem:$0x3FB7] =	sst s0  }
0x18: {  	s0 =	sld [smem:$0x3F9A];
	_ =	swait.ge [sflag:s4], $0x0  }
0x19: {  	s7 =	sld [smem:$0x3F9B]  }
0x1a: {  	s8 =	sadd.s32 $0xFFFFE003, lr  }
0x1b: {  	s9 =	sadd.s32 $0xFFFFFEF7, lr;
	s5 =	simm.s32 $0xFFFFFFFF;
	p2 =	slt.u32 s8, $0xFFFFF086  }
0x1c: {  	p1 =	slt.u32 s9, $0xF7A;
	s5 =	simm.s32 @!p2 $0x0  }
0x1d: {  	s5 =	simm.s32 @p1 $0x1;
	p0 =	seq.s32 s7, s2  }
0x1e: {  	s7 =	smul.u32 @!p0 $0xF7A, s2;
	p2 =	seq.s32 @!p0 s5, $0x0  }
0x1f: {  	s9 =	smul.u32 $0xF7A, s1;
	s8 =	simm.s32 @!p0 $0x1BF5;
	p2 =	por !p2, p0  }
0x20: {  	[sflag:s8] =	ssyncset.s32 @!p0 $0xFFFFF086;
	s6 =	sadd.s32 @!p0 s3, s7;
	s7 =	simm.s32 @!p0 $0x108  }
0x21: {  	s3 =	sadd.s32 s3, s9;
	s6 =	sadd.s32 @!p0 $0x88, s6;
	s7 =	simm.s32 @p2 $0x1082  }
0x22: {  	[simem:s7], [sflag:s8] =	dma.local @!p0 [hbm:s6], $0xF7A  }
0x23: {  	s9 =	sor.u32 $0xD0000000, s2;
	s6 =	simm.s32 $0x108;
	_ =	swait.ge @!p0 [sflag:s8], $0x0  }
0x24: {  	s3 =	sadd.s32 $0x88, s3;
	s6 =	simm.s32 @!p1 $0x1082;
	[sflag:s4] =	ssyncset.s32 $0xFFFFF086  }
0x25: {  	[simem:s6], [sflag:s4] =	dma.local [hbm:s3], $0xF7A  }
0x26: {  	[smem:$0x3F9B] =	sst s1;
	(tag) =	ssettag s2;
	_ =	strace s9  }
0x27: {  	s1 =	sld [smem:$0x3FAB]  }
0x28: {  	s2 =	sld [smem:$0x3FAC]  }
0x29: {  	s4 =	sld [smem:$0x3FAE]  }
0x2a: {  	p0 =	seq.s32 s5, $0x0;
	s5 =	sld [smem:$0x3FAF]  }
0x2b: {  	s6 =	sld [smem:$0x3FB0]  }
0x2c: {  	s7 =	sld [smem:$0x3FB1]  }
0x2d: {  	s3 =	simm.s32 $0x108;
	s8 =	sld [smem:$0x3FB2]  }
0x2e: {  	s3 =	simm.s32 @!p0 $0x1082;
	s9 =	sld [smem:$0x3FB3]  }
0x2f: {  	lr =	sadd.s32 s0, s3;
	s0 =	sld [smem:$0x3FAA]  }
0x30: {  	s3 =	sld [smem:$0x3FAD]  }
0x31: {  	[smem:$0x3FB6] =	sst s10  }
0x32: {  	s10 =	sld [smem:$0x3FB4];
	_ =	sdelay $0x3  }
0x33: {  	p0 =	seq.s32 s10, $0x1;
	s10 =	sld [smem:$0x3FB6];
	_ =	sdelay $0x3  }
0x34: {  	[smem:$0x3FB6] =	sst s10  }
0x35: {  	s10 =	sld [smem:$0x3FB5];
	_ =	sdelay $0x3  }
0x36: {  	p1 =	seq.s32 s10, $0x1;
	s10 =	sld [smem:$0x3FB6];
	_ =	sdelay $0x3  }
0x37: {  	[smem:$0x3FB6] =	sst s10  }
0x38: {  	s10 =	sld [smem:$0x3FB7]  }
0x39: {  	_ = 	snop;
	(pc) =	sbr.ind lr, $3  }
0x3a: {  	_ = 	snop  }
0x3b: {  	_ = 	snop  }
0x3c: {  	p2 =	seq.s32 s10, $0x1;
	s10 =	sld [smem:$0x3FB6]  }
0x3d: {  	_ =	shalt  }
0x3e: {  	_ =	shalt  }
0x3f: {  	_ =	shalt  }
0x40: {  	_ =	shalt  }
0x41: {  	_ =	shalt  }
0x42: {  	_ =	shalt  }
0x43: {  	_ =	shalt  }
0x44: {  	_ =	shalt  }
0x45: {  	_ =	shalt  }
0x46: {  	_ =	shalt  }
0x47: {  	_ =	shalt  }
0x48: {  	_ =	shalt  }
0x49: {  	_ =	shalt  }
0x4a: {  	_ =	shalt  }
0x4b: {  	_ =	shalt  }
0x4c: {  	_ =	shalt  }
0x4d: {  	_ =	shalt  }
0x4e: {  	_ =	shalt  }
0x4f: {  	_ =	shalt  }
0x50: {  	_ =	shalt  }
0x51: {  	_ =	shalt  }
0x52: {  	_ =	shalt  }
0x53: {  	_ =	shalt  }
0x54: {  	_ =	shalt  }
0x55: {  	_ =	shalt  }
0x56: {  	_ =	shalt  }
0x57: {  	_ =	shalt  }
0x58: {  	_ =	shalt  }
0x59: {  	_ =	shalt  }
0x5a: {  	_ =	shalt  }
0x5b: {  	_ =	shalt  }
0x5c: {  	_ =	shalt  }
0x5d: {  	_ =	shalt  }
0x5e: {  	_ =	shalt  }
0x5f: {  	_ =	shalt  }
0x60: {  	_ =	shalt  }
0x61: {  	_ =	shalt  }
0x62: {  	_ =	shalt  }
0x63: {  	_ =	shalt  }
0x64: {  	_ =	shalt  }
0x65: {  	_ =	shalt  }
0x66: {  	_ =	shalt  }
0x67: {  	_ =	shalt  }
0x68: {  	_ =	shalt  }
0x69: {  	_ =	shalt  }
0x6a: {  	_ =	shalt  }
0x6b: {  	_ =	shalt  }
0x6c: {  	_ =	shalt  }
0x6d: {  	_ =	shalt  }
0x6e: {  	_ =	shalt  }
0x6f: {  	_ =	shalt  }
0x70: {  	_ =	shalt  }
0x71: {  	_ =	shalt  }
0x72: {  	_ =	shalt  }
0x73: {  	_ =	shalt  }
0x74: {  	_ =	shalt  }
0x75: {  	_ =	shalt  }
0x76: {  	_ =	shalt  }
0x77: {  	_ =	shalt  }
0x78: {  	_ =	shalt  }
0x79: {  	_ =	shalt  }
0x7a: {  	_ =	shalt  }
0x7b: {  	_ =	shalt  }
0x7c: {  	_ =	shalt  }
0x7d: {  	_ =	shalt  }
0x7e: {  	_ =	shalt  }
0x7f: {  	_ =	shalt  }
0x80: {  	_ =	shalt  }
0x81: {  	_ =	shalt  }
0x82: {  	_ =	shalt  }
0x83: {  	_ =	shalt  }
0x84: {  	_ =	shalt  }
0x85: {  	_ =	shalt  }
0x86: {  	_ =	shalt  }
0x87: {  	_ =	shalt  }
.Lfunc_end0:
.L_simem_size_0:
called_computation.1_lowered:
.L_overlay_start_0:
0x88: {  	s2 =	sld [smem:$0x3FD9]  }
0x89: {  	s3 =	sld [smem:$0x3FFE];
	_ =	sdelay $0x1  }
0x8a: {  	s1 =	srdreg.scid  }
0x8b: {  	s0 =	sand.u32 $0x1, s1  }
0x8c: {  	s16 =	sshll.u32 s0, $0xA;
	s2 =	sadd.s32 s3, s2  }
0x8d: {  	s2 =	sadd.s32 s2, s16  }
0x8e: {  	[smem:$0x3FC2] =	sst s2  }
0x8f: {  	_ = 	snop  }
0x90: {  	(tm) =	ssettm $0x1  }
0x91: {  	s17 =	sld [smem:$0x3FFB];
	_ =	sdelay $0x3  }
0x92: {  	_ =	strace s17  }
0x93: {  	s2 =	sld [smem:$0x3FFC];
	_ =	sdelay $0x3  }
0x94: {  	_ =	strace s2  }
0x95: {  	s2 =	sld [smem:$0x3FFD];
	_ =	sdelay $0x3  }
0x96: {  	_ =	strace s2  }
0x97: {  	_ =	strace $0x8FFFFFFF  }
0x98: {  	s18 =	sld [smem:$0x3FDB];
	_ =	sdelay $0x1  }
0x99: {  	s19 =	simm.s32 $_scs_section_size  }
0x9a: {  	s4 =	simm.s32 $_size__tile_overlayer_lowered;
	s5 =	simm.s32 $_tile_overlayer_lowered  }
0x9b: {  	s22 =	simm.s32 $0x1BFF;
	s21 =	sshll.u32 s5, $0x1;
	s2 =	sadd.s32 s19, s18  }
0x9c: {  	s6 =	simm.s32 $0x0;
	s20 =	sshll.u32 s4, $0x1;
	s4 =	sadd.s32 s21, s2  }
0x9d: {  	[timem:s6], [sflag:s22] =	dma.local [hbm:s4], s20  }
0x9e: {  	_ =	swait.ge [sflag:s22], s20  }
0x9f: {  	s3 =	ssub.s32 $0x0, s20;
	[sflag:s22] =	ssyncset.done $0x0  }
0xa0: {  	[sflag:s22] =	ssyncadd.s32 s3;
	_ =	sdelay $0x1  }
0xa1: {  	s23 =	simm.s32 $0x1B8B  }
0xa2: {  	_ =	swait.ge [sflag:s23], $0x1  }
0xa3: {  	[sflag:s23] =	ssyncset.done $0x0  }
0xa4: {  	s25 =	simm.s32 $0x1B8E;
	s24 =	sld [smem:$0x3FFE];
	[sflag:s23] =	ssyncadd.s32 $0xFFFFFFFF  }
0xa5: {  	s26 =	simm.s32 $execute0_lowered;
	[smem:$0x3FD2] =	sst s25  }
0xa6: {  	s4 =	sshll.u32 s26, $0x1;
	_ =	strace $0x80000049;
	[dreg:$0x1] =	wrdreg $0xFFFFFFFF  }
0xa7: {  	s28 =	simm.s32 $_size_execute0_lowered;
	s2 =	sadd.s32 s2, s4;
	[dreg:$0x0] =	wrdreg $0x0  }
0xa8: {  	s4 =	sshll.u32 s28, $0x1;
	[dreg:$0x2] =	wrdreg s2  }
0xa9: {  	[dreg:$0x3] =	wrdreg s4  }
0xaa: {  	[dreg:$0x4] =	wrdreg $0xC0  }
0xab: {  	_ =	task [dreg:s6], $0x5FFFF  }
0xac: {  	[dreg:$0x1] =	wrdreg $0xFFFFFFFF  }
0xad: {  	[dreg:$0x0] =	wrdreg $0x60  }
0xae: {  	[dreg:$0x2] =	wrdreg s24  }
0xaf: {  	[dreg:$0x3] =	wrdreg $0x13D000  }
0xb0: {  	[dreg:$0x4] =	wrdreg $0x9  }
0xb1: {  	_ =	task.clear_ibuf [dreg:s6], $0x5FFFF;
	_ =	strace $0x90000049  }
0xb2: {  	s29 =	simm.s32 $0x9;
	_ =	strace $0x8000004B  }
0xb3: {  	_ =	swait.ge [sflag:s29], $0x1  }
0xb4: {  	[sflag:s29] =	ssyncadd.s32 $0xFFFFFFFF  }
0xb5: {  	_ =	strace $0x9000004B  }
0xb6: {  	_ =	sfence  }
0xb7: {  	s30 =	sld [smem:$0x0];
	_ =	sdelay $0x2  }
0xb8: {  	s31 =	sshll.u32 s1, $0xD;
	s1 =	sshrl.u32 s1, $0x2  }
0xb9: {  	s3 =	sand.u32 $0x4000, s31;
	s1 =	sadd.s32 s1, s30  }
0xba: {  	s0 =	sor.u32 s3, s0;
	s1 =	sshll.u32 s1, $0x11  }
0xbb: {  	s0 =	sor.u32 s1, s0  }
0xbc: {  	s0 =	sadd.s32 $0x8F2B, s0  }
0xbd: {  	[sflag:s0] =	ssyncadd.remote.s32 $0x1  }
0xbe: {  	_ =	sfence.sel $0xFFFF  }
0xbf: {  	[dreg:$0x0] =	wrdreg $0xFFFFFFFF;
	(pc) =	sbr.abs _section_cstart, $3  }
0xc0: {  	[dreg:$0x1] =	wrdreg $0xFFFFFFFF  }
0xc1: {  	_ =	task.clear_ibuf [dreg:s6], $0x2FFFF;
	_ =	strace $0x9FFFFFFF  }
0xc2: {  	(tm) =	ssettm $0x7FFFFFFF  }
0xc3: {  	_ =	shalt  }
tec
execute0_lowered:
.L_overlay_start_1:
0x0: {  	(tag) =	ssettag $0x1  }
0x1: {  	s0 =	rddreg [dreg:$0x0]  }
0x2: {  	s2 =	rddreg [dreg:$0x1]  }
0x3: {  	s9 =	stileid.u32;
	s1 =	srdreg.scid;
	s4 =	simm.s32 $0x0  }
0x4: {  	s29 =	simm.s32 $0x7D;
	s30 =	simm.s32 $0xA000;
	s28 =	simm.s32 $0xDE80  }
0x5: {  	s31 =	simm.s32 $0x2;
	s3 =	smul.u32 $0xA00, s9;
	s1 =	sand.u32 $0x1, s1  }
0x6: {  	[smem:$0x7FF] =	sst s4;
	s4 =	sadd.s32 $0x47E00, s0;
	s7 =	smul.u32 $0x28000, s9  }
0x7: {  	s5 =	sadd.s32 $0x5B800, s0;
	s16 =	smul.u32 $0xA000, s9;
	s9 =	simm.s32 $0x6  }
0x8: {  	s6 =	smul.u32 $0x14000, s1;
	_ =	strace $0x8000004A;
	s8 =	ssub.s32 $0x2, s1  }
0x9: {  	p0 =	seq.s32 s1, $0x1;
	s3 =	sadd.s32 s3, s0;
	s14 =	sshrl.u32 s8, $0x1  }
0xa: {  	s7 =	sshrl.u32 s7, $0x2;
	s22 =	sshrl.u32 s16, $0x3;
	s23 =	sadd.s32 s16, s2  }
0xb: {  	s24 =	sadd.s32 $0x2000, s16;
	s10 =	sadd.s32 $0x4000, s16;
	s12 =	sadd.s32 $0x6000, s16  }
0xc: {  	s1 =	sadd.s32 $0x8000, s16;
	s0 =	sadd.s32 s6, s0;
	s8 =	ssub.s32 s8, s14  }
0xd: {  	s6 =	sadd.s32 s7, s2;
	s15 =	sadd.s32 $0xCC00, s3;
	s3 =	sadd.s32 $0x16C00, s3  }
0xe: {  	s25 =	sshrl.u32 s24, $0x3;
	s11 =	sshrl.u32 s10, $0x3;
	s10 =	sadd.s32 s10, s2  }
0xf: {  	s13 =	sshrl.u32 s12, $0x3;
	s12 =	sadd.s32 s12, s2;
	[dreg:$0x3] =	wrdreg s15  }
0x10: {  	s14 =	simm.s32 $0x11D00;
	s7 =	simm.s32 $0x4;
	[dreg:$0x4] =	wrdreg s3  }
0x11: {  	s0 =	sadd.s32 $0x6F200, s0;
	s17 =	smax.u32 s8, $0x1;
	s18 =	sadd.s32 $0x2000, s6  }
0x12: {  	s19 =	sadd.s32 $0x4000, s6;
	s20 =	sadd.s32 $0x6000, s6;
	[dreg:$0x5] =	wrdreg s17  }
0x13: {  	s21 =	sadd.s32 $0x8000, s6;
	s8 =	sadd.s32 s24, s2;
	[dreg:$0x6] =	wrdreg s18  }
0x14: {  	s15 =	sshrl.u32 s1, $0x3;
	s1 =	sadd.s32 s1, s2;
	[dreg:$0x7] =	wrdreg s19  }
0x15: {  	s24 =	sshrl.u32 s12, $0x3;
	s12 =	simm.s32 $0x0;
	[dreg:$0x8] =	wrdreg s20  }
0x16: {  	[dreg:$0x9] =	wrdreg s21;
	s3 =	sadd.s32 s22, s0;
	s26 =	sadd.s32 s25, s0  }
0x17: {  	s17 =	sadd.s32 s11, s0;
	s18 =	sadd.s32 s13, s0;
	s19 =	sadd.s32 s15, s0  }
.Ltmp0:
0x18: {  	s20 =	simm.s32 $0x1;
	s21 =	sshrl.u32 s23, $0x3;
	(pc) =	sbr.rel .LBB2_1-.Ltmp0, $4  }
0x19: {  	s22 =	sshrl.u32 s8, $0x3;
	s23 =	sshrl.u32 s10, $0x3;
	s25 =	sshrl.u32 s1, $0x3  }
0x1a: {  	s0 =	simm.s32 $0xBF40;
	s1 =	simm.s32 $0xFDC0;
	s8 =	simm.s32 $0x5  }
0x1b: {  	s10 =	simm.s32 $0x7;
	s11 =	simm.s32 $0x8;
	[dreg:$0xa] =	wrdreg s3  }
0x1c: {  	v0 =	vimm.f32 $0.0e+00;
	[dreg:$0xb] =	wrdreg s26;
	s26 =	simm.s32 $0x9;
	s3 =	simm.s32 $0x3  }
.LBB2_6:
0x1d: {  	[tilespmem:s1], [sflag:$0x4] =	stream.indirect.gather [hbm4b:s4+s29], $0x40, s15, s29, $0xb8;
	[tilespmem:$0x1DD00] =	vst v63  }
.LBB2_10:
0x1e: {  	_ =	swait.ge [sflag:s20], $0x1F40  }
0x1f: {  	[sflag:s20] =	ssyncset.done $0x0  }
0x20: {  	s13 =	simm.s32 $0x9E00;
	[sflag:s20] =	ssyncadd.s32 $0xFFFFE0C0  }
0x21: {  	[spmem:s2] =	stream.indirect.scatter.add.f32 [tilespmem:s30], [sflag:$0x5], $0x40, s13, s29, $0xb8;
	[tilespmem:$0x1DD00] =	vst v63  }
0x22: {  	_ =	swait.ge [sflag:s31], $0x1F40  }
0x23: {  	[sflag:s31] =	ssyncset.done $0x0  }
0x24: {  	s16 =	simm.s32 $0x9E80;
	[sflag:s31] =	ssyncadd.s32 $0xFFFFE0C0  }
0x25: {  	[spmem:s2] =	stream.indirect.scatter.add.f32 [tilespmem:s0], [sflag:$0x6], $0x40, s16, s29, $0xb8;
	[tilespmem:$0x1DD00] =	vst v63  }
0x26: {  	_ =	swait.ge [sflag:s3], $0x1F40  }
0x27: {  	[sflag:s3] =	ssyncset.done $0x0  }
0x28: {  	s15 =	simm.s32 $0x9F00;
	[sflag:s3] =	ssyncadd.s32 $0xFFFFE0C0  }
0x29: {  	[spmem:s2] =	stream.indirect.scatter.add.f32 [tilespmem:s28], [sflag:$0x7], $0x40, s15, s29, $0xb8;
	[tilespmem:$0x1DD00] =	vst v63  }
0x2a: {  	_ =	swait.ge [sflag:s7], $0x1F40  }
0x2b: {  	[sflag:s7] =	ssyncset.done $0x0  }
0x2c: {  	s16 =	simm.s32 $0x9F80;
	[sflag:s7] =	ssyncadd.s32 $0xFFFFE0C0  }
0x2d: {  	[spmem:s2] =	stream.indirect.scatter.add.f32 [tilespmem:s1], [sflag:$0x8], $0x40, s16, s29, $0xb8;
	[tilespmem:$0x1DD00] =	vst v63  }
0x2e: {  	_ =	swait.ge [sflag:s8], $0x1F40  }
0x2f: {  	[sflag:s8] =	ssyncset.done $0x0  }
0x30: {  	[sflag:s8] =	ssyncadd.s32 $0xFFFFE0C0  }
0x31: {  	_ =	swait.ge [sflag:s9], $0x1F40  }
0x32: {  	[sflag:s9] =	ssyncset.done $0x0  }
0x33: {  	[sflag:s9] =	ssyncadd.s32 $0xFFFFE0C0  }
0x34: {  	_ =	swait.ge [sflag:s10], $0x1F40  }
0x35: {  	[sflag:s10] =	ssyncset.done $0x0  }
0x36: {  	[sflag:s10] =	ssyncadd.s32 $0xFFFFE0C0  }
0x37: {  	_ =	swait.ge [sflag:s11], $0x1F40  }
0x38: {  	[sflag:s11] =	ssyncset.done $0x0  }
0x39: {  	s15 =	stileid.u32;
	[sflag:s11] =	ssyncadd.s32 $0xFFFFE0C0  }
0x3a: {  	s13 =	sshll.u32 s15, $0x6;
	[bflag:$0x0] =	sbarrier.arrive $0xFFFF  }
0x3b: {  	s13 =	sor.u32 $0x1C01, s13;
	s15 =	rddreg [dreg:$0xa]  }
0x3c: {  	[hbm:s15], [sflag:s13] =	dma.local [spmem:s21], $0x400  }
0x3d: {  	s15 =	rddreg [dreg:$0xb]  }
0x3e: {  	[hbm:s15], [sflag:s13] =	dma.local [spmem:s22], $0x400  }
0x3f: {  	[hbm:s17], [sflag:s13] =	dma.local [spmem:s23], $0x400  }
0x40: {  	[hbm:s18], [sflag:s13] =	dma.local [spmem:s24], $0x400  }
0x41: {  	[hbm:s19], [sflag:s13] =	dma.local [spmem:s25], $0x400  }
0x42: {  	_ =	swait.ge [sflag:s20], $0x400  }
0x43: {  	[sflag:s20] =	ssyncset.done $0x0  }
0x44: {  	[sflag:s20] =	ssyncadd.s32 $0xFFFFFC00  }
0x45: {  	_ =	swait.ge [sflag:s20], $0x400  }
0x46: {  	[sflag:s20] =	ssyncset.done $0x0  }
0x47: {  	[sflag:s20] =	ssyncadd.s32 $0xFFFFFC00  }
0x48: {  	_ =	swait.ge [sflag:s20], $0x400  }
0x49: {  	[sflag:s20] =	ssyncset.done $0x0  }
0x4a: {  	[sflag:s20] =	ssyncadd.s32 $0xFFFFFC00  }
0x4b: {  	_ =	swait.ge [sflag:s20], $0x400  }
0x4c: {  	[sflag:s20] =	ssyncset.done $0x0  }
0x4d: {  	[sflag:s20] =	ssyncadd.s32 $0xFFFFFC00  }
0x4e: {  	_ =	swait.ge [sflag:s20], $0x400  }
0x4f: {  	s12 =	sadd.s32 $0x1, s12;
	s16 =	rddreg [dreg:$0x5]  }
0x50: {  	p1 =	sne.s32 s12, s16  }
.Ltmp1:
0x51: {  	_ = 	snop;
	(pc) =	sbr.rel @!p1 .LBB2_11-.Ltmp1, $3  }
0x52: {  	_ =	sdelay $0x1  }
0x53: {  	[sflag:s20] =	ssyncset.done $0x0  }
0x54: {  	[sflag:s20] =	ssyncadd.s32 $0xFFFFFC00  }
.LBB2_1:
0x55: {  	s15 =	simm.s32 $0x100;
	s13 =	simm.s32 $0x0  }
.LBB2_2:
0x56: {  	p1 =	sne.s32 s15, $0x7F00;
	[tilespmem:s13+$0x11D30] =	vst v0;
	s16 =	smov.u32 s15;
	s15 =	sadd.s32 $0x100, s15  }
.Ltmp2:
0x57: {  	[tilespmem:s13+$0x11D20] =	vst v0;
	(pc) =	sbr.rel @p1 .LBB2_2-.Ltmp2, $3  }
0x58: {  	[tilespmem:s13+$0x11D00] =	vst v0  }
0x59: {  	[tilespmem:s13+$0x11D10] =	vst v0;
	_ =	sdelay $0x1  }
0x5a: {  	s13 =	sshra.s32 s16, $0x2  }
0x5b: {  	[tilespmem:s13+$0x11D30] =	vst v0  }
0x5c: {  	[tilespmem:s13+$0x11D20] =	vst v0  }
0x5d: {  	[tilespmem:s13+$0x11D00] =	vst v0  }
0x5e: {  	[tilespmem:s13+$0x11D10] =	vst v0  }
0x5f: {  	[spmem:s6] =	stream.linear.scatter [tilespmem:s14], [sflag:$0x1], $0x2000, $0x38;
	[tilespmem:$0x1DD00] =	vst v63  }
0x60: {  	s15 =	rddreg [dreg:$0x6]  }
0x61: {  	[spmem:s15] =	stream.linear.scatter [tilespmem:s14], [sflag:$0x1], $0x2000, $0x38;
	[tilespmem:$0x1DD00] =	vst v63  }
0x62: {  	s16 =	rddreg [dreg:$0x7]  }
0x63: {  	[spmem:s16] =	stream.linear.scatter [tilespmem:s14], [sflag:$0x1], $0x2000, $0x38;
	[tilespmem:$0x1DD00] =	vst v63  }
0x64: {  	s15 =	rddreg [dreg:$0x8]  }
0x65: {  	[spmem:s15] =	stream.linear.scatter [tilespmem:s14], [sflag:$0x1], $0x2000, $0x38;
	[tilespmem:$0x1DD00] =	vst v63  }
0x66: {  	s16 =	rddreg [dreg:$0x9]  }
0x67: {  	[spmem:s16] =	stream.linear.scatter [tilespmem:s14], [sflag:$0x1], $0x2000, $0x38;
	[tilespmem:$0x1DD00] =	vst v63  }
0x68: {  	_ =	swait.ge [sflag:s20], $0x2000  }
0x69: {  	[sflag:s20] =	ssyncset.done $0x0  }
0x6a: {  	[sflag:s20] =	ssyncadd.s32 $0xFFFFE000  }
0x6b: {  	_ =	swait.ge [sflag:s20], $0x2000  }
0x6c: {  	[sflag:s20] =	ssyncset.done $0x0  }
0x6d: {  	[sflag:s20] =	ssyncadd.s32 $0xFFFFE000  }
0x6e: {  	_ =	swait.ge [sflag:s20], $0x2000  }
0x6f: {  	[sflag:s20] =	ssyncset.done $0x0  }
0x70: {  	[sflag:s20] =	ssyncadd.s32 $0xFFFFE000  }
0x71: {  	_ =	swait.ge [sflag:s20], $0x2000  }
0x72: {  	[sflag:s20] =	ssyncset.done $0x0  }
0x73: {  	[sflag:s20] =	ssyncadd.s32 $0xFFFFE000  }
0x74: {  	_ =	swait.ge [sflag:s20], $0x2000  }
0x75: {  	[sflag:s20] =	ssyncset.done $0x0  }
0x76: {  	[sflag:s20] =	ssyncadd.s32 $0xFFFFE000  }
0x77: {  	[bflag:$0x0] =	sbarrier.arrive $0xFFFF  }
0x78: {  	s13 =	simm.s32 $0x0;
	s15 =	rddreg [dreg:$0x3]  }
0x79: {  	[tilespmem:s13], [sflag:$0x9] =	stream.linear.gather [hbm4b:s15+s13], $0x5000, $0x38;
	[tilespmem:$0x1DD00] =	vst v63  }
0x7a: {  	_ =	swait.ge [sflag:s26], $0x5000  }
0x7b: {  	s16 =	simm.s32 $0x5000;
	[sflag:s26] =	ssyncset.done $0x0  }
.Ltmp3:
0x7c: {  	s15 =	rddreg [dreg:$0x4];
	[sflag:s26] =	ssyncadd.s32 $0xFFFFB000;
	(pc) =	sbr.rel @!p0 .LBB2_4-.Ltmp3, $4  }
0x7d: {  	[tilespmem:s16], [sflag:$0x9] =	stream.linear.gather [hbm4b:s15+s13], $0x5000, $0x38;
	[tilespmem:$0x1DD00] =	vst v63  }
0x7e: {  	_ =	swait.ge [sflag:s26], $0x5000  }
0x7f: {  	[sflag:s26] =	ssyncset.done $0x0  }
0x80: {  	s13 =	simm.s32 $0x0;
	[sflag:s26] =	ssyncadd.s32 $0xFFFFB000  }
0x81: {  	[tilespmem:s30], [sflag:$0x1] =	stream.indirect.gather [hbm4b:s5+s29], $0x40, s13, s29, $0xb8;
	[tilespmem:$0x1DD00] =	vst v63  }
0x82: {  	s15 =	simm.s32 $0x80  }
0x83: {  	[tilespmem:s0], [sflag:$0x2] =	stream.indirect.gather [hbm4b:s5+s29], $0x40, s15, s29, $0xb8;
	[tilespmem:$0x1DD00] =	vst v63  }
0x84: {  	s16 =	simm.s32 $0x100  }
0x85: {  	[tilespmem:s28], [sflag:$0x3] =	stream.indirect.gather [hbm4b:s5+s29], $0x40, s16, s29, $0xb8;
	[tilespmem:$0x1DD00] =	vst v63  }
0x86: {  	s15 =	simm.s32 $0x180  }
0x87: {  	[tilespmem:s1], [sflag:$0x4] =	stream.indirect.gather [hbm4b:s5+s29], $0x40, s15, s29, $0xb8;
	[tilespmem:$0x1DD00] =	vst v63  }
0x88: {  	_ =	swait.ge [sflag:s20], $0x1F40  }
0x89: {  	[sflag:s20] =	ssyncset.done $0x0  }
0x8a: {  	s16 =	simm.s32 $0x5000;
	[sflag:s20] =	ssyncadd.s32 $0xFFFFE0C0  }
0x8b: {  	[spmem:s2] =	stream.indirect.scatter.add.f32 [tilespmem:s30], [sflag:$0x5], $0x40, s16, s29, $0xb8;
	[tilespmem:$0x1DD00] =	vst v63  }
0x8c: {  	_ =	swait.ge [sflag:s31], $0x1F40  }
0x8d: {  	[sflag:s31] =	ssyncset.done $0x0  }
0x8e: {  	s15 =	simm.s32 $0x5080;
	[sflag:s31] =	ssyncadd.s32 $0xFFFFE0C0  }
0x8f: {  	[spmem:s2] =	stream.indirect.scatter.add.f32 [tilespmem:s0], [sflag:$0x6], $0x40, s15, s29, $0xb8;
	[tilespmem:$0x1DD00] =	vst v63  }
0x90: {  	_ =	swait.ge [sflag:s3], $0x1F40  }
0x91: {  	[sflag:s3] =	ssyncset.done $0x0  }
0x92: {  	s16 =	simm.s32 $0x5100;
	[sflag:s3] =	ssyncadd.s32 $0xFFFFE0C0  }
0x93: {  	[spmem:s2] =	stream.indirect.scatter.add.f32 [tilespmem:s28], [sflag:$0x7], $0x40, s16, s29, $0xb8;
	[tilespmem:$0x1DD00] =	vst v63  }
0x94: {  	_ =	swait.ge [sflag:s7], $0x1F40  }
0x95: {  	[sflag:s7] =	ssyncset.done $0x0  }
0x96: {  	s15 =	simm.s32 $0x5180;
	[sflag:s7] =	ssyncadd.s32 $0xFFFFE0C0  }
0x97: {  	[spmem:s2] =	stream.indirect.scatter.add.f32 [tilespmem:s1], [sflag:$0x8], $0x40, s15, s29, $0xb8;
	[tilespmem:$0x1DD00] =	vst v63  }
0x98: {  	_ =	swait.ge [sflag:s8], $0x1F40  }
0x99: {  	[sflag:s8] =	ssyncset.done $0x0  }
0x9a: {  	s16 =	simm.s32 $0x200;
	[sflag:s8] =	ssyncadd.s32 $0xFFFFE0C0  }
0x9b: {  	[tilespmem:s30], [sflag:$0x1] =	stream.indirect.gather [hbm4b:s5+s29], $0x40, s16, s29, $0xb8;
	[tilespmem:$0x1DD00] =	vst v63  }
0x9c: {  	_ =	swait.ge [sflag:s9], $0x1F40  }
0x9d: {  	[sflag:s9] =	ssyncset.done $0x0  }
0x9e: {  	s15 =	simm.s32 $0x280;
	[sflag:s9] =	ssyncadd.s32 $0xFFFFE0C0  }
0x9f: {  	[tilespmem:s0], [sflag:$0x2] =	stream.indirect.gather [hbm4b:s5+s29], $0x40, s15, s29, $0xb8;
	[tilespmem:$0x1DD00] =	vst v63  }
0xa0: {  	_ =	swait.ge [sflag:s10], $0x1F40  }
0xa1: {  	[sflag:s10] =	ssyncset.done $0x0  }
0xa2: {  	s16 =	simm.s32 $0x300;
	[sflag:s10] =	ssyncadd.s32 $0xFFFFE0C0  }
0xa3: {  	[tilespmem:s28], [sflag:$0x3] =	stream.indirect.gather [hbm4b:s5+s29], $0x40, s16, s29, $0xb8;
	[tilespmem:$0x1DD00] =	vst v63  }
0xa4: {  	_ =	swait.ge [sflag:s11], $0x1F40  }
0xa5: {  	[sflag:s11] =	ssyncset.done $0x0  }
0xa6: {  	s13 =	simm.s32 $0x800;
	s15 =	simm.s32 $0x380;
	[sflag:s11] =	ssyncadd.s32 $0xFFFFE0C0  }
.LBB2_8:
0xa7: {  	[tilespmem:s1], [sflag:$0x4] =	stream.indirect.gather [hbm4b:s5+s29], $0x40, s15, s29, $0xb8;
	[tilespmem:$0x1DD00] =	vst v63  }
0xa8: {  	s15 =	smov.u32 s13  }
0xa9: {  	p1 =	sne.s32 s13, $0x13000;
	s13 =	sadd.s32 $0x800, s13;
	_ =	swait.ge [sflag:s20], $0x1F40  }
0xaa: {  	s15 =	sshra.s32 s15, $0x2;
	[sflag:s20] =	ssyncset.done $0x0  }
0xab: {  	s16 =	sadd.s32 $0x5000, s15;
	[sflag:s20] =	ssyncadd.s32 $0xFFFFE0C0  }
0xac: {  	[spmem:s2] =	stream.indirect.scatter.add.f32 [tilespmem:s30], [sflag:$0x5], $0x40, s16, s29, $0xb8;
	[tilespmem:$0x1DD00] =	vst v63  }
0xad: {  	_ =	swait.ge [sflag:s31], $0x1F40  }
0xae: {  	[sflag:s31] =	ssyncset.done $0x0  }
0xaf: {  	s16 =	sadd.s32 $0x5080, s15;
	[sflag:s31] =	ssyncadd.s32 $0xFFFFE0C0  }
0xb0: {  	[spmem:s2] =	stream.indirect.scatter.add.f32 [tilespmem:s0], [sflag:$0x6], $0x40, s16, s29, $0xb8;
	[tilespmem:$0x1DD00] =	vst v63  }
0xb1: {  	_ =	swait.ge [sflag:s3], $0x1F40  }
0xb2: {  	[sflag:s3] =	ssyncset.done $0x0  }
0xb3: {  	s16 =	sadd.s32 $0x5100, s15;
	[sflag:s3] =	ssyncadd.s32 $0xFFFFE0C0  }
0xb4: {  	[spmem:s2] =	stream.indirect.scatter.add.f32 [tilespmem:s28], [sflag:$0x7], $0x40, s16, s29, $0xb8;
	[tilespmem:$0x1DD00] =	vst v63  }
0xb5: {  	_ =	swait.ge [sflag:s7], $0x1F40  }
0xb6: {  	[sflag:s7] =	ssyncset.done $0x0  }
0xb7: {  	s16 =	sadd.s32 $0x5180, s15;
	[sflag:s7] =	ssyncadd.s32 $0xFFFFE0C0  }
0xb8: {  	[spmem:s2] =	stream.indirect.scatter.add.f32 [tilespmem:s1], [sflag:$0x8], $0x40, s16, s29, $0xb8;
	[tilespmem:$0x1DD00] =	vst v63  }
0xb9: {  	_ =	swait.ge [sflag:s8], $0x1F40  }
0xba: {  	[sflag:s8] =	ssyncset.done $0x0  }
0xbb: {  	s16 =	sadd.s32 $0x200, s15;
	[sflag:s8] =	ssyncadd.s32 $0xFFFFE0C0  }
0xbc: {  	[tilespmem:s30], [sflag:$0x1] =	stream.indirect.gather [hbm4b:s5+s29], $0x40, s16, s29, $0xb8;
	[tilespmem:$0x1DD00] =	vst v63  }
0xbd: {  	_ =	swait.ge [sflag:s9], $0x1F40  }
0xbe: {  	[sflag:s9] =	ssyncset.done $0x0  }
0xbf: {  	s16 =	sadd.s32 $0x280, s15;
	[sflag:s9] =	ssyncadd.s32 $0xFFFFE0C0  }
0xc0: {  	[tilespmem:s0], [sflag:$0x2] =	stream.indirect.gather [hbm4b:s5+s29], $0x40, s16, s29, $0xb8;
	[tilespmem:$0x1DD00] =	vst v63  }
0xc1: {  	_ =	swait.ge [sflag:s10], $0x1F40  }
0xc2: {  	[sflag:s10] =	ssyncset.done $0x0  }
.Ltmp4:
0xc3: {  	s16 =	sadd.s32 $0x300, s15;
	[sflag:s10] =	ssyncadd.s32 $0xFFFFE0C0;
	(pc) =	sbr.rel @p1 .LBB2_8-.Ltmp4, $4  }
0xc4: {  	[tilespmem:s28], [sflag:$0x3] =	stream.indirect.gather [hbm4b:s5+s29], $0x40, s16, s29, $0xb8;
	[tilespmem:$0x1DD00] =	vst v63  }
0xc5: {  	_ =	swait.ge [sflag:s11], $0x1F40  }
0xc6: {  	[sflag:s11] =	ssyncset.done $0x0  }
0xc7: {  	s15 =	sadd.s32 $0x380, s15;
	[sflag:s11] =	ssyncadd.s32 $0xFFFFE0C0  }
.Ltmp5:
0xc8: {  	(pc) =	sbr.rel .LBB2_10-.Ltmp5, $2  }
0xc9: {  	_ =	sdelay $0x2  }
0xca: {  	[tilespmem:s1], [sflag:$0x4] =	stream.indirect.gather [hbm4b:s5+s29], $0x40, s15, s29, $0xb8;
	[tilespmem:$0x1DD00] =	vst v63  }
.LBB2_4:
0xcb: {  	[tilespmem:s30], [sflag:$0x1] =	stream.indirect.gather [hbm4b:s4+s29], $0x40, s13, s29, $0xb8;
	[tilespmem:$0x1DD00] =	vst v63  }
0xcc: {  	s15 =	simm.s32 $0x80  }
0xcd: {  	[tilespmem:s0], [sflag:$0x2] =	stream.indirect.gather [hbm4b:s4+s29], $0x40, s15, s29, $0xb8;
	[tilespmem:$0x1DD00] =	vst v63  }
0xce: {  	s16 =	simm.s32 $0x100  }
0xcf: {  	[tilespmem:s28], [sflag:$0x3] =	stream.indirect.gather [hbm4b:s4+s29], $0x40, s16, s29, $0xb8;
	[tilespmem:$0x1DD00] =	vst v63  }
0xd0: {  	s15 =	simm.s32 $0x180  }
0xd1: {  	[tilespmem:s1], [sflag:$0x4] =	stream.indirect.gather [hbm4b:s4+s29], $0x40, s15, s29, $0xb8;
	[tilespmem:$0x1DD00] =	vst v63  }
0xd2: {  	_ =	swait.ge [sflag:s20], $0x1F40  }
0xd3: {  	[sflag:s20] =	ssyncset.done $0x0  }
0xd4: {  	s16 =	simm.s32 $0x5000;
	[sflag:s20] =	ssyncadd.s32 $0xFFFFE0C0  }
0xd5: {  	[spmem:s2] =	stream.indirect.scatter.add.f32 [tilespmem:s30], [sflag:$0x5], $0x40, s16, s29, $0xb8;
	[tilespmem:$0x1DD00] =	vst v63  }
0xd6: {  	_ =	swait.ge [sflag:s31], $0x1F40  }
0xd7: {  	[sflag:s31] =	ssyncset.done $0x0  }
0xd8: {  	s15 =	simm.s32 $0x5080;
	[sflag:s31] =	ssyncadd.s32 $0xFFFFE0C0  }
0xd9: {  	[spmem:s2] =	stream.indirect.scatter.add.f32 [tilespmem:s0], [sflag:$0x6], $0x40, s15, s29, $0xb8;
	[tilespmem:$0x1DD00] =	vst v63  }
0xda: {  	_ =	swait.ge [sflag:s3], $0x1F40  }
0xdb: {  	[sflag:s3] =	ssyncset.done $0x0  }
0xdc: {  	s16 =	simm.s32 $0x5100;
	[sflag:s3] =	ssyncadd.s32 $0xFFFFE0C0  }
0xdd: {  	[spmem:s2] =	stream.indirect.scatter.add.f32 [tilespmem:s28], [sflag:$0x7], $0x40, s16, s29, $0xb8;
	[tilespmem:$0x1DD00] =	vst v63  }
0xde: {  	_ =	swait.ge [sflag:s7], $0x1F40  }
0xdf: {  	[sflag:s7] =	ssyncset.done $0x0  }
0xe0: {  	s15 =	simm.s32 $0x5180;
	[sflag:s7] =	ssyncadd.s32 $0xFFFFE0C0  }
0xe1: {  	[spmem:s2] =	stream.indirect.scatter.add.f32 [tilespmem:s1], [sflag:$0x8], $0x40, s15, s29, $0xb8;
	[tilespmem:$0x1DD00] =	vst v63  }
0xe2: {  	_ =	swait.ge [sflag:s8], $0x1F40  }
0xe3: {  	[sflag:s8] =	ssyncset.done $0x0  }
0xe4: {  	s16 =	simm.s32 $0x200;
	[sflag:s8] =	ssyncadd.s32 $0xFFFFE0C0  }
0xe5: {  	[tilespmem:s30], [sflag:$0x1] =	stream.indirect.gather [hbm4b:s4+s29], $0x40, s16, s29, $0xb8;
	[tilespmem:$0x1DD00] =	vst v63  }
0xe6: {  	_ =	swait.ge [sflag:s9], $0x1F40  }
0xe7: {  	[sflag:s9] =	ssyncset.done $0x0  }
0xe8: {  	s15 =	simm.s32 $0x280;
	[sflag:s9] =	ssyncadd.s32 $0xFFFFE0C0  }
0xe9: {  	[tilespmem:s0], [sflag:$0x2] =	stream.indirect.gather [hbm4b:s4+s29], $0x40, s15, s29, $0xb8;
	[tilespmem:$0x1DD00] =	vst v63  }
0xea: {  	_ =	swait.ge [sflag:s10], $0x1F40  }
0xeb: {  	[sflag:s10] =	ssyncset.done $0x0  }
0xec: {  	s16 =	simm.s32 $0x300;
	[sflag:s10] =	ssyncadd.s32 $0xFFFFE0C0  }
0xed: {  	[tilespmem:s28], [sflag:$0x3] =	stream.indirect.gather [hbm4b:s4+s29], $0x40, s16, s29, $0xb8;
	[tilespmem:$0x1DD00] =	vst v63  }
0xee: {  	_ =	swait.ge [sflag:s11], $0x1F40  }
0xef: {  	[sflag:s11] =	ssyncset.done $0x0  }
0xf0: {  	s13 =	simm.s32 $0x800;
	s15 =	simm.s32 $0x380;
	[sflag:s11] =	ssyncadd.s32 $0xFFFFE0C0  }
.LBB2_5:
0xf1: {  	[tilespmem:s1], [sflag:$0x4] =	stream.indirect.gather [hbm4b:s4+s29], $0x40, s15, s29, $0xb8;
	[tilespmem:$0x1DD00] =	vst v63  }
0xf2: {  	s15 =	smov.u32 s13  }
0xf3: {  	p1 =	seq.s32 s13, $0x13000;
	s13 =	sadd.s32 $0x800, s13;
	_ =	swait.ge [sflag:s20], $0x1F40  }
0xf4: {  	s15 =	sshra.s32 s15, $0x2;
	[sflag:s20] =	ssyncset.done $0x0  }
0xf5: {  	s16 =	sadd.s32 $0x5000, s15;
	[sflag:s20] =	ssyncadd.s32 $0xFFFFE0C0  }
0xf6: {  	[spmem:s2] =	stream.indirect.scatter.add.f32 [tilespmem:s30], [sflag:$0x5], $0x40, s16, s29, $0xb8;
	[tilespmem:$0x1DD00] =	vst v63  }
0xf7: {  	_ =	swait.ge [sflag:s31], $0x1F40  }
0xf8: {  	[sflag:s31] =	ssyncset.done $0x0  }
0xf9: {  	s16 =	sadd.s32 $0x5080, s15;
	[sflag:s31] =	ssyncadd.s32 $0xFFFFE0C0  }
0xfa: {  	[spmem:s2] =	stream.indirect.scatter.add.f32 [tilespmem:s0], [sflag:$0x6], $0x40, s16, s29, $0xb8;
	[tilespmem:$0x1DD00] =	vst v63  }
0xfb: {  	_ =	swait.ge [sflag:s3], $0x1F40  }
0xfc: {  	[sflag:s3] =	ssyncset.done $0x0  }
0xfd: {  	s16 =	sadd.s32 $0x5100, s15;
	[sflag:s3] =	ssyncadd.s32 $0xFFFFE0C0  }
0xfe: {  	[spmem:s2] =	stream.indirect.scatter.add.f32 [tilespmem:s28], [sflag:$0x7], $0x40, s16, s29, $0xb8;
	[tilespmem:$0x1DD00] =	vst v63  }
0xff: {  	_ =	swait.ge [sflag:s7], $0x1F40  }
0x100: {  	[sflag:s7] =	ssyncset.done $0x0  }
0x101: {  	s16 =	sadd.s32 $0x5180, s15;
	[sflag:s7] =	ssyncadd.s32 $0xFFFFE0C0  }
0x102: {  	[spmem:s2] =	stream.indirect.scatter.add.f32 [tilespmem:s1], [sflag:$0x8], $0x40, s16, s29, $0xb8;
	[tilespmem:$0x1DD00] =	vst v63  }
0x103: {  	_ =	swait.ge [sflag:s8], $0x1F40  }
0x104: {  	[sflag:s8] =	ssyncset.done $0x0  }
0x105: {  	s16 =	sadd.s32 $0x200, s15;
	[sflag:s8] =	ssyncadd.s32 $0xFFFFE0C0  }
0x106: {  	[tilespmem:s30], [sflag:$0x1] =	stream.indirect.gather [hbm4b:s4+s29], $0x40, s16, s29, $0xb8;
	[tilespmem:$0x1DD00] =	vst v63  }
0x107: {  	_ =	swait.ge [sflag:s9], $0x1F40  }
0x108: {  	[sflag:s9] =	ssyncset.done $0x0  }
0x109: {  	s16 =	sadd.s32 $0x280, s15;
	[sflag:s9] =	ssyncadd.s32 $0xFFFFE0C0  }
0x10a: {  	[tilespmem:s0], [sflag:$0x2] =	stream.indirect.gather [hbm4b:s4+s29], $0x40, s16, s29, $0xb8;
	[tilespmem:$0x1DD00] =	vst v63  }
0x10b: {  	_ =	swait.ge [sflag:s10], $0x1F40  }
0x10c: {  	[sflag:s10] =	ssyncset.done $0x0  }
.Ltmp6:
0x10d: {  	s16 =	sadd.s32 $0x300, s15;
	[sflag:s10] =	ssyncadd.s32 $0xFFFFE0C0;
	(pc) =	sbr.rel @!p1 .LBB2_5-.Ltmp6, $4  }
0x10e: {  	[tilespmem:s28], [sflag:$0x3] =	stream.indirect.gather [hbm4b:s4+s29], $0x40, s16, s29, $0xb8;
	[tilespmem:$0x1DD00] =	vst v63  }
0x10f: {  	_ =	swait.ge [sflag:s11], $0x1F40  }
0x110: {  	[sflag:s11] =	ssyncset.done $0x0  }
0x111: {  	s15 =	sadd.s32 $0x380, s15;
	[sflag:s11] =	ssyncadd.s32 $0xFFFFE0C0  }
.Ltmp7:
0x112: {  	_ = 	snop;
	(pc) =	sbr.rel .LBB2_6-.Ltmp7, $1  }
0x113: {  	_ =	sdelay $0x3  }
.LBB2_11:
0x114: {  	_ =	sfence.sel $0x180000  }
0x115: {  	[bflag:$0x0] =	sbarrier.arrive $0xFFFF  }
0x116: {  	_ =	strace $0x9000004A  }
0x117: {  	s0 =	stileid.u32;
	[bflag:$0x2] =	sbarrier.arrive $0xFFFF  }
0x118: {  	p0 =	sne.s32 s0, $0x0;
	s0 =	rddreg [dreg:$0x2]  }
0x119: {  	s0 =	sadd.s32 @!p0 $0x100000, s0  }
0x11a: {  	[sflag:s0] =	ssyncadd.tile.s32 @!p0 $0x1;
	_ =	shalt  }
.Lfunc_end2:
_tile_overlayer_lowered:
.L_overlay_start_2:
0x11b: {  	(tag) =	ssettag $0x2  }
0x11c: {  	s0 =	rddreg [dreg:$0x0];
	s2 =	stileid.u32  }
0x11d: {  	s1 =	rddreg [dreg:$0x1];
	p0 =	sne.s32 s2, $0x0  }
0x11e: {  	s3 =	rddreg [dreg:$0x2];
	[bflag:$0x3] =	sbarrier.arrive $0xFFFF;
	s2 =	simm.s32 @!p0 $0x1C09  }
0x11f: {  	[timem:s3], [sflag:s2] =	dma.local @!p0 [hbm:s0], s1  }
0x120: {  	s0 =	simm.s32 @!p0 $0x9  }
0x121: {  	_ =	swait.ge @!p0 [sflag:s0], s1  }
0x122: {  	s1 =	ssub.s32 @!p0 $0x0, s1;
	[sflag:s0] =	ssyncset.done @!p0 $0x0  }
0x123: {  	[sflag:s0] =	ssyncadd.s32 @!p0 s1  }
0x124: {  	[bflag:$0x3] =	sbarrier.arrive $0xFFFF  }
0x125: {  	_ =	shalt  }

// kernel: kernel.14.cloned.1.call-start
scs
__scs_entry_jumppad:
0x0: {  	(pc) =	sbr.rel $0x88, $3  }
0x1: {  	(tag) =	ssettag $0x0;
	lr =	simm.s32 $0x1  }
0x2: {  	[smem:$0x3F9B] =	sst lr;
	_ =	strace $0xD0000000  }
0x3: {  	_ = 	snop  }
0x4: {  	_ = 	snop  }
0x5: {  	_ = 	snop  }
0x6: {  	_ = 	snop  }
0x7: {  	_ = 	snop  }
__scs_overlays_trampoline_lowered:
0x8: {  	[smem:$0x3FAA] =	sst s0  }
0x9: {  	[smem:$0x3FAB] =	sst s1  }
0xa: {  	[smem:$0x3FAC] =	sst s2  }
0xb: {  	[smem:$0x3FAD] =	sst s3  }
0xc: {  	[smem:$0x3FAE] =	sst s4  }
0xd: {  	[smem:$0x3FAF] =	sst s5  }
0xe: {  	[smem:$0x3FB0] =	sst s6  }
0xf: {  	[smem:$0x3FB1] =	sst s7  }
0x10: {  	[smem:$0x3FB2] =	sst s8  }
0x11: {  	[smem:$0x3FB3] =	sst s9;
	s0 =	simm.s32 @!p0 $0x0  }
0x12: {  	s1 =	sld [smem:$0x3F99];
	s0 =	simm.s32 @p0 $0x1  }
0x13: {  	[smem:$0x3FB4] =	sst s0;
	s0 =	simm.s32 @!p1 $0x0  }
0x14: {  	s2 =	sld [smem:$0x3F98];
	s0 =	simm.s32 @p1 $0x1  }
0x15: {  	[smem:$0x3FB5] =	sst s0;
	s0 =	simm.s32 @!p2 $0x0  }
0x16: {  	s3 =	sld [smem:$0x3FDB];
	s0 =	simm.s32 @p2 $0x1  }
0x17: {  	s4 =	simm.s32 $0x1BF5;
	[smem:$0x3FB7] =	sst s0  }
0x18: {  	s0 =	sld [smem:$0x3F9A];
	_ =	swait.ge [sflag:s4], $0x0  }
0x19: {  	s7 =	sld [smem:$0x3F9B]  }
0x1a: {  	s8 =	sadd.s32 $0xFFFFE003, lr  }
0x1b: {  	s9 =	sadd.s32 $0xFFFFFEF7, lr;
	s5 =	simm.s32 $0xFFFFFFFF;
	p2 =	slt.u32 s8, $0xFFFFF086  }
0x1c: {  	p1 =	slt.u32 s9, $0xF7A;
	s5 =	simm.s32 @!p2 $0x0  }
0x1d: {  	s5 =	simm.s32 @p1 $0x1;
	p0 =	seq.s32 s7, s2  }
0x1e: {  	s7 =	smul.u32 @!p0 $0xF7A, s2;
	p2 =	seq.s32 @!p0 s5, $0x0  }
0x1f: {  	s9 =	smul.u32 $0xF7A, s1;
	s8 =	simm.s32 @!p0 $0x1BF5;
	p2 =	por !p2, p0  }
0x20: {  	[sflag:s8] =	ssyncset.s32 @!p0 $0xFFFFF086;
	s6 =	sadd.s32 @!p0 s3, s7;
	s7 =	simm.s32 @!p0 $0x108  }
0x21: {  	s3 =	sadd.s32 s3, s9;
	s6 =	sadd.s32 @!p0 $0x88, s6;
	s7 =	simm.s32 @p2 $0x1082  }
0x22: {  	[simem:s7], [sflag:s8] =	dma.local @!p0 [hbm:s6], $0xF7A  }
0x23: {  	s9 =	sor.u32 $0xD0000000, s2;
	s6 =	simm.s32 $0x108;
	_ =	swait.ge @!p0 [sflag:s8], $0x0  }
0x24: {  	s3 =	sadd.s32 $0x88, s3;
	s6 =	simm.s32 @!p1 $0x1082;
	[sflag:s4] =	ssyncset.s32 $0xFFFFF086  }
0x25: {  	[simem:s6], [sflag:s4] =	dma.local [hbm:s3], $0xF7A  }
0x26: {  	[smem:$0x3F9B] =	sst s1;
	(tag) =	ssettag s2;
	_ =	strace s9  }
0x27: {  	s1 =	sld [smem:$0x3FAB]  }
0x28: {  	s2 =	sld [smem:$0x3FAC]  }
0x29: {  	s4 =	sld [smem:$0x3FAE]  }
0x2a: {  	p0 =	seq.s32 s5, $0x0;
	s5 =	sld [smem:$0x3FAF]  }
0x2b: {  	s6 =	sld [smem:$0x3FB0]  }
0x2c: {  	s7 =	sld [smem:$0x3FB1]  }
0x2d: {  	s3 =	simm.s32 $0x108;
	s8 =	sld [smem:$0x3FB2]  }
0x2e: {  	s3 =	simm.s32 @!p0 $0x1082;
	s9 =	sld [smem:$0x3FB3]  }
0x2f: {  	lr =	sadd.s32 s0, s3;
	s0 =	sld [smem:$0x3FAA]  }
0x30: {  	s3 =	sld [smem:$0x3FAD]  }
0x31: {  	[smem:$0x3FB6] =	sst s10  }
0x32: {  	s10 =	sld [smem:$0x3FB4];
	_ =	sdelay $0x3  }
0x33: {  	p0 =	seq.s32 s10, $0x1;
	s10 =	sld [smem:$0x3FB6];
	_ =	sdelay $0x3  }
0x34: {  	[smem:$0x3FB6] =	sst s10  }
0x35: {  	s10 =	sld [smem:$0x3FB5];
	_ =	sdelay $0x3  }
0x36: {  	p1 =	seq.s32 s10, $0x1;
	s10 =	sld [smem:$0x3FB6];
	_ =	sdelay $0x3  }
0x37: {  	[smem:$0x3FB6] =	sst s10  }
0x38: {  	s10 =	sld [smem:$0x3FB7]  }
0x39: {  	_ = 	snop;
	(pc) =	sbr.ind lr, $3  }
0x3a: {  	_ = 	snop  }
0x3b: {  	_ = 	snop  }
0x3c: {  	p2 =	seq.s32 s10, $0x1;
	s10 =	sld [smem:$0x3FB6]  }
0x3d: {  	_ =	shalt  }
0x3e: {  	_ =	shalt  }
0x3f: {  	_ =	shalt  }
0x40: {  	_ =	shalt  }
0x41: {  	_ =	shalt  }
0x42: {  	_ =	shalt  }
0x43: {  	_ =	shalt  }
0x44: {  	_ =	shalt  }
0x45: {  	_ =	shalt  }
0x46: {  	_ =	shalt  }
0x47: {  	_ =	shalt  }
0x48: {  	_ =	shalt  }
0x49: {  	_ =	shalt  }
0x4a: {  	_ =	shalt  }
0x4b: {  	_ =	shalt  }
0x4c: {  	_ =	shalt  }
0x4d: {  	_ =	shalt  }
0x4e: {  	_ =	shalt  }
0x4f: {  	_ =	shalt  }
0x50: {  	_ =	shalt  }
0x51: {  	_ =	shalt  }
0x52: {  	_ =	shalt  }
0x53: {  	_ =	shalt  }
0x54: {  	_ =	shalt  }
0x55: {  	_ =	shalt  }
0x56: {  	_ =	shalt  }
0x57: {  	_ =	shalt  }
0x58: {  	_ =	shalt  }
0x59: {  	_ =	shalt  }
0x5a: {  	_ =	shalt  }
0x5b: {  	_ =	shalt  }
0x5c: {  	_ =	shalt  }
0x5d: {  	_ =	shalt  }
0x5e: {  	_ =	shalt  }
0x5f: {  	_ =	shalt  }
0x60: {  	_ =	shalt  }
0x61: {  	_ =	shalt  }
0x62: {  	_ =	shalt  }
0x63: {  	_ =	shalt  }
0x64: {  	_ =	shalt  }
0x65: {  	_ =	shalt  }
0x66: {  	_ =	shalt  }
0x67: {  	_ =	shalt  }
0x68: {  	_ =	shalt  }
0x69: {  	_ =	shalt  }
0x6a: {  	_ =	shalt  }
0x6b: {  	_ =	shalt  }
0x6c: {  	_ =	shalt  }
0x6d: {  	_ =	shalt  }
0x6e: {  	_ =	shalt  }
0x6f: {  	_ =	shalt  }
0x70: {  	_ =	shalt  }
0x71: {  	_ =	shalt  }
0x72: {  	_ =	shalt  }
0x73: {  	_ =	shalt  }
0x74: {  	_ =	shalt  }
0x75: {  	_ =	shalt  }
0x76: {  	_ =	shalt  }
0x77: {  	_ =	shalt  }
0x78: {  	_ =	shalt  }
0x79: {  	_ =	shalt  }
0x7a: {  	_ =	shalt  }
0x7b: {  	_ =	shalt  }
0x7c: {  	_ =	shalt  }
0x7d: {  	_ =	shalt  }
0x7e: {  	_ =	shalt  }
0x7f: {  	_ =	shalt  }
0x80: {  	_ =	shalt  }
0x81: {  	_ =	shalt  }
0x82: {  	_ =	shalt  }
0x83: {  	_ =	shalt  }
0x84: {  	_ =	shalt  }
0x85: {  	_ =	shalt  }
0x86: {  	_ =	shalt  }
0x87: {  	_ =	shalt  }
.Lfunc_end0:
.L_simem_size_0:
called_computation.2_lowered:
.L_overlay_start_0:
0x88: {  	s2 =	sld [smem:$0x3FD9]  }
0x89: {  	s3 =	sld [smem:$0x3FFE];
	_ =	sdelay $0x1  }
0x8a: {  	s1 =	srdreg.scid  }
0x8b: {  	s0 =	sand.u32 $0x1, s1  }
0x8c: {  	s17 =	sshll.u32 s0, $0xA;
	s2 =	sadd.s32 s3, s2  }
0x8d: {  	s2 =	sadd.s32 s2, s17  }
0x8e: {  	[smem:$0x3FC2] =	sst s2  }
0x8f: {  	_ = 	snop  }
0x90: {  	s2 =	sld [smem:$0x3FD0];
	(tm) =	ssettm $0x1  }
0x91: {  	s18 =	sld [smem:$0x3FFB];
	_ =	sdelay $0x3  }
0x92: {  	_ =	strace s18  }
0x93: {  	s3 =	sld [smem:$0x3FFC];
	_ =	sdelay $0x3  }
0x94: {  	_ =	strace s3  }
0x95: {  	s3 =	sld [smem:$0x3FFD];
	_ =	sdelay $0x3  }
0x96: {  	_ =	strace s3  }
0x97: {  	_ =	strace $0x8FFFFFFF  }
0x98: {  	s19 =	sld [smem:$0x3FDB];
	_ =	sdelay $0x1  }
0x99: {  	s4 =	simm.s32 $_scs_section_size  }
0x9a: {  	s5 =	simm.s32 $_size__tile_overlayer_lowered;
	s6 =	simm.s32 $_tile_overlayer_lowered  }
0x9b: {  	s22 =	simm.s32 $0x1BFF;
	s21 =	sshll.u32 s6, $0x1;
	s3 =	sadd.s32 s4, s19  }
0x9c: {  	s7 =	simm.s32 $0x0;
	s20 =	sshll.u32 s5, $0x1;
	s5 =	sadd.s32 s21, s3  }
0x9d: {  	[timem:s7], [sflag:s22] =	dma.local [hbm:s5], s20  }
0x9e: {  	_ =	swait.ge [sflag:s22], s20  }
0x9f: {  	s4 =	ssub.s32 $0x0, s20;
	[sflag:s22] =	ssyncset.done $0x0  }
0xa0: {  	[sflag:s22] =	ssyncadd.s32 s4;
	_ =	sdelay $0x1  }
0xa1: {  	s23 =	simm.s32 $0x1B8B  }
0xa2: {  	_ =	swait.ge [sflag:s23], $0x1  }
0xa3: {  	[sflag:s23] =	ssyncset.done $0x0  }
0xa4: {  	s25 =	simm.s32 $0x1B8E;
	s24 =	sld [smem:$0x3FFE];
	[sflag:s23] =	ssyncadd.s32 $0xFFFFFFFF  }
0xa5: {  	s26 =	simm.s32 $execute0_lowered;
	[smem:$0x3FD2] =	sst s25  }
0xa6: {  	s5 =	sshll.u32 s26, $0x1;
	_ =	strace $0x8000004C;
	[dreg:$0x1] =	wrdreg $0xFFFFFFFF  }
0xa7: {  	s28 =	simm.s32 $_size_execute0_lowered;
	s3 =	sadd.s32 s3, s5;
	[dreg:$0x0] =	wrdreg $0x0  }
0xa8: {  	s5 =	sshll.u32 s28, $0x1;
	[dreg:$0x2] =	wrdreg s3  }
0xa9: {  	[dreg:$0x3] =	wrdreg s5  }
0xaa: {  	[dreg:$0x4] =	wrdreg $0xC0  }
0xab: {  	_ =	task [dreg:s7], $0x5FFFF  }
0xac: {  	[dreg:$0x1] =	wrdreg $0xFFFFFFFF  }
0xad: {  	[dreg:$0x0] =	wrdreg $0x60  }
0xae: {  	[dreg:$0x2] =	wrdreg s2  }
0xaf: {  	[dreg:$0x3] =	wrdreg s24  }
0xb0: {  	[dreg:$0x4] =	wrdreg $0x13D000  }
0xb1: {  	[dreg:$0x5] =	wrdreg $0x9  }
0xb2: {  	_ =	task.clear_ibuf [dreg:s7], $0x6FFFF;
	_ =	strace $0x9000004C  }
0xb3: {  	s29 =	simm.s32 $0x9;
	_ =	strace $0x8000004E  }
0xb4: {  	_ =	swait.ge [sflag:s29], $0x1  }
0xb5: {  	[sflag:s29] =	ssyncadd.s32 $0xFFFFFFFF  }
0xb6: {  	_ =	strace $0x9000004E  }
0xb7: {  	_ =	sfence  }
0xb8: {  	s30 =	sld [smem:$0x0];
	_ =	sdelay $0x2  }
0xb9: {  	s31 =	sshll.u32 s1, $0xD;
	s1 =	sshrl.u32 s1, $0x2  }
0xba: {  	s3 =	sand.u32 $0x4000, s31;
	s1 =	sadd.s32 s1, s30  }
0xbb: {  	s0 =	sor.u32 s3, s0;
	s1 =	sshll.u32 s1, $0x11  }
0xbc: {  	s0 =	sor.u32 s1, s0  }
0xbd: {  	s0 =	sadd.s32 $0x8F2B, s0  }
0xbe: {  	[sflag:s0] =	ssyncadd.remote.s32 $0x1  }
0xbf: {  	_ =	sfence.sel $0xFFFF  }
0xc0: {  	[dreg:$0x0] =	wrdreg $0xFFFFFFFF;
	(pc) =	sbr.abs _section_cstart, $3  }
0xc1: {  	[dreg:$0x1] =	wrdreg $0xFFFFFFFF  }
0xc2: {  	_ =	task.clear_ibuf [dreg:s7], $0x2FFFF;
	_ =	strace $0x9FFFFFFF  }
0xc3: {  	(tm) =	ssettm $0x7FFFFFFF  }
tec
execute0_lowered:
.L_overlay_start_1:
0x0: {  	(tag) =	ssettag $0x1  }
0x1: {  	s2 =	rddreg [dreg:$0x0]  }
0x2: {  	s0 =	rddreg [dreg:$0x1]  }
0x3: {  	s3 =	rddreg [dreg:$0x2]  }
0x4: {  	s9 =	stileid.u32;
	s1 =	srdreg.scid  }
0x5: {  	s5 =	simm.s32 $0x0;
	s29 =	simm.s32 $0x7D;
	s30 =	simm.s32 $0xA000  }
0x6: {  	s28 =	simm.s32 $0xDE80;
	s31 =	simm.s32 $0x2;
	s4 =	smul.u32 $0xA00, s9  }
0x7: {  	s1 =	sand.u32 $0x1, s1;
	[smem:$0x7FF] =	sst s5;
	s7 =	smul.u32 $0x28000, s9  }
0x8: {  	s5 =	sadd.s32 $0x47E00, s0;
	s16 =	smul.u32 $0xA000, s9;
	s9 =	simm.s32 $0x6  }
0x9: {  	s6 =	smul.u32 $0x14000, s1;
	_ =	strace $0x8000004D;
	s8 =	ssub.s32 $0x2, s1  }
0xa: {  	p0 =	seq.s32 s1, $0x1;
	s4 =	sadd.s32 s4, s0;
	s14 =	sshrl.u32 s8, $0x1  }
0xb: {  	s7 =	sshrl.u32 s7, $0x2;
	s22 =	sshrl.u32 s16, $0x3;
	s23 =	sadd.s32 s16, s3  }
0xc: {  	s24 =	sadd.s32 $0x2000, s16;
	s10 =	sadd.s32 $0x4000, s16;
	s12 =	sadd.s32 $0x6000, s16  }
0xd: {  	s1 =	sadd.s32 $0x8000, s16;
	s0 =	sadd.s32 s6, s0;
	s8 =	ssub.s32 s8, s14  }
0xe: {  	s6 =	sadd.s32 s7, s3;
	s15 =	sadd.s32 $0xCC00, s4;
	s4 =	sadd.s32 $0x16C00, s4  }
0xf: {  	s25 =	sshrl.u32 s24, $0x3;
	s11 =	sshrl.u32 s10, $0x3;
	s10 =	sadd.s32 s10, s3  }
0x10: {  	s13 =	sshrl.u32 s12, $0x3;
	s12 =	sadd.s32 s12, s3;
	[dreg:$0x4] =	wrdreg s15  }
0x11: {  	s14 =	simm.s32 $0x11D00;
	s7 =	simm.s32 $0x4;
	[dreg:$0x5] =	wrdreg s4  }
0x12: {  	s0 =	sadd.s32 $0x5B800, s0;
	s17 =	smax.u32 s8, $0x1;
	s18 =	sadd.s32 $0x2000, s6  }
0x13: {  	s19 =	sadd.s32 $0x4000, s6;
	s20 =	sadd.s32 $0x6000, s6;
	[dreg:$0x6] =	wrdreg s17  }
0x14: {  	s21 =	sadd.s32 $0x8000, s6;
	s8 =	sadd.s32 s24, s3;
	[dreg:$0x7] =	wrdreg s18  }
0x15: {  	s15 =	sshrl.u32 s1, $0x3;
	s1 =	sadd.s32 s1, s3;
	[dreg:$0x8] =	wrdreg s19  }
0x16: {  	s24 =	sshrl.u32 s12, $0x3;
	s12 =	simm.s32 $0x0;
	[dreg:$0x9] =	wrdreg s20  }
0x17: {  	[dreg:$0xa] =	wrdreg s21;
	s4 =	sadd.s32 s22, s0;
	s26 =	sadd.s32 s25, s0  }
0x18: {  	s17 =	sadd.s32 s11, s0;
	s18 =	sadd.s32 s13, s0;
	s19 =	sadd.s32 s15, s0  }
.Ltmp0:
0x19: {  	s20 =	simm.s32 $0x1;
	s21 =	sshrl.u32 s23, $0x3;
	(pc) =	sbr.rel .LBB2_1-.Ltmp0, $4  }
0x1a: {  	s22 =	sshrl.u32 s8, $0x3;
	s23 =	sshrl.u32 s10, $0x3;
	s25 =	sshrl.u32 s1, $0x3  }
0x1b: {  	s0 =	simm.s32 $0xBF40;
	s1 =	simm.s32 $0xFDC0;
	s8 =	simm.s32 $0x5  }
0x1c: {  	s10 =	simm.s32 $0x7;
	s11 =	simm.s32 $0x8;
	[dreg:$0xb] =	wrdreg s4  }
0x1d: {  	v0 =	vimm.f32 $0.0e+00;
	[dreg:$0xc] =	wrdreg s26;
	s26 =	simm.s32 $0x9;
	s4 =	simm.s32 $0x3  }
.LBB2_6:
0x1e: {  	[tilespmem:s1], [sflag:$0x4] =	stream.indirect.gather [hbm4b:s2+s29], $0x40, s15, s29, $0xb8;
	[tilespmem:$0x1DD00] =	vst v63  }
.LBB2_10:
0x1f: {  	_ =	swait.ge [sflag:s20], $0x1F40  }
0x20: {  	[sflag:s20] =	ssyncset.done $0x0  }
0x21: {  	s13 =	simm.s32 $0x9E00;
	[sflag:s20] =	ssyncadd.s32 $0xFFFFE0C0  }
0x22: {  	[spmem:s3] =	stream.indirect.scatter.add.f32 [tilespmem:s30], [sflag:$0x5], $0x40, s13, s29, $0xb8;
	[tilespmem:$0x1DD00] =	vst v63  }
0x23: {  	_ =	swait.ge [sflag:s31], $0x1F40  }
0x24: {  	[sflag:s31] =	ssyncset.done $0x0  }
0x25: {  	s16 =	simm.s32 $0x9E80;
	[sflag:s31] =	ssyncadd.s32 $0xFFFFE0C0  }
0x26: {  	[spmem:s3] =	stream.indirect.scatter.add.f32 [tilespmem:s0], [sflag:$0x6], $0x40, s16, s29, $0xb8;
	[tilespmem:$0x1DD00] =	vst v63  }
0x27: {  	_ =	swait.ge [sflag:s4], $0x1F40  }
0x28: {  	[sflag:s4] =	ssyncset.done $0x0  }
0x29: {  	s15 =	simm.s32 $0x9F00;
	[sflag:s4] =	ssyncadd.s32 $0xFFFFE0C0  }
0x2a: {  	[spmem:s3] =	stream.indirect.scatter.add.f32 [tilespmem:s28], [sflag:$0x7], $0x40, s15, s29, $0xb8;
	[tilespmem:$0x1DD00] =	vst v63  }
0x2b: {  	_ =	swait.ge [sflag:s7], $0x1F40  }
0x2c: {  	[sflag:s7] =	ssyncset.done $0x0  }
0x2d: {  	s16 =	simm.s32 $0x9F80;
	[sflag:s7] =	ssyncadd.s32 $0xFFFFE0C0  }
0x2e: {  	[spmem:s3] =	stream.indirect.scatter.add.f32 [tilespmem:s1], [sflag:$0x8], $0x40, s16, s29, $0xb8;
	[tilespmem:$0x1DD00] =	vst v63  }
0x2f: {  	_ =	swait.ge [sflag:s8], $0x1F40  }
0x30: {  	[sflag:s8] =	ssyncset.done $0x0  }
0x31: {  	[sflag:s8] =	ssyncadd.s32 $0xFFFFE0C0  }
0x32: {  	_ =	swait.ge [sflag:s9], $0x1F40  }
0x33: {  	[sflag:s9] =	ssyncset.done $0x0  }
0x34: {  	[sflag:s9] =	ssyncadd.s32 $0xFFFFE0C0  }
0x35: {  	_ =	swait.ge [sflag:s10], $0x1F40  }
0x36: {  	[sflag:s10] =	ssyncset.done $0x0  }
0x37: {  	[sflag:s10] =	ssyncadd.s32 $0xFFFFE0C0  }
0x38: {  	_ =	swait.ge [sflag:s11], $0x1F40  }
0x39: {  	[sflag:s11] =	ssyncset.done $0x0  }
0x3a: {  	s15 =	stileid.u32;
	[sflag:s11] =	ssyncadd.s32 $0xFFFFE0C0  }
0x3b: {  	s13 =	sshll.u32 s15, $0x6;
	[bflag:$0x0] =	sbarrier.arrive $0xFFFF  }
0x3c: {  	s13 =	sor.u32 $0x1C01, s13;
	s15 =	rddreg [dreg:$0xb]  }
0x3d: {  	[hbm:s15], [sflag:s13] =	dma.local [spmem:s21], $0x400  }
0x3e: {  	s15 =	rddreg [dreg:$0xc]  }
0x3f: {  	[hbm:s15], [sflag:s13] =	dma.local [spmem:s22], $0x400  }
0x40: {  	[hbm:s17], [sflag:s13] =	dma.local [spmem:s23], $0x400  }
0x41: {  	[hbm:s18], [sflag:s13] =	dma.local [spmem:s24], $0x400  }
0x42: {  	[hbm:s19], [sflag:s13] =	dma.local [spmem:s25], $0x400  }
0x43: {  	_ =	swait.ge [sflag:s20], $0x400  }
0x44: {  	[sflag:s20] =	ssyncset.done $0x0  }
0x45: {  	[sflag:s20] =	ssyncadd.s32 $0xFFFFFC00  }
0x46: {  	_ =	swait.ge [sflag:s20], $0x400  }
0x47: {  	[sflag:s20] =	ssyncset.done $0x0  }
0x48: {  	[sflag:s20] =	ssyncadd.s32 $0xFFFFFC00  }
0x49: {  	_ =	swait.ge [sflag:s20], $0x400  }
0x4a: {  	[sflag:s20] =	ssyncset.done $0x0  }
0x4b: {  	[sflag:s20] =	ssyncadd.s32 $0xFFFFFC00  }
0x4c: {  	_ =	swait.ge [sflag:s20], $0x400  }
0x4d: {  	[sflag:s20] =	ssyncset.done $0x0  }
0x4e: {  	[sflag:s20] =	ssyncadd.s32 $0xFFFFFC00  }
0x4f: {  	_ =	swait.ge [sflag:s20], $0x400  }
0x50: {  	s12 =	sadd.s32 $0x1, s12;
	s16 =	rddreg [dreg:$0x6]  }
0x51: {  	p1 =	sne.s32 s12, s16  }
.Ltmp1:
0x52: {  	_ = 	snop;
	(pc) =	sbr.rel @!p1 .LBB2_11-.Ltmp1, $3  }
0x53: {  	_ =	sdelay $0x1  }
0x54: {  	[sflag:s20] =	ssyncset.done $0x0  }
0x55: {  	[sflag:s20] =	ssyncadd.s32 $0xFFFFFC00  }
.LBB2_1:
0x56: {  	s15 =	simm.s32 $0x100;
	s13 =	simm.s32 $0x0  }
.LBB2_2:
0x57: {  	p1 =	sne.s32 s15, $0x7F00;
	[tilespmem:s13+$0x11D30] =	vst v0;
	s16 =	smov.u32 s15;
	s15 =	sadd.s32 $0x100, s15  }
.Ltmp2:
0x58: {  	[tilespmem:s13+$0x11D20] =	vst v0;
	(pc) =	sbr.rel @p1 .LBB2_2-.Ltmp2, $3  }
0x59: {  	[tilespmem:s13+$0x11D00] =	vst v0  }
0x5a: {  	[tilespmem:s13+$0x11D10] =	vst v0;
	_ =	sdelay $0x1  }
0x5b: {  	s13 =	sshra.s32 s16, $0x2  }
0x5c: {  	[tilespmem:s13+$0x11D30] =	vst v0  }
0x5d: {  	[tilespmem:s13+$0x11D20] =	vst v0  }
0x5e: {  	[tilespmem:s13+$0x11D00] =	vst v0  }
0x5f: {  	[tilespmem:s13+$0x11D10] =	vst v0  }
0x60: {  	[spmem:s6] =	stream.linear.scatter [tilespmem:s14], [sflag:$0x1], $0x2000, $0x38;
	[tilespmem:$0x1DD00] =	vst v63  }
0x61: {  	s15 =	rddreg [dreg:$0x7]  }
0x62: {  	[spmem:s15] =	stream.linear.scatter [tilespmem:s14], [sflag:$0x1], $0x2000, $0x38;
	[tilespmem:$0x1DD00] =	vst v63  }
0x63: {  	s16 =	rddreg [dreg:$0x8]  }
0x64: {  	[spmem:s16] =	stream.linear.scatter [tilespmem:s14], [sflag:$0x1], $0x2000, $0x38;
	[tilespmem:$0x1DD00] =	vst v63  }
0x65: {  	s15 =	rddreg [dreg:$0x9]  }
0x66: {  	[spmem:s15] =	stream.linear.scatter [tilespmem:s14], [sflag:$0x1], $0x2000, $0x38;
	[tilespmem:$0x1DD00] =	vst v63  }
0x67: {  	s16 =	rddreg [dreg:$0xa]  }
0x68: {  	[spmem:s16] =	stream.linear.scatter [tilespmem:s14], [sflag:$0x1], $0x2000, $0x38;
	[tilespmem:$0x1DD00] =	vst v63  }
0x69: {  	_ =	swait.ge [sflag:s20], $0x2000  }
0x6a: {  	[sflag:s20] =	ssyncset.done $0x0  }
0x6b: {  	[sflag:s20] =	ssyncadd.s32 $0xFFFFE000  }
0x6c: {  	_ =	swait.ge [sflag:s20], $0x2000  }
0x6d: {  	[sflag:s20] =	ssyncset.done $0x0  }
0x6e: {  	[sflag:s20] =	ssyncadd.s32 $0xFFFFE000  }
0x6f: {  	_ =	swait.ge [sflag:s20], $0x2000  }
0x70: {  	[sflag:s20] =	ssyncset.done $0x0  }
0x71: {  	[sflag:s20] =	ssyncadd.s32 $0xFFFFE000  }
0x72: {  	_ =	swait.ge [sflag:s20], $0x2000  }
0x73: {  	[sflag:s20] =	ssyncset.done $0x0  }
0x74: {  	[sflag:s20] =	ssyncadd.s32 $0xFFFFE000  }
0x75: {  	_ =	swait.ge [sflag:s20], $0x2000  }
0x76: {  	[sflag:s20] =	ssyncset.done $0x0  }
0x77: {  	[sflag:s20] =	ssyncadd.s32 $0xFFFFE000  }
0x78: {  	[bflag:$0x0] =	sbarrier.arrive $0xFFFF  }
0x79: {  	s13 =	simm.s32 $0x0;
	s15 =	rddreg [dreg:$0x4]  }
0x7a: {  	[tilespmem:s13], [sflag:$0x9] =	stream.linear.gather [hbm4b:s15+s13], $0x5000, $0x38;
	[tilespmem:$0x1DD00] =	vst v63  }
0x7b: {  	_ =	swait.ge [sflag:s26], $0x5000  }
0x7c: {  	s16 =	simm.s32 $0x5000;
	[sflag:s26] =	ssyncset.done $0x0  }
.Ltmp3:
0x7d: {  	s15 =	rddreg [dreg:$0x5];
	[sflag:s26] =	ssyncadd.s32 $0xFFFFB000;
	(pc) =	sbr.rel @!p0 .LBB2_4-.Ltmp3, $4  }
0x7e: {  	[tilespmem:s16], [sflag:$0x9] =	stream.linear.gather [hbm4b:s15+s13], $0x5000, $0x38;
	[tilespmem:$0x1DD00] =	vst v63  }
0x7f: {  	_ =	swait.ge [sflag:s26], $0x5000  }
0x80: {  	[sflag:s26] =	ssyncset.done $0x0  }
0x81: {  	s13 =	simm.s32 $0x0;
	[sflag:s26] =	ssyncadd.s32 $0xFFFFB000  }
0x82: {  	[tilespmem:s30], [sflag:$0x1] =	stream.indirect.gather [hbm4b:s5+s29], $0x40, s13, s29, $0xb8;
	[tilespmem:$0x1DD00] =	vst v63  }
0x83: {  	s15 =	simm.s32 $0x80  }
0x84: {  	[tilespmem:s0], [sflag:$0x2] =	stream.indirect.gather [hbm4b:s5+s29], $0x40, s15, s29, $0xb8;
	[tilespmem:$0x1DD00] =	vst v63  }
0x85: {  	s16 =	simm.s32 $0x100  }
0x86: {  	[tilespmem:s28], [sflag:$0x3] =	stream.indirect.gather [hbm4b:s5+s29], $0x40, s16, s29, $0xb8;
	[tilespmem:$0x1DD00] =	vst v63  }
0x87: {  	s15 =	simm.s32 $0x180  }
0x88: {  	[tilespmem:s1], [sflag:$0x4] =	stream.indirect.gather [hbm4b:s5+s29], $0x40, s15, s29, $0xb8;
	[tilespmem:$0x1DD00] =	vst v63  }
0x89: {  	_ =	swait.ge [sflag:s20], $0x1F40  }
0x8a: {  	[sflag:s20] =	ssyncset.done $0x0  }
0x8b: {  	s16 =	simm.s32 $0x5000;
	[sflag:s20] =	ssyncadd.s32 $0xFFFFE0C0  }
0x8c: {  	[spmem:s3] =	stream.indirect.scatter.add.f32 [tilespmem:s30], [sflag:$0x5], $0x40, s16, s29, $0xb8;
	[tilespmem:$0x1DD00] =	vst v63  }
0x8d: {  	_ =	swait.ge [sflag:s31], $0x1F40  }
0x8e: {  	[sflag:s31] =	ssyncset.done $0x0  }
0x8f: {  	s15 =	simm.s32 $0x5080;
	[sflag:s31] =	ssyncadd.s32 $0xFFFFE0C0  }
0x90: {  	[spmem:s3] =	stream.indirect.scatter.add.f32 [tilespmem:s0], [sflag:$0x6], $0x40, s15, s29, $0xb8;
	[tilespmem:$0x1DD00] =	vst v63  }
0x91: {  	_ =	swait.ge [sflag:s4], $0x1F40  }
0x92: {  	[sflag:s4] =	ssyncset.done $0x0  }
0x93: {  	s16 =	simm.s32 $0x5100;
	[sflag:s4] =	ssyncadd.s32 $0xFFFFE0C0  }
0x94: {  	[spmem:s3] =	stream.indirect.scatter.add.f32 [tilespmem:s28], [sflag:$0x7], $0x40, s16, s29, $0xb8;
	[tilespmem:$0x1DD00] =	vst v63  }
0x95: {  	_ =	swait.ge [sflag:s7], $0x1F40  }
0x96: {  	[sflag:s7] =	ssyncset.done $0x0  }
0x97: {  	s15 =	simm.s32 $0x5180;
	[sflag:s7] =	ssyncadd.s32 $0xFFFFE0C0  }
0x98: {  	[spmem:s3] =	stream.indirect.scatter.add.f32 [tilespmem:s1], [sflag:$0x8], $0x40, s15, s29, $0xb8;
	[tilespmem:$0x1DD00] =	vst v63  }
0x99: {  	_ =	swait.ge [sflag:s8], $0x1F40  }
0x9a: {  	[sflag:s8] =	ssyncset.done $0x0  }
0x9b: {  	s16 =	simm.s32 $0x200;
	[sflag:s8] =	ssyncadd.s32 $0xFFFFE0C0  }
0x9c: {  	[tilespmem:s30], [sflag:$0x1] =	stream.indirect.gather [hbm4b:s5+s29], $0x40, s16, s29, $0xb8;
	[tilespmem:$0x1DD00] =	vst v63  }
0x9d: {  	_ =	swait.ge [sflag:s9], $0x1F40  }
0x9e: {  	[sflag:s9] =	ssyncset.done $0x0  }
0x9f: {  	s15 =	simm.s32 $0x280;
	[sflag:s9] =	ssyncadd.s32 $0xFFFFE0C0  }
0xa0: {  	[tilespmem:s0], [sflag:$0x2] =	stream.indirect.gather [hbm4b:s5+s29], $0x40, s15, s29, $0xb8;
	[tilespmem:$0x1DD00] =	vst v63  }
0xa1: {  	_ =	swait.ge [sflag:s10], $0x1F40  }
0xa2: {  	[sflag:s10] =	ssyncset.done $0x0  }
0xa3: {  	s16 =	simm.s32 $0x300;
	[sflag:s10] =	ssyncadd.s32 $0xFFFFE0C0  }
0xa4: {  	[tilespmem:s28], [sflag:$0x3] =	stream.indirect.gather [hbm4b:s5+s29], $0x40, s16, s29, $0xb8;
	[tilespmem:$0x1DD00] =	vst v63  }
0xa5: {  	_ =	swait.ge [sflag:s11], $0x1F40  }
0xa6: {  	[sflag:s11] =	ssyncset.done $0x0  }
0xa7: {  	s13 =	simm.s32 $0x800;
	s15 =	simm.s32 $0x380;
	[sflag:s11] =	ssyncadd.s32 $0xFFFFE0C0  }
.LBB2_8:
0xa8: {  	[tilespmem:s1], [sflag:$0x4] =	stream.indirect.gather [hbm4b:s5+s29], $0x40, s15, s29, $0xb8;
	[tilespmem:$0x1DD00] =	vst v63  }
0xa9: {  	s15 =	smov.u32 s13  }
0xaa: {  	p1 =	sne.s32 s13, $0x13000;
	s13 =	sadd.s32 $0x800, s13;
	_ =	swait.ge [sflag:s20], $0x1F40  }
0xab: {  	s15 =	sshra.s32 s15, $0x2;
	[sflag:s20] =	ssyncset.done $0x0  }
0xac: {  	s16 =	sadd.s32 $0x5000, s15;
	[sflag:s20] =	ssyncadd.s32 $0xFFFFE0C0  }
0xad: {  	[spmem:s3] =	stream.indirect.scatter.add.f32 [tilespmem:s30], [sflag:$0x5], $0x40, s16, s29, $0xb8;
	[tilespmem:$0x1DD00] =	vst v63  }
0xae: {  	_ =	swait.ge [sflag:s31], $0x1F40  }
0xaf: {  	[sflag:s31] =	ssyncset.done $0x0  }
0xb0: {  	s16 =	sadd.s32 $0x5080, s15;
	[sflag:s31] =	ssyncadd.s32 $0xFFFFE0C0  }
0xb1: {  	[spmem:s3] =	stream.indirect.scatter.add.f32 [tilespmem:s0], [sflag:$0x6], $0x40, s16, s29, $0xb8;
	[tilespmem:$0x1DD00] =	vst v63  }
0xb2: {  	_ =	swait.ge [sflag:s4], $0x1F40  }
0xb3: {  	[sflag:s4] =	ssyncset.done $0x0  }
0xb4: {  	s16 =	sadd.s32 $0x5100, s15;
	[sflag:s4] =	ssyncadd.s32 $0xFFFFE0C0  }
0xb5: {  	[spmem:s3] =	stream.indirect.scatter.add.f32 [tilespmem:s28], [sflag:$0x7], $0x40, s16, s29, $0xb8;
	[tilespmem:$0x1DD00] =	vst v63  }
0xb6: {  	_ =	swait.ge [sflag:s7], $0x1F40  }
0xb7: {  	[sflag:s7] =	ssyncset.done $0x0  }
0xb8: {  	s16 =	sadd.s32 $0x5180, s15;
	[sflag:s7] =	ssyncadd.s32 $0xFFFFE0C0  }
0xb9: {  	[spmem:s3] =	stream.indirect.scatter.add.f32 [tilespmem:s1], [sflag:$0x8], $0x40, s16, s29, $0xb8;
	[tilespmem:$0x1DD00] =	vst v63  }
0xba: {  	_ =	swait.ge [sflag:s8], $0x1F40  }
0xbb: {  	[sflag:s8] =	ssyncset.done $0x0  }
0xbc: {  	s16 =	sadd.s32 $0x200, s15;
	[sflag:s8] =	ssyncadd.s32 $0xFFFFE0C0  }
0xbd: {  	[tilespmem:s30], [sflag:$0x1] =	stream.indirect.gather [hbm4b:s5+s29], $0x40, s16, s29, $0xb8;
	[tilespmem:$0x1DD00] =	vst v63  }
0xbe: {  	_ =	swait.ge [sflag:s9], $0x1F40  }
0xbf: {  	[sflag:s9] =	ssyncset.done $0x0  }
0xc0: {  	s16 =	sadd.s32 $0x280, s15;
	[sflag:s9] =	ssyncadd.s32 $0xFFFFE0C0  }
0xc1: {  	[tilespmem:s0], [sflag:$0x2] =	stream.indirect.gather [hbm4b:s5+s29], $0x40, s16, s29, $0xb8;
	[tilespmem:$0x1DD00] =	vst v63  }
0xc2: {  	_ =	swait.ge [sflag:s10], $0x1F40  }
0xc3: {  	[sflag:s10] =	ssyncset.done $0x0  }
.Ltmp4:
0xc4: {  	s16 =	sadd.s32 $0x300, s15;
	[sflag:s10] =	ssyncadd.s32 $0xFFFFE0C0;
	(pc) =	sbr.rel @p1 .LBB2_8-.Ltmp4, $4  }
0xc5: {  	[tilespmem:s28], [sflag:$0x3] =	stream.indirect.gather [hbm4b:s5+s29], $0x40, s16, s29, $0xb8;
	[tilespmem:$0x1DD00] =	vst v63  }
0xc6: {  	_ =	swait.ge [sflag:s11], $0x1F40  }
0xc7: {  	[sflag:s11] =	ssyncset.done $0x0  }
0xc8: {  	s15 =	sadd.s32 $0x380, s15;
	[sflag:s11] =	ssyncadd.s32 $0xFFFFE0C0  }
.Ltmp5:
0xc9: {  	(pc) =	sbr.rel .LBB2_10-.Ltmp5, $2  }
0xca: {  	_ =	sdelay $0x2  }
0xcb: {  	[tilespmem:s1], [sflag:$0x4] =	stream.indirect.gather [hbm4b:s5+s29], $0x40, s15, s29, $0xb8;
	[tilespmem:$0x1DD00] =	vst v63  }
.LBB2_4:
0xcc: {  	[tilespmem:s30], [sflag:$0x1] =	stream.indirect.gather [hbm4b:s2+s29], $0x40, s13, s29, $0xb8;
	[tilespmem:$0x1DD00] =	vst v63  }
0xcd: {  	s15 =	simm.s32 $0x80  }
0xce: {  	[tilespmem:s0], [sflag:$0x2] =	stream.indirect.gather [hbm4b:s2+s29], $0x40, s15, s29, $0xb8;
	[tilespmem:$0x1DD00] =	vst v63  }
0xcf: {  	s16 =	simm.s32 $0x100  }
0xd0: {  	[tilespmem:s28], [sflag:$0x3] =	stream.indirect.gather [hbm4b:s2+s29], $0x40, s16, s29, $0xb8;
	[tilespmem:$0x1DD00] =	vst v63  }
0xd1: {  	s15 =	simm.s32 $0x180  }
0xd2: {  	[tilespmem:s1], [sflag:$0x4] =	stream.indirect.gather [hbm4b:s2+s29], $0x40, s15, s29, $0xb8;
	[tilespmem:$0x1DD00] =	vst v63  }
0xd3: {  	_ =	swait.ge [sflag:s20], $0x1F40  }
0xd4: {  	[sflag:s20] =	ssyncset.done $0x0  }
0xd5: {  	s16 =	simm.s32 $0x5000;
	[sflag:s20] =	ssyncadd.s32 $0xFFFFE0C0  }
0xd6: {  	[spmem:s3] =	stream.indirect.scatter.add.f32 [tilespmem:s30], [sflag:$0x5], $0x40, s16, s29, $0xb8;
	[tilespmem:$0x1DD00] =	vst v63  }
0xd7: {  	_ =	swait.ge [sflag:s31], $0x1F40  }
0xd8: {  	[sflag:s31] =	ssyncset.done $0x0  }
0xd9: {  	s15 =	simm.s32 $0x5080;
	[sflag:s31] =	ssyncadd.s32 $0xFFFFE0C0  }
0xda: {  	[spmem:s3] =	stream.indirect.scatter.add.f32 [tilespmem:s0], [sflag:$0x6], $0x40, s15, s29, $0xb8;
	[tilespmem:$0x1DD00] =	vst v63  }
0xdb: {  	_ =	swait.ge [sflag:s4], $0x1F40  }
0xdc: {  	[sflag:s4] =	ssyncset.done $0x0  }
0xdd: {  	s16 =	simm.s32 $0x5100;
	[sflag:s4] =	ssyncadd.s32 $0xFFFFE0C0  }
0xde: {  	[spmem:s3] =	stream.indirect.scatter.add.f32 [tilespmem:s28], [sflag:$0x7], $0x40, s16, s29, $0xb8;
	[tilespmem:$0x1DD00] =	vst v63  }
0xdf: {  	_ =	swait.ge [sflag:s7], $0x1F40  }
0xe0: {  	[sflag:s7] =	ssyncset.done $0x0  }
0xe1: {  	s15 =	simm.s32 $0x5180;
	[sflag:s7] =	ssyncadd.s32 $0xFFFFE0C0  }
0xe2: {  	[spmem:s3] =	stream.indirect.scatter.add.f32 [tilespmem:s1], [sflag:$0x8], $0x40, s15, s29, $0xb8;
	[tilespmem:$0x1DD00] =	vst v63  }
0xe3: {  	_ =	swait.ge [sflag:s8], $0x1F40  }
0xe4: {  	[sflag:s8] =	ssyncset.done $0x0  }
0xe5: {  	s16 =	simm.s32 $0x200;
	[sflag:s8] =	ssyncadd.s32 $0xFFFFE0C0  }
0xe6: {  	[tilespmem:s30], [sflag:$0x1] =	stream.indirect.gather [hbm4b:s2+s29], $0x40, s16, s29, $0xb8;
	[tilespmem:$0x1DD00] =	vst v63  }
0xe7: {  	_ =	swait.ge [sflag:s9], $0x1F40  }
0xe8: {  	[sflag:s9] =	ssyncset.done $0x0  }
0xe9: {  	s15 =	simm.s32 $0x280;
	[sflag:s9] =	ssyncadd.s32 $0xFFFFE0C0  }
0xea: {  	[tilespmem:s0], [sflag:$0x2] =	stream.indirect.gather [hbm4b:s2+s29], $0x40, s15, s29, $0xb8;
	[tilespmem:$0x1DD00] =	vst v63  }
0xeb: {  	_ =	swait.ge [sflag:s10], $0x1F40  }
0xec: {  	[sflag:s10] =	ssyncset.done $0x0  }
0xed: {  	s16 =	simm.s32 $0x300;
	[sflag:s10] =	ssyncadd.s32 $0xFFFFE0C0  }
0xee: {  	[tilespmem:s28], [sflag:$0x3] =	stream.indirect.gather [hbm4b:s2+s29], $0x40, s16, s29, $0xb8;
	[tilespmem:$0x1DD00] =	vst v63  }
0xef: {  	_ =	swait.ge [sflag:s11], $0x1F40  }
0xf0: {  	[sflag:s11] =	ssyncset.done $0x0  }
0xf1: {  	s13 =	simm.s32 $0x800;
	s15 =	simm.s32 $0x380;
	[sflag:s11] =	ssyncadd.s32 $0xFFFFE0C0  }
.LBB2_5:
0xf2: {  	[tilespmem:s1], [sflag:$0x4] =	stream.indirect.gather [hbm4b:s2+s29], $0x40, s15, s29, $0xb8;
	[tilespmem:$0x1DD00] =	vst v63  }
0xf3: {  	s15 =	smov.u32 s13  }
0xf4: {  	p1 =	seq.s32 s13, $0x13000;
	s13 =	sadd.s32 $0x800, s13;
	_ =	swait.ge [sflag:s20], $0x1F40  }
0xf5: {  	s15 =	sshra.s32 s15, $0x2;
	[sflag:s20] =	ssyncset.done $0x0  }
0xf6: {  	s16 =	sadd.s32 $0x5000, s15;
	[sflag:s20] =	ssyncadd.s32 $0xFFFFE0C0  }
0xf7: {  	[spmem:s3] =	stream.indirect.scatter.add.f32 [tilespmem:s30], [sflag:$0x5], $0x40, s16, s29, $0xb8;
	[tilespmem:$0x1DD00] =	vst v63  }
0xf8: {  	_ =	swait.ge [sflag:s31], $0x1F40  }
0xf9: {  	[sflag:s31] =	ssyncset.done $0x0  }
0xfa: {  	s16 =	sadd.s32 $0x5080, s15;
	[sflag:s31] =	ssyncadd.s32 $0xFFFFE0C0  }
0xfb: {  	[spmem:s3] =	stream.indirect.scatter.add.f32 [tilespmem:s0], [sflag:$0x6], $0x40, s16, s29, $0xb8;
	[tilespmem:$0x1DD00] =	vst v63  }
0xfc: {  	_ =	swait.ge [sflag:s4], $0x1F40  }
0xfd: {  	[sflag:s4] =	ssyncset.done $0x0  }
0xfe: {  	s16 =	sadd.s32 $0x5100, s15;
	[sflag:s4] =	ssyncadd.s32 $0xFFFFE0C0  }
0xff: {  	[spmem:s3] =	stream.indirect.scatter.add.f32 [tilespmem:s28], [sflag:$0x7], $0x40, s16, s29, $0xb8;
	[tilespmem:$0x1DD00] =	vst v63  }
0x100: {  	_ =	swait.ge [sflag:s7], $0x1F40  }
0x101: {  	[sflag:s7] =	ssyncset.done $0x0  }
0x102: {  	s16 =	sadd.s32 $0x5180, s15;
	[sflag:s7] =	ssyncadd.s32 $0xFFFFE0C0  }
0x103: {  	[spmem:s3] =	stream.indirect.scatter.add.f32 [tilespmem:s1], [sflag:$0x8], $0x40, s16, s29, $0xb8;
	[tilespmem:$0x1DD00] =	vst v63  }
0x104: {  	_ =	swait.ge [sflag:s8], $0x1F40  }
0x105: {  	[sflag:s8] =	ssyncset.done $0x0  }
0x106: {  	s16 =	sadd.s32 $0x200, s15;
	[sflag:s8] =	ssyncadd.s32 $0xFFFFE0C0  }
0x107: {  	[tilespmem:s30], [sflag:$0x1] =	stream.indirect.gather [hbm4b:s2+s29], $0x40, s16, s29, $0xb8;
	[tilespmem:$0x1DD00] =	vst v63  }
0x108: {  	_ =	swait.ge [sflag:s9], $0x1F40  }
0x109: {  	[sflag:s9] =	ssyncset.done $0x0  }
0x10a: {  	s16 =	sadd.s32 $0x280, s15;
	[sflag:s9] =	ssyncadd.s32 $0xFFFFE0C0  }
0x10b: {  	[tilespmem:s0], [sflag:$0x2] =	stream.indirect.gather [hbm4b:s2+s29], $0x40, s16, s29, $0xb8;
	[tilespmem:$0x1DD00] =	vst v63  }
0x10c: {  	_ =	swait.ge [sflag:s10], $0x1F40  }
0x10d: {  	[sflag:s10] =	ssyncset.done $0x0  }
.Ltmp6:
0x10e: {  	s16 =	sadd.s32 $0x300, s15;
	[sflag:s10] =	ssyncadd.s32 $0xFFFFE0C0;
	(pc) =	sbr.rel @!p1 .LBB2_5-.Ltmp6, $4  }
0x10f: {  	[tilespmem:s28], [sflag:$0x3] =	stream.indirect.gather [hbm4b:s2+s29], $0x40, s16, s29, $0xb8;
	[tilespmem:$0x1DD00] =	vst v63  }
0x110: {  	_ =	swait.ge [sflag:s11], $0x1F40  }
0x111: {  	[sflag:s11] =	ssyncset.done $0x0  }
0x112: {  	s15 =	sadd.s32 $0x380, s15;
	[sflag:s11] =	ssyncadd.s32 $0xFFFFE0C0  }
.Ltmp7:
0x113: {  	_ = 	snop;
	(pc) =	sbr.rel .LBB2_6-.Ltmp7, $1  }
0x114: {  	_ =	sdelay $0x3  }
.LBB2_11:
0x115: {  	_ =	sfence.sel $0x180000  }
0x116: {  	[bflag:$0x0] =	sbarrier.arrive $0xFFFF  }
0x117: {  	_ =	strace $0x9000004D  }
0x118: {  	s0 =	stileid.u32;
	[bflag:$0x2] =	sbarrier.arrive $0xFFFF  }
0x119: {  	p0 =	sne.s32 s0, $0x0;
	s0 =	rddreg [dreg:$0x3]  }
0x11a: {  	s0 =	sadd.s32 @!p0 $0x100000, s0  }
0x11b: {  	[sflag:s0] =	ssyncadd.tile.s32 @!p0 $0x1;
	_ =	shalt  }
.Lfunc_end2:
_tile_overlayer_lowered:
.L_overlay_start_2:
0x11c: {  	(tag) =	ssettag $0x2  }
0x11d: {  	s0 =	rddreg [dreg:$0x0];
	s2 =	stileid.u32  }
0x11e: {  	s1 =	rddreg [dreg:$0x1];
	p0 =	sne.s32 s2, $0x0  }
0x11f: {  	s3 =	rddreg [dreg:$0x2];
	[bflag:$0x3] =	sbarrier.arrive $0xFFFF;
	s2 =	simm.s32 @!p0 $0x1C09  }
0x120: {  	[timem:s3], [sflag:s2] =	dma.local @!p0 [hbm:s0], s1  }
0x121: {  	s0 =	simm.s32 @!p0 $0x9  }
0x122: {  	_ =	swait.ge @!p0 [sflag:s0], s1  }
0x123: {  	s1 =	ssub.s32 @!p0 $0x0, s1;
	[sflag:s0] =	ssyncset.done @!p0 $0x0  }
0x124: {  	[sflag:s0] =	ssyncadd.s32 @!p0 s1  }
0x125: {  	[bflag:$0x3] =	sbarrier.arrive $0xFFFF  }
0x126: {  	_ =	shalt  }

// kernel: kernel.8.cloned.1.call-start
scs
__scs_entry_jumppad:
0x0: {  	(pc) =	sbr.rel $0x88, $3  }
0x1: {  	(tag) =	ssettag $0x0;
	lr =	simm.s32 $0x1  }
0x2: {  	[smem:$0x3F9B] =	sst lr;
	_ =	strace $0xD0000000  }
0x3: {  	_ = 	snop  }
0x4: {  	_ = 	snop  }
0x5: {  	_ = 	snop  }
0x6: {  	_ = 	snop  }
0x7: {  	_ = 	snop  }
__scs_overlays_trampoline_lowered:
0x8: {  	[smem:$0x3FAA] =	sst s0  }
0x9: {  	[smem:$0x3FAB] =	sst s1  }
0xa: {  	[smem:$0x3FAC] =	sst s2  }
0xb: {  	[smem:$0x3FAD] =	sst s3  }
0xc: {  	[smem:$0x3FAE] =	sst s4  }
0xd: {  	[smem:$0x3FAF] =	sst s5  }
0xe: {  	[smem:$0x3FB0] =	sst s6  }
0xf: {  	[smem:$0x3FB1] =	sst s7  }
0x10: {  	[smem:$0x3FB2] =	sst s8  }
0x11: {  	[smem:$0x3FB3] =	sst s9;
	s0 =	simm.s32 @!p0 $0x0  }
0x12: {  	s1 =	sld [smem:$0x3F99];
	s0 =	simm.s32 @p0 $0x1  }
0x13: {  	[smem:$0x3FB4] =	sst s0;
	s0 =	simm.s32 @!p1 $0x0  }
0x14: {  	s2 =	sld [smem:$0x3F98];
	s0 =	simm.s32 @p1 $0x1  }
0x15: {  	[smem:$0x3FB5] =	sst s0;
	s0 =	simm.s32 @!p2 $0x0  }
0x16: {  	s3 =	sld [smem:$0x3FDB];
	s0 =	simm.s32 @p2 $0x1  }
0x17: {  	s4 =	simm.s32 $0x1BF5;
	[smem:$0x3FB7] =	sst s0  }
0x18: {  	s0 =	sld [smem:$0x3F9A];
	_ =	swait.ge [sflag:s4], $0x0  }
0x19: {  	s7 =	sld [smem:$0x3F9B]  }
0x1a: {  	s8 =	sadd.s32 $0xFFFFE003, lr  }
0x1b: {  	s9 =	sadd.s32 $0xFFFFFEF7, lr;
	s5 =	simm.s32 $0xFFFFFFFF;
	p2 =	slt.u32 s8, $0xFFFFF086  }
0x1c: {  	p1 =	slt.u32 s9, $0xF7A;
	s5 =	simm.s32 @!p2 $0x0  }
0x1d: {  	s5 =	simm.s32 @p1 $0x1;
	p0 =	seq.s32 s7, s2  }
0x1e: {  	s7 =	smul.u32 @!p0 $0xF7A, s2;
	p2 =	seq.s32 @!p0 s5, $0x0  }
0x1f: {  	s9 =	smul.u32 $0xF7A, s1;
	s8 =	simm.s32 @!p0 $0x1BF5;
	p2 =	por !p2, p0  }
0x20: {  	[sflag:s8] =	ssyncset.s32 @!p0 $0xFFFFF086;
	s6 =	sadd.s32 @!p0 s3, s7;
	s7 =	simm.s32 @!p0 $0x108  }
0x21: {  	s3 =	sadd.s32 s3, s9;
	s6 =	sadd.s32 @!p0 $0x88, s6;
	s7 =	simm.s32 @p2 $0x1082  }
0x22: {  	[simem:s7], [sflag:s8] =	dma.local @!p0 [hbm:s6], $0xF7A  }
0x23: {  	s9 =	sor.u32 $0xD0000000, s2;
	s6 =	simm.s32 $0x108;
	_ =	swait.ge @!p0 [sflag:s8], $0x0  }
0x24: {  	s3 =	sadd.s32 $0x88, s3;
	s6 =	simm.s32 @!p1 $0x1082;
	[sflag:s4] =	ssyncset.s32 $0xFFFFF086  }
0x25: {  	[simem:s6], [sflag:s4] =	dma.local [hbm:s3], $0xF7A  }
0x26: {  	[smem:$0x3F9B] =	sst s1;
	(tag) =	ssettag s2;
	_ =	strace s9  }
0x27: {  	s1 =	sld [smem:$0x3FAB]  }
0x28: {  	s2 =	sld [smem:$0x3FAC]  }
0x29: {  	s4 =	sld [smem:$0x3FAE]  }
0x2a: {  	p0 =	seq.s32 s5, $0x0;
	s5 =	sld [smem:$0x3FAF]  }
0x2b: {  	s6 =	sld [smem:$0x3FB0]  }
0x2c: {  	s7 =	sld [smem:$0x3FB1]  }
0x2d: {  	s3 =	simm.s32 $0x108;
	s8 =	sld [smem:$0x3FB2]  }
0x2e: {  	s3 =	simm.s32 @!p0 $0x1082;
	s9 =	sld [smem:$0x3FB3]  }
0x2f: {  	lr =	sadd.s32 s0, s3;
	s0 =	sld [smem:$0x3FAA]  }
0x30: {  	s3 =	sld [smem:$0x3FAD]  }
0x31: {  	[smem:$0x3FB6] =	sst s10  }
0x32: {  	s10 =	sld [smem:$0x3FB4];
	_ =	sdelay $0x3  }
0x33: {  	p0 =	seq.s32 s10, $0x1;
	s10 =	sld [smem:$0x3FB6];
	_ =	sdelay $0x3  }
0x34: {  	[smem:$0x3FB6] =	sst s10  }
0x35: {  	s10 =	sld [smem:$0x3FB5];
	_ =	sdelay $0x3  }
0x36: {  	p1 =	seq.s32 s10, $0x1;
	s10 =	sld [smem:$0x3FB6];
	_ =	sdelay $0x3  }
0x37: {  	[smem:$0x3FB6] =	sst s10  }
0x38: {  	s10 =	sld [smem:$0x3FB7]  }
0x39: {  	_ = 	snop;
	(pc) =	sbr.ind lr, $3  }
0x3a: {  	_ = 	snop  }
0x3b: {  	_ = 	snop  }
0x3c: {  	p2 =	seq.s32 s10, $0x1;
	s10 =	sld [smem:$0x3FB6]  }
0x3d: {  	_ =	shalt  }
0x3e: {  	_ =	shalt  }
0x3f: {  	_ =	shalt  }
0x40: {  	_ =	shalt  }
0x41: {  	_ =	shalt  }
0x42: {  	_ =	shalt  }
0x43: {  	_ =	shalt  }
0x44: {  	_ =	shalt  }
0x45: {  	_ =	shalt  }
0x46: {  	_ =	shalt  }
0x47: {  	_ =	shalt  }
0x48: {  	_ =	shalt  }
0x49: {  	_ =	shalt  }
0x4a: {  	_ =	shalt  }
0x4b: {  	_ =	shalt  }
0x4c: {  	_ =	shalt  }
0x4d: {  	_ =	shalt  }
0x4e: {  	_ =	shalt  }
0x4f: {  	_ =	shalt  }
0x50: {  	_ =	shalt  }
0x51: {  	_ =	shalt  }
0x52: {  	_ =	shalt  }
0x53: {  	_ =	shalt  }
0x54: {  	_ =	shalt  }
0x55: {  	_ =	shalt  }
0x56: {  	_ =	shalt  }
0x57: {  	_ =	shalt  }
0x58: {  	_ =	shalt  }
0x59: {  	_ =	shalt  }
0x5a: {  	_ =	shalt  }
0x5b: {  	_ =	shalt  }
0x5c: {  	_ =	shalt  }
0x5d: {  	_ =	shalt  }
0x5e: {  	_ =	shalt  }
0x5f: {  	_ =	shalt  }
0x60: {  	_ =	shalt  }
0x61: {  	_ =	shalt  }
0x62: {  	_ =	shalt  }
0x63: {  	_ =	shalt  }
0x64: {  	_ =	shalt  }
0x65: {  	_ =	shalt  }
0x66: {  	_ =	shalt  }
0x67: {  	_ =	shalt  }
0x68: {  	_ =	shalt  }
0x69: {  	_ =	shalt  }
0x6a: {  	_ =	shalt  }
0x6b: {  	_ =	shalt  }
0x6c: {  	_ =	shalt  }
0x6d: {  	_ =	shalt  }
0x6e: {  	_ =	shalt  }
0x6f: {  	_ =	shalt  }
0x70: {  	_ =	shalt  }
0x71: {  	_ =	shalt  }
0x72: {  	_ =	shalt  }
0x73: {  	_ =	shalt  }
0x74: {  	_ =	shalt  }
0x75: {  	_ =	shalt  }
0x76: {  	_ =	shalt  }
0x77: {  	_ =	shalt  }
0x78: {  	_ =	shalt  }
0x79: {  	_ =	shalt  }
0x7a: {  	_ =	shalt  }
0x7b: {  	_ =	shalt  }
0x7c: {  	_ =	shalt  }
0x7d: {  	_ =	shalt  }
0x7e: {  	_ =	shalt  }
0x7f: {  	_ =	shalt  }
0x80: {  	_ =	shalt  }
0x81: {  	_ =	shalt  }
0x82: {  	_ =	shalt  }
0x83: {  	_ =	shalt  }
0x84: {  	_ =	shalt  }
0x85: {  	_ =	shalt  }
0x86: {  	_ =	shalt  }
0x87: {  	_ =	shalt  }
.Lfunc_end0:
.L_simem_size_0:
called_computation_lowered:
.L_overlay_start_0:
0x88: {  	s2 =	sld [smem:$0x3FD9]  }
0x89: {  	s3 =	sld [smem:$0x3FFE];
	_ =	sdelay $0x1  }
0x8a: {  	s1 =	srdreg.scid  }
0x8b: {  	s0 =	sand.u32 $0x1, s1  }
0x8c: {  	s17 =	sshll.u32 s0, $0xA;
	s2 =	sadd.s32 s3, s2  }
0x8d: {  	s2 =	sadd.s32 s2, s17  }
0x8e: {  	[smem:$0x3FC2] =	sst s2  }
0x8f: {  	_ = 	snop  }
0x90: {  	s2 =	sld [smem:$0x3FD0];
	(tm) =	ssettm $0x1  }
0x91: {  	s18 =	sld [smem:$0x3FFB];
	_ =	sdelay $0x3  }
0x92: {  	_ =	strace s18  }
0x93: {  	s3 =	sld [smem:$0x3FFC];
	_ =	sdelay $0x3  }
0x94: {  	_ =	strace s3  }
0x95: {  	s3 =	sld [smem:$0x3FFD];
	_ =	sdelay $0x3  }
0x96: {  	_ =	strace s3  }
0x97: {  	_ =	strace $0x8FFFFFFF  }
0x98: {  	s19 =	sld [smem:$0x3FDB];
	_ =	sdelay $0x1  }
0x99: {  	s4 =	simm.s32 $_scs_section_size  }
0x9a: {  	s5 =	simm.s32 $_size__tile_overlayer_lowered;
	s6 =	simm.s32 $_tile_overlayer_lowered  }
0x9b: {  	s22 =	simm.s32 $0x1BFF;
	s21 =	sshll.u32 s6, $0x1;
	s3 =	sadd.s32 s4, s19  }
0x9c: {  	s7 =	simm.s32 $0x0;
	s20 =	sshll.u32 s5, $0x1;
	s5 =	sadd.s32 s21, s3  }
0x9d: {  	[timem:s7], [sflag:s22] =	dma.local [hbm:s5], s20  }
0x9e: {  	_ =	swait.ge [sflag:s22], s20  }
0x9f: {  	s4 =	ssub.s32 $0x0, s20;
	[sflag:s22] =	ssyncset.done $0x0  }
0xa0: {  	[sflag:s22] =	ssyncadd.s32 s4;
	_ =	sdelay $0x1  }
0xa1: {  	s23 =	simm.s32 $0x1B8B  }
0xa2: {  	_ =	swait.ge [sflag:s23], $0x1  }
0xa3: {  	[sflag:s23] =	ssyncset.done $0x0  }
0xa4: {  	s25 =	simm.s32 $0x1B8E;
	s24 =	sld [smem:$0x3FFE];
	[sflag:s23] =	ssyncadd.s32 $0xFFFFFFFF  }
0xa5: {  	s26 =	simm.s32 $execute0_lowered;
	[smem:$0x3FD2] =	sst s25  }
0xa6: {  	s5 =	sshll.u32 s26, $0x1;
	_ =	strace $0x80000046;
	[dreg:$0x1] =	wrdreg $0xFFFFFFFF  }
0xa7: {  	s28 =	simm.s32 $_size_execute0_lowered;
	s3 =	sadd.s32 s3, s5;
	[dreg:$0x0] =	wrdreg $0x0  }
0xa8: {  	s5 =	sshll.u32 s28, $0x1;
	[dreg:$0x2] =	wrdreg s3  }
0xa9: {  	[dreg:$0x3] =	wrdreg s5  }
0xaa: {  	[dreg:$0x4] =	wrdreg $0xC0  }
0xab: {  	_ =	task [dreg:s7], $0x5FFFF  }
0xac: {  	[dreg:$0x1] =	wrdreg $0xFFFFFFFF  }
0xad: {  	[dreg:$0x0] =	wrdreg $0x60  }
0xae: {  	[dreg:$0x2] =	wrdreg s2  }
0xaf: {  	[dreg:$0x3] =	wrdreg s24  }
0xb0: {  	[dreg:$0x4] =	wrdreg $0x57D00  }
0xb1: {  	[dreg:$0x5] =	wrdreg $0x9  }
0xb2: {  	_ =	task.clear_ibuf [dreg:s7], $0x6FFFF;
	_ =	strace $0x90000046  }
0xb3: {  	s29 =	simm.s32 $0x9;
	_ =	strace $0x80000048  }
0xb4: {  	_ =	swait.ge [sflag:s29], $0x1  }
0xb5: {  	[sflag:s29] =	ssyncadd.s32 $0xFFFFFFFF  }
0xb6: {  	_ =	strace $0x90000048  }
0xb7: {  	_ =	sfence  }
0xb8: {  	s30 =	sld [smem:$0x0];
	_ =	sdelay $0x2  }
0xb9: {  	s31 =	sshll.u32 s1, $0xD;
	s1 =	sshrl.u32 s1, $0x2  }
0xba: {  	s3 =	sand.u32 $0x4000, s31;
	s1 =	sadd.s32 s1, s30  }
0xbb: {  	s0 =	sor.u32 s3, s0;
	s1 =	sshll.u32 s1, $0x11  }
0xbc: {  	s0 =	sor.u32 s1, s0  }
0xbd: {  	s0 =	sadd.s32 $0x8F2B, s0  }
0xbe: {  	[sflag:s0] =	ssyncadd.remote.s32 $0x1  }
0xbf: {  	_ =	sfence.sel $0xFFFF  }
0xc0: {  	[dreg:$0x0] =	wrdreg $0xFFFFFFFF;
	(pc) =	sbr.abs _section_cstart, $3  }
0xc1: {  	[dreg:$0x1] =	wrdreg $0xFFFFFFFF  }
0xc2: {  	_ =	task.clear_ibuf [dreg:s7], $0x2FFFF;
	_ =	strace $0x9FFFFFFF  }
0xc3: {  	(tm) =	ssettm $0x7FFFFFFF  }
tec
execute0_lowered:
.L_overlay_start_1:
0x0: {  	(tag) =	ssettag $0x1  }
0x1: {  	s5 =	rddreg [dreg:$0x0]  }
0x2: {  	s4 =	rddreg [dreg:$0x1]  }
0x3: {  	s1 =	rddreg [dreg:$0x2]  }
0x4: {  	s2 =	srdreg.scid;
	s0 =	rddreg [dreg:$0x3];
	s3 =	simm.s32 $0x0  }
0x5: {  	s10 =	simm.s32 $0x2800;
	s6 =	sand.u32 $0x1, s2;
	s2 =	stileid.u32  }
0x6: {  	s11 =	simm.s32 $0x1;
	[smem:$0x7FF] =	sst s3;
	s7 =	smul.u32 $0x5000, s6  }
0x7: {  	s8 =	sshll.u32 s6, $0x4;
	s9 =	smul.u32 $0x2800, s2;
	s6 =	ssub.s32 $0x2, s6  }
0x8: {  	_ =	strace $0x80000047;
	s14 =	sshll.u32 s2, $0x6;
	s8 =	sor.u32 s2, s8  }
0x9: {  	s31 =	sshrl.u32 s6, $0x1;
	s8 =	smul.u32 $0x500, s8;
	s7 =	sadd.s32 s7, s4  }
0xa: {  	s6 =	ssub.s32 s6, s31;
	s4 =	sadd.s32 s9, s1;
	s13 =	sshrl.u32 s9, $0x3  }
0xb: {  	s9 =	simm.s32 $0x7D;
	s12 =	sadd.s32 $0x2C00, s7;
	s6 =	smax.u32 s6, $0x1  }
0xc: {  	s7 =	simm.s32 $0x2FD0;
	s5 =	sadd.s32 s5, s8;
	s8 =	simm.s32 $0x2  }
0xd: {  	v0 =	vimm.f32 $1.000000000e+00;
	v1 =	vimm.f32 $0.0e+00;
	s12 =	sadd.s32 s13, s12;
	s13 =	sor.u32 $0x1C02, s14;
	s14 =	sshrl.u32 s4, $0x3  }
.LBB2_1:
0xe: {  	s15 =	simm.s32 $0x0  }
.LBB2_2:
0xf: {  	p0 =	sne.s32 s15, $0x1F00  }
.Ltmp0:
0x10: {  	_ = 	snop;
	(pc) =	sbr.rel @p0 .LBB2_2-.Ltmp0, $3  }
0x11: {  	_ =	sdelay $0x1  }
0x12: {  	s16 =	sshra.s32 s15, $0x2  }
0x13: {  	s15 =	sadd.s32 $0x40, s15;
	[tilespmem:s16+$0x2800] =	vst v0  }
0x14: {  	s15 =	simm.s32 $0x40;
	s16 =	simm.s32 $0x0  }
.LBB2_4:
0x15: {  	p0 =	sne.s32 s15, $0x9FC0;
	[tilespmem:s16+$0x2FD0] =	vst v1;
	s16 =	smov.u32 s15;
	s15 =	sadd.s32 $0x40, s15  }
.Ltmp1:
0x16: {  	(pc) =	sbr.rel @p0 .LBB2_4-.Ltmp1, $2  }
0x17: {  	_ =	sdelay $0x2  }
0x18: {  	s16 =	sshra.s32 s16, $0x2  }
0x19: {  	[tilespmem:s16+$0x2FD0] =	vst v1  }
0x1a: {  	[spmem:s4] =	stream.linear.scatter [tilespmem:s7], [sflag:$0x2], $0x2800, $0x38;
	[tilespmem:$0x7FD0] =	vst v63  }
0x1b: {  	_ =	swait.ge [sflag:s8], $0x2800  }
0x1c: {  	[sflag:s8] =	ssyncset.done $0x0  }
0x1d: {  	[sflag:s8] =	ssyncadd.s32 $0xFFFFD800  }
0x1e: {  	s15 =	simm.s32 $0x0;
	[bflag:$0x0] =	sbarrier.arrive $0xFFFF  }
0x1f: {  	[tilespmem:s15], [sflag:$0x2] =	stream.linear.gather [hbm4b:s5+s15], $0x2800, $0x38;
	[tilespmem:$0x7FD0] =	vst v63  }
0x20: {  	_ =	swait.ge [sflag:s8], $0x2800  }
0x21: {  	[sflag:s8] =	ssyncset.done $0x0  }
0x22: {  	[sflag:s8] =	ssyncadd.s32 $0xFFFFD800  }
.LBB2_6:
0x23: {  	p0 =	sne.s32 s15, $0x9E00  }
.Ltmp2:
0x24: {  	_ = 	snop;
	(pc) =	sbr.rel @p0 .LBB2_6-.Ltmp2, $3  }
0x25: {  	_ =	sdelay $0x1  }
0x26: {  	s16 =	sshra.s32 s15, $0x2;
	s15 =	sadd.s32 $0x200, s15  }
0x27: {  	[spmem:s1] =	stream.indirect.scatter.add.f32 [tilespmem:s10], [sflag:$0x1], $0x10, s16, s9, $0xb8;
	[tilespmem:$0x7FD0] =	vst v63  }
0x28: {  	_ =	swait.ge [sflag:s11], $0x7D0  }
0x29: {  	s15 =	simm.s32 $0x4F;
	[sflag:s11] =	ssyncset.done $0x0  }
.LBB2_8:
0x2a: {  	p0 =	sne.s32 s15, $0x1;
	s15 =	sadd.s32 $0xFFFFFFFF, s15;
	[sflag:s11] =	ssyncadd.s32 $0xFFFFF830  }
.Ltmp3:
0x2b: {  	(pc) =	sbr.rel @p0 .LBB2_8-.Ltmp3, $3  }
0x2c: {  	_ =	sdelay $0x1  }
0x2d: {  	_ =	swait.ge [sflag:s11], $0x7D0  }
0x2e: {  	[sflag:s11] =	ssyncset.done $0x0  }
0x2f: {  	s3 =	sadd.s32 $0x1, s3  }
0x30: {  	[sflag:s11] =	ssyncadd.s32 $0xFFFFF830;
	p0 =	sne.s32 s3, s6  }
.Ltmp4:
0x31: {  	[bflag:$0x0] =	sbarrier.arrive $0xFFFF;
	(pc) =	sbr.rel @p0 .LBB2_1-.Ltmp4, $4  }
0x32: {  	[hbm:s12], [sflag:s13] =	dma.local [spmem:s14], $0x500  }
0x33: {  	_ =	swait.ge [sflag:s8], $0x500  }
0x34: {  	[sflag:s8] =	ssyncset.done $0x0  }
0x35: {  	[sflag:s8] =	ssyncadd.s32 $0xFFFFFB00  }
0x36: {  	_ =	sfence.sel $0x180000  }
0x37: {  	[bflag:$0x0] =	sbarrier.arrive $0xFFFF  }
0x38: {  	p0 =	sne.s32 s2, $0x0;
	_ =	strace $0x90000047  }
0x39: {  	s0 =	sadd.s32 @!p0 $0x100000, s0;
	[bflag:$0x2] =	sbarrier.arrive $0xFFFF  }
0x3a: {  	[sflag:s0] =	ssyncadd.tile.s32 @!p0 $0x1;
	_ =	shalt  }
.Lfunc_end2:
_tile_overlayer_lowered:
.L_overlay_start_2:
0x3b: {  	(tag) =	ssettag $0x2  }
0x3c: {  	s0 =	rddreg [dreg:$0x0];
	s2 =	stileid.u32  }
0x3d: {  	s1 =	rddreg [dreg:$0x1];
	p0 =	sne.s32 s2, $0x0  }
0x3e: {  	s3 =	rddreg [dreg:$0x2];
	[bflag:$0x3] =	sbarrier.arrive $0xFFFF;
	s2 =	simm.s32 @!p0 $0x1C02  }
0x3f: {  	[timem:s3], [sflag:s2] =	dma.local @!p0 [hbm:s0], s1  }
0x40: {  	s0 =	simm.s32 @!p0 $0x2  }
0x41: {  	_ =	swait.ge @!p0 [sflag:s0], s1  }
0x42: {  	s1 =	ssub.s32 @!p0 $0x0, s1;
	[sflag:s0] =	ssyncset.done @!p0 $0x0  }
0x43: {  	[sflag:s0] =	ssyncadd.s32 @!p0 s1  }
0x44: {  	[bflag:$0x3] =	sbarrier.arrive $0xFFFF  }
0x45: {  	_ =	shalt  }

</sc_bundles>
